<compile_context>
chip_gen: v7x
topology: tpu7x:2x2x1
jax: 0.10.2.dev20260603
libtpu: 0.0.44.dev20260713+nightly
codegen_flags: <defaults>
</compile_context>

<pallas_src>
import functools

import jax
import jax.numpy as jnp
from jax import lax
from jax.experimental import pallas as pl
from jax.experimental.pallas import tpu as pltpu
from jax.experimental.pallas import tpu_sc as plsc

N = 10000
NP = 10240
E = 320000
D = 128
DH = 64
CH = 128
NSC = 2
NSUB = 16
EP = 327680
CPT = EP // NSUB // CH
CPT_DEG = EP // (NSC * NSUB) // CH
NBUF = 5
ROWS_PT = NP // NSUB

_mesh = plsc.VectorSubcoreMesh(core_axis_name="c", subcore_axis_name="s")


@functools.partial(
    pl.kernel,
    mesh=_mesh,
    out_type=jax.ShapeDtypeStruct((NSC, NP, 16), jnp.float32),
    scratch_types=[
        pltpu.VMEM((CPT_DEG, CH), jnp.int32),
        pltpu.VMEM((CH, 16), jnp.float32),
        pltpu.VMEM_SHARED((NP, 16), jnp.float32),
        pltpu.SemaphoreType.DMA,
    ],
    compiler_params=pltpu.CompilerParams(use_tc_tiling_on_sc=False),
)
def _deg_kernel(dst_hbm, ones_hbm, zeros_hbm, out_hbm, idx_v, ones_v, acc_sh, sem):
    c = lax.axis_index("c")
    s = lax.axis_index("s")
    w = c * NSUB + s
    base = s * ROWS_PT
    pltpu.sync_copy(dst_hbm.at[w], idx_v)
    pltpu.sync_copy(ones_hbm, ones_v)
    pltpu.sync_copy(zeros_hbm.at[pl.ds(base, ROWS_PT)], acc_sh.at[pl.ds(base, ROWS_PT)])
    plsc.subcore_barrier()

    k = CPT_DEG // 4

    @pl.loop(0, 4)
    def _(p):
        @pl.loop(0, k)
        def _(j):
            pltpu.async_copy(ones_v, acc_sh.at[idx_v.at[p * k + j]], sem, add=True)

        @pl.loop(0, k)
        def _(j):
            pltpu.make_async_copy(ones_v, acc_sh.at[idx_v.at[p * k + j]], sem).wait()

    plsc.subcore_barrier()
    pltpu.sync_copy(acc_sh.at[pl.ds(base, ROWS_PT)], out_hbm.at[c, pl.ds(base, ROWS_PT)])


@functools.partial(
    pl.kernel,
    mesh=_mesh,
    out_type=jax.ShapeDtypeStruct((NSC, NP, DH), jnp.float32),
    scratch_types=[
        pltpu.VMEM((CPT, CH), jnp.int32),
        pltpu.VMEM((CPT, CH), jnp.int32),
    ]
    + [pltpu.VMEM((CH, DH), jnp.float32)] * NBUF
    + [pltpu.VMEM_SHARED((NP, DH), jnp.float32)]
    + [pltpu.SemaphoreType.DMA] * (2 * NBUF),
    compiler_params=pltpu.CompilerParams(use_tc_tiling_on_sc=False),
)
def _scatter_kernel(hs_hbm, src_hbm, dst_hbm, out_hbm, idx_s, idx_d,
                    b0, b1, b2, b3, b4, acc_sh, s0, s1, s2, s3, s4,
                    t0, t1, t2, t3, t4):
    c = lax.axis_index("c")
    s = lax.axis_index("s")
    base = s * ROWS_PT
    pltpu.sync_copy(src_hbm.at[s], idx_s)
    pltpu.sync_copy(dst_hbm.at[s], idx_d)
    pltpu.sync_copy(hs_hbm.at[c, pl.ds(base, ROWS_PT)],
                    acc_sh.at[pl.ds(base, ROWS_PT)])
    plsc.subcore_barrier()

    bufs = (b0, b1, b2, b3, b4)
    gsem = (s0, s1, s2, s3, s4)
    ssem = (t0, t1, t2, t3, t4)
    tbl = hs_hbm.at[c]

    for k in range(NBUF - 1):
        pltpu.async_copy(tbl.at[idx_s.at[k]], bufs[k], gsem[k])

    @pl.loop(0, CPT // NBUF)
    def _(i):
        j = i * NBUF
        for k in range(NBUF):
            nxt = j + k + NBUF - 1
            b = (k + NBUF - 1) % NBUF

            @pl.when(nxt < CPT)
            def _():
                @pl.when(nxt >= NBUF)
                def _():
                    pltpu.make_async_copy(bufs[b], acc_sh.at[idx_d.at[nxt]],
                                          ssem[b]).wait()

                pltpu.async_copy(tbl.at[idx_s.at[nxt]], bufs[b], gsem[b])

            pltpu.make_async_copy(tbl.at[idx_s.at[j + k]], bufs[k], gsem[k]).wait()
            pltpu.async_copy(bufs[k], acc_sh.at[idx_d.at[j + k]], ssem[k], add=True)

    for k in range(NBUF):
        pltpu.make_async_copy(bufs[k], acc_sh.at[idx_d.at[k]], ssem[k]).wait()

    plsc.subcore_barrier()
    pltpu.sync_copy(acc_sh.at[pl.ds(base, ROWS_PT)],
                    out_hbm.at[c, pl.ds(base, ROWS_PT)])


def _dis(deg_arr):
    deg = deg_arr[0, :, 0] + deg_arr[1, :, 0] + 1.0
    return lax.rsqrt(deg)


def _split_store(out_ref, h):
    out_ref[0, :, :] = h[:, :DH]
    out_ref[1, :, :] = h[:, DH:]


def _unsplit(acc_ref):
    return jnp.concatenate([acc_ref[0, :, :], acc_ref[1, :, :]], axis=1)


def _tc1_body(x_ref, w_ref, deg_ref, out_ref):
    d = _dis(deg_ref[...])
    h = jnp.dot(x_ref[...], w_ref[...], preferred_element_type=jnp.float32)
    _split_store(out_ref, h * d[:, None])


def _tc2_body(s1_ref, deg_ref, b_ref, w_ref, out_ref):
    d = _dis(deg_ref[...])
    h = jnp.maximum(_unsplit(s1_ref) * d[:, None] + b_ref[...], 0.0)
    h = jnp.dot(h, w_ref[...], preferred_element_type=jnp.float32) * d[:, None]
    _split_store(out_ref, h)


def _tc3_body(s2_ref, deg_ref, b_ref, wr_ref, br_ref, out_ref):
    d = _dis(deg_ref[...])
    h = jnp.maximum(_unsplit(s2_ref) * d[:, None] + b_ref[...], 0.0)
    out_ref[...] = jnp.dot(h, wr_ref[...], preferred_element_type=jnp.float32) + br_ref[...]


_split_shape = jax.ShapeDtypeStruct((NSC, NP, DH), jnp.float32)
_tc1 = pl.pallas_call(_tc1_body, out_shape=_split_shape)
_tc2 = pl.pallas_call(_tc2_body, out_shape=_split_shape)
_tc3 = pl.pallas_call(_tc3_body, out_shape=jax.ShapeDtypeStruct((NP, 1), jnp.float32))


def kernel(x, edge_index, W1, b1, W2, b2, Wr, br):
    src = edge_index[0].astype(jnp.int32)
    dst = edge_index[1].astype(jnp.int32)
    pad = EP - E
    sentinel = jnp.full((pad,), N, jnp.int32)
    src_p = jnp.concatenate([src, sentinel])
    dst_p = jnp.concatenate([dst, sentinel])
    src16 = src_p.reshape(NSUB, CPT, CH)
    dst16 = dst_p.reshape(NSUB, CPT, CH)
    dst32 = dst_p.reshape(NSC * NSUB, CPT_DEG, CH)
    xp = jnp.pad(x, ((0, NP - N), (0, 0)))
    ones16 = jnp.ones((CH, 16), jnp.float32)
    zeros_np = jnp.zeros((NP, 16), jnp.float32)

    deg_a = _deg_kernel(dst32, ones16, zeros_np)
    hs1 = _tc1(xp, W1, deg_a)
    acc1 = _scatter_kernel(hs1, src16, dst16)
    hs2 = _tc2(acc1, deg_a, b1.reshape(1, D), W2)
    acc2 = _scatter_kernel(hs2, src16, dst16)
    y = _tc3(acc2, deg_a, b2.reshape(1, D), Wr, br.reshape(1, 1))
    return y[:N]

# --- scband reference (transcript-rebuilt; emitter-appended) ---
"""Pipeline reference for scband-gcn-85676007621063 (READ-ONLY COPY).

The authoritative reference and input builder live on the scoring server;
editing this copy changes nothing except your own understanding.
"""

import jax, jax.numpy as jnp
import numpy as np

N_NODES = 10000
N_EDGES = 320000
D_IN = 128
D_HID = 128


def setup_inputs(seed: int = 0) -> dict:
    key = jax.random.key(seed)
    k_x, k_e, k_w1, k_b1, k_w2, k_b2, k_wr, k_br = jax.random.split(key, 8)
    x = jax.random.normal(k_x, (N_NODES, D_IN), dtype=jnp.float32)
    edge_index = jax.random.randint(k_e, (2, N_EDGES), 0, N_NODES, dtype=jnp.int64)
    s1 = 1.0 / np.sqrt(D_IN)
    s2 = 1.0 / np.sqrt(D_HID)
    W1 = jax.random.uniform(k_w1, (D_IN, D_HID), jnp.float32, -s1, s1)
    b1 = jax.random.uniform(k_b1, (D_HID,), jnp.float32, -s1, s1)
    W2 = jax.random.uniform(k_w2, (D_HID, D_HID), jnp.float32, -s2, s2)
    b2 = jax.random.uniform(k_b2, (D_HID,), jnp.float32, -s2, s2)
    Wr = jax.random.uniform(k_wr, (D_HID, 1), jnp.float32, -s2, s2)
    br = jax.random.uniform(k_br, (1,), jnp.float32, -s2, s2)
    return {"x": x, "edge_index": edge_index, "W1": W1, "b1": b1, "W2": W2, "b2": b2, "Wr": Wr, "br": br}


def gcn_conv(x, src, dst, norm, W, b, num_nodes):
    h = x @ W
    msg = h[src] * norm[:, None]
    out = jax.ops.segment_sum(msg, dst, num_segments=num_nodes)
    return out + b


def reference(x, edge_index, W1, b1, W2, b2, Wr, br):
    num_nodes = x.shape[0]
    # add self loops (GCNConv default)
    loop = jnp.arange(num_nodes, dtype=edge_index.dtype)
    src = jnp.concatenate([edge_index[0], loop])
    dst = jnp.concatenate([edge_index[1], loop])
    # symmetric normalization D^{-1/2} (A+I) D^{-1/2}
    deg = jax.ops.segment_sum(jnp.ones_like(dst, dtype=x.dtype), dst, num_segments=num_nodes)
    deg_inv_sqrt = jnp.where(deg > 0, jax.lax.rsqrt(jnp.maximum(deg, 1e-12)), 0.0)
    norm = deg_inv_sqrt[src] * deg_inv_sqrt[dst]
    h = gcn_conv(x, src, dst, norm, W1, b1, num_nodes)
    h = jax.nn.relu(h)
    # dropout is identity in eval mode
    h = gcn_conv(h, src, dst, norm, W2, b2, num_nodes)
    h = jax.nn.relu(h)
    out = h @ Wr + br
    return out

if __name__ == "__main__":
    import jax
    _d = setup_inputs()
    print(jax.jit(kernel)(*tuple(_d.values())))

</pallas_src>

<mosaic_0001>
#map = affine_map<(d0, d1) -> (0, 0, 0)>
module attributes {stable_mosaic.version = 14 : i64} {
  func.func @_scatter_kernel(%arg0: i32, %arg1: i32, %arg2: memref<2x10240x64xf32, #tpu.memory_space<hbm>>, %arg3: memref<16x160x128xi32, #tpu.memory_space<hbm>>, %arg4: memref<16x160x128xi32, #tpu.memory_space<hbm>>, %arg5: memref<2x10240x64xf32, #tpu.memory_space<hbm>>, %arg6: memref<160x128xi32, #tpu.memory_space<vmem>>, %arg7: memref<160x128xi32, #tpu.memory_space<vmem>>, %arg8: memref<128x64xf32, #tpu.memory_space<vmem>>, %arg9: memref<128x64xf32, #tpu.memory_space<vmem>>, %arg10: memref<128x64xf32, #tpu.memory_space<vmem>>, %arg11: memref<128x64xf32, #tpu.memory_space<vmem>>, %arg12: memref<128x64xf32, #tpu.memory_space<vmem>>, %arg13: memref<10240x64xf32, #tpu.memory_space<vmem_shared>>, %arg14: memref<!tpu.dma_semaphore, #tpu.memory_space<semaphore_mem>>, %arg15: memref<!tpu.dma_semaphore, #tpu.memory_space<semaphore_mem>>, %arg16: memref<!tpu.dma_semaphore, #tpu.memory_space<semaphore_mem>>, %arg17: memref<!tpu.dma_semaphore, #tpu.memory_space<semaphore_mem>>, %arg18: memref<!tpu.dma_semaphore, #tpu.memory_space<semaphore_mem>>, %arg19: memref<!tpu.dma_semaphore, #tpu.memory_space<semaphore_mem>>, %arg20: memref<!tpu.dma_semaphore, #tpu.memory_space<semaphore_mem>>, %arg21: memref<!tpu.dma_semaphore, #tpu.memory_space<semaphore_mem>>, %arg22: memref<!tpu.dma_semaphore, #tpu.memory_space<semaphore_mem>>, %arg23: memref<!tpu.dma_semaphore, #tpu.memory_space<semaphore_mem>>) attributes {dimension_semantics = [#tpu.dimension_semantics<core_parallel>, #tpu.dimension_semantics<subcore_parallel>], iteration_bounds = array<i64: 2, 16>, scalar_prefetch = 0 : i64, scratch_operands = 18 : i64, tpu.core_type = #tpu.core_type<sc_vector_subcore>, window_params = [{transform_indices = #map}, {transform_indices = #map}, {transform_indices = #map}, {transform_indices = #map}]} {
    %mul3A = arith.constant 640 : i32
    %mul3A_0 = arith.muli %arg1, %mul3A : i32
    "tpu.region"() ({
      %run_scoped3A = tpu.sem_alloc : memref<!tpu.dma_semaphore, #tpu.memory_space<semaphore_mem>>
      %dma_start3A_83 = arith.constant 0 : i32
      %dma_start3A_84 = arith.constant 0 : i32
      %dma_start3A_85 = tpu.memref_slice %arg3[%arg1, %dma_start3A_83, %dma_start3A_84] : memref<16x160x128xi32, #tpu.memory_space<hbm>> -> memref<1x160x128xi32, #tpu.memory_space<hbm>>
      %dma_start3A_86 = tpu.memref_squeeze %dma_start3A_85 : memref<1x160x128xi32, #tpu.memory_space<hbm>> -> memref<160x128xi32, #tpu.memory_space<hbm>>
      %dma_start3A_87 = arith.constant 0 : i32
      %dma_start3A_88 = arith.constant 0 : i32
      %dma_start3A_89 = tpu.memref_slice %arg3[%arg1, %dma_start3A_87, %dma_start3A_88] : memref<16x160x128xi32, #tpu.memory_space<hbm>> -> memref<1x160x128xi32, #tpu.memory_space<hbm>>
      %dma_start3A_90 = tpu.memref_squeeze %dma_start3A_89 : memref<1x160x128xi32, #tpu.memory_space<hbm>> -> memref<160x128xi32, #tpu.memory_space<hbm>>
      tpu.enqueue_dma source(%dma_start3A_90 : memref<160x128xi32, #tpu.memory_space<hbm>>) target(%arg6 : memref<160x128xi32, #tpu.memory_space<vmem>>) target_semaphore(%run_scoped3A : memref<!tpu.dma_semaphore, #tpu.memory_space<semaphore_mem>>)
      %dma_wait3A_91 = arith.constant 0 : i32
      %dma_wait3A_92 = arith.constant 0 : i32
      %dma_wait3A_93 = tpu.memref_slice %arg3[%arg1, %dma_wait3A_91, %dma_wait3A_92] : memref<16x160x128xi32, #tpu.memory_space<hbm>> -> memref<1x160x128xi32, #tpu.memory_space<hbm>>
      %dma_wait3A_94 = tpu.memref_squeeze %dma_wait3A_93 : memref<1x160x128xi32, #tpu.memory_space<hbm>> -> memref<160x128xi32, #tpu.memory_space<hbm>>
      %dma_wait3A_95 = arith.constant 0 : i32
      %dma_wait3A_96 = arith.constant 0 : i32
      %dma_wait3A_97 = tpu.memref_slice %arg3[%arg1, %dma_wait3A_95, %dma_wait3A_96] : memref<16x160x128xi32, #tpu.memory_space<hbm>> -> memref<1x160x128xi32, #tpu.memory_space<hbm>>
      %dma_wait3A_98 = tpu.memref_squeeze %dma_wait3A_97 : memref<1x160x128xi32, #tpu.memory_space<hbm>> -> memref<160x128xi32, #tpu.memory_space<hbm>>
      tpu.wait_dma2 semaphore(%run_scoped3A : memref<!tpu.dma_semaphore, #tpu.memory_space<semaphore_mem>>) src(%dma_wait3A_98 : memref<160x128xi32, #tpu.memory_space<hbm>>) dst(%arg6 : memref<160x128xi32, #tpu.memory_space<vmem>>)
      tpu.yield
    }) : () -> ()
    "tpu.region"() ({
      %run_scoped3A = tpu.sem_alloc : memref<!tpu.dma_semaphore, #tpu.memory_space<semaphore_mem>>
      %dma_start3A_83 = arith.constant 0 : i32
      %dma_start3A_84 = arith.constant 0 : i32
      %dma_start3A_85 = tpu.memref_slice %arg4[%arg1, %dma_start3A_83, %dma_start3A_84] : memref<16x160x128xi32, #tpu.memory_space<hbm>> -> memref<1x160x128xi32, #tpu.memory_space<hbm>>
      %dma_start3A_86 = tpu.memref_squeeze %dma_start3A_85 : memref<1x160x128xi32, #tpu.memory_space<hbm>> -> memref<160x128xi32, #tpu.memory_space<hbm>>
      %dma_start3A_87 = arith.constant 0 : i32
      %dma_start3A_88 = arith.constant 0 : i32
      %dma_start3A_89 = tpu.memref_slice %arg4[%arg1, %dma_start3A_87, %dma_start3A_88] : memref<16x160x128xi32, #tpu.memory_space<hbm>> -> memref<1x160x128xi32, #tpu.memory_space<hbm>>
      %dma_start3A_90 = tpu.memref_squeeze %dma_start3A_89 : memref<1x160x128xi32, #tpu.memory_space<hbm>> -> memref<160x128xi32, #tpu.memory_space<hbm>>
      tpu.enqueue_dma source(%dma_start3A_90 : memref<160x128xi32, #tpu.memory_space<hbm>>) target(%arg7 : memref<160x128xi32, #tpu.memory_space<vmem>>) target_semaphore(%run_scoped3A : memref<!tpu.dma_semaphore, #tpu.memory_space<semaphore_mem>>)
      %dma_wait3A_91 = arith.constant 0 : i32
      %dma_wait3A_92 = arith.constant 0 : i32
      %dma_wait3A_93 = tpu.memref_slice %arg4[%arg1, %dma_wait3A_91, %dma_wait3A_92] : memref<16x160x128xi32, #tpu.memory_space<hbm>> -> memref<1x160x128xi32, #tpu.memory_space<hbm>>
      %dma_wait3A_94 = tpu.memref_squeeze %dma_wait3A_93 : memref<1x160x128xi32, #tpu.memory_space<hbm>> -> memref<160x128xi32, #tpu.memory_space<hbm>>
      %dma_wait3A_95 = arith.constant 0 : i32
      %dma_wait3A_96 = arith.constant 0 : i32
      %dma_wait3A_97 = tpu.memref_slice %arg4[%arg1, %dma_wait3A_95, %dma_wait3A_96] : memref<16x160x128xi32, #tpu.memory_space<hbm>> -> memref<1x160x128xi32, #tpu.memory_space<hbm>>
      %dma_wait3A_98 = tpu.memref_squeeze %dma_wait3A_97 : memref<1x160x128xi32, #tpu.memory_space<hbm>> -> memref<160x128xi32, #tpu.memory_space<hbm>>
      tpu.wait_dma2 semaphore(%run_scoped3A : memref<!tpu.dma_semaphore, #tpu.memory_space<semaphore_mem>>) src(%dma_wait3A_98 : memref<160x128xi32, #tpu.memory_space<hbm>>) dst(%arg7 : memref<160x128xi32, #tpu.memory_space<vmem>>)
      tpu.yield
    }) : () -> ()
    "tpu.region"() ({
      %run_scoped3A = tpu.sem_alloc : memref<!tpu.dma_semaphore, #tpu.memory_space<semaphore_mem>>
      %dma_start3A_83 = arith.constant 0 : i32
      %dma_start3A_84 = tpu.memref_slice %arg13[%mul3A_0, %dma_start3A_83] : memref<10240x64xf32, #tpu.memory_space<vmem_shared>> -> memref<640x64xf32, #tpu.memory_space<vmem_shared>>
      %dma_start3A_85 = arith.constant 0 : i32
      %dma_start3A_86 = tpu.memref_slice %arg2[%arg0, %mul3A_0, %dma_start3A_85] : memref<2x10240x64xf32, #tpu.memory_space<hbm>> -> memref<1x640x64xf32, #tpu.memory_space<hbm>>
      %dma_start3A_87 = tpu.memref_squeeze %dma_start3A_86 : memref<1x640x64xf32, #tpu.memory_space<hbm>> -> memref<640x64xf32, #tpu.memory_space<hbm>>
      tpu.enqueue_dma source(%dma_start3A_87 : memref<640x64xf32, #tpu.memory_space<hbm>>) target(%dma_start3A_84 : memref<640x64xf32, #tpu.memory_space<vmem_shared>>) target_semaphore(%run_scoped3A : memref<!tpu.dma_semaphore, #tpu.memory_space<semaphore_mem>>)
      %dma_wait3A_88 = arith.constant 0 : i32
      %dma_wait3A_89 = tpu.memref_slice %arg13[%mul3A_0, %dma_wait3A_88] : memref<10240x64xf32, #tpu.memory_space<vmem_shared>> -> memref<640x64xf32, #tpu.memory_space<vmem_shared>>
      %dma_wait3A_90 = arith.constant 0 : i32
      %dma_wait3A_91 = tpu.memref_slice %arg2[%arg0, %mul3A_0, %dma_wait3A_90] : memref<2x10240x64xf32, #tpu.memory_space<hbm>> -> memref<1x640x64xf32, #tpu.memory_space<hbm>>
      %dma_wait3A_92 = tpu.memref_squeeze %dma_wait3A_91 : memref<1x640x64xf32, #tpu.memory_space<hbm>> -> memref<640x64xf32, #tpu.memory_space<hbm>>
      tpu.wait_dma2 semaphore(%run_scoped3A : memref<!tpu.dma_semaphore, #tpu.memory_space<semaphore_mem>>) src(%dma_wait3A_92 : memref<640x64xf32, #tpu.memory_space<hbm>>) dst(%dma_wait3A_89 : memref<640x64xf32, #tpu.memory_space<vmem_shared>>)
      tpu.yield
    }) : () -> ()
    %barrier3A = arith.constant 0 : index
    tpu.barrier barrier_id(%barrier3A)
    %dma_start3A = arith.constant 0 : i32
    %dma_start3A_1 = arith.constant 0 : i32
    %dma_start3A_2 = tpu.memref_slice %arg6[%dma_start3A, %dma_start3A_1] : memref<160x128xi32, #tpu.memory_space<vmem>> -> memref<1x128xi32, #tpu.memory_space<vmem>>
    %dma_start3A_3 = tpu.memref_squeeze %dma_start3A_2 : memref<1x128xi32, #tpu.memory_space<vmem>> -> memref<128xi32, #tpu.memory_space<vmem>>
    %dma_start3A_4 = arith.constant 0 : i32
    %dma_start3A_5 = arith.constant 0 : i32
    %dma_start3A_6 = tpu.memref_slice %arg2[%arg0, %dma_start3A_4, %dma_start3A_5] : memref<2x10240x64xf32, #tpu.memory_space<hbm>> -> memref<1x10240x64xf32, #tpu.memory_space<hbm>>
    %dma_start3A_7 = tpu.memref_squeeze %dma_start3A_6 : memref<1x10240x64xf32, #tpu.memory_space<hbm>> -> memref<10240x64xf32, #tpu.memory_space<hbm>>
    %dma_start3A_8 = arith.constant 0 : i32
    %dma_start3A_9 = arith.constant 0 : i32
    %dma_start3A_10 = tpu.memref_slice %dma_start3A_7[%dma_start3A_8, %dma_start3A_9] : memref<10240x64xf32, #tpu.memory_space<hbm>> -> memref<10240x64xf32, #tpu.memory_space<hbm>>
    tpu.enqueue_indirect_dma source(%dma_start3A_10 : memref<10240x64xf32, #tpu.memory_space<hbm>>) target(%arg8 : memref<128x64xf32, #tpu.memory_space<vmem>>) offsets(%dma_start3A_3 : memref<128xi32, #tpu.memory_space<vmem>>) semaphore(%arg14 : memref<!tpu.dma_semaphore, #tpu.memory_space<semaphore_mem>>)
    %dma_start3A_11 = arith.constant 1 : i32
    %dma_start3A_12 = arith.constant 0 : i32
    %dma_start3A_13 = tpu.memref_slice %arg6[%dma_start3A_11, %dma_start3A_12] : memref<160x128xi32, #tpu.memory_space<vmem>> -> memref<1x128xi32, #tpu.memory_space<vmem>>
    %dma_start3A_14 = tpu.memref_squeeze %dma_start3A_13 : memref<1x128xi32, #tpu.memory_space<vmem>> -> memref<128xi32, #tpu.memory_space<vmem>>
    %dma_start3A_15 = arith.constant 0 : i32
    %dma_start3A_16 = arith.constant 0 : i32
    %dma_start3A_17 = tpu.memref_slice %arg2[%arg0, %dma_start3A_15, %dma_start3A_16] : memref<2x10240x64xf32, #tpu.memory_space<hbm>> -> memref<1x10240x64xf32, #tpu.memory_space<hbm>>
    %dma_start3A_18 = tpu.memref_squeeze %dma_start3A_17 : memref<1x10240x64xf32, #tpu.memory_space<hbm>> -> memref<10240x64xf32, #tpu.memory_space<hbm>>
    %dma_start3A_19 = arith.constant 0 : i32
    %dma_start3A_20 = arith.constant 0 : i32
    %dma_start3A_21 = tpu.memref_slice %dma_start3A_18[%dma_start3A_19, %dma_start3A_20] : memref<10240x64xf32, #tpu.memory_space<hbm>> -> memref<10240x64xf32, #tpu.memory_space<hbm>>
    tpu.enqueue_indirect_dma source(%dma_start3A_21 : memref<10240x64xf32, #tpu.memory_space<hbm>>) target(%arg9 : memref<128x64xf32, #tpu.memory_space<vmem>>) offsets(%dma_start3A_14 : memref<128xi32, #tpu.memory_space<vmem>>) semaphore(%arg15 : memref<!tpu.dma_semaphore, #tpu.memory_space<semaphore_mem>>)
    %dma_start3A_22 = arith.constant 2 : i32
    %dma_start3A_23 = arith.constant 0 : i32
    %dma_start3A_24 = tpu.memref_slice %arg6[%dma_start3A_22, %dma_start3A_23] : memref<160x128xi32, #tpu.memory_space<vmem>> -> memref<1x128xi32, #tpu.memory_space<vmem>>
    %dma_start3A_25 = tpu.memref_squeeze %dma_start3A_24 : memref<1x128xi32, #tpu.memory_space<vmem>> -> memref<128xi32, #tpu.memory_space<vmem>>
    %dma_start3A_26 = arith.constant 0 : i32
    %dma_start3A_27 = arith.constant 0 : i32
    %dma_start3A_28 = tpu.memref_slice %arg2[%arg0, %dma_start3A_26, %dma_start3A_27] : memref<2x10240x64xf32, #tpu.memory_space<hbm>> -> memref<1x10240x64xf32, #tpu.memory_space<hbm>>
    %dma_start3A_29 = tpu.memref_squeeze %dma_start3A_28 : memref<1x10240x64xf32, #tpu.memory_space<hbm>> -> memref<10240x64xf32, #tpu.memory_space<hbm>>
    %dma_start3A_30 = arith.constant 0 : i32
    %dma_start3A_31 = arith.constant 0 : i32
    %dma_start3A_32 = tpu.memref_slice %dma_start3A_29[%dma_start3A_30, %dma_start3A_31] : memref<10240x64xf32, #tpu.memory_space<hbm>> -> memref<10240x64xf32, #tpu.memory_space<hbm>>
    tpu.enqueue_indirect_dma source(%dma_start3A_32 : memref<10240x64xf32, #tpu.memory_space<hbm>>) target(%arg10 : memref<128x64xf32, #tpu.memory_space<vmem>>) offsets(%dma_start3A_25 : memref<128xi32, #tpu.memory_space<vmem>>) semaphore(%arg16 : memref<!tpu.dma_semaphore, #tpu.memory_space<semaphore_mem>>)
    %dma_start3A_33 = arith.constant 3 : i32
    %dma_start3A_34 = arith.constant 0 : i32
    %dma_start3A_35 = tpu.memref_slice %arg6[%dma_start3A_33, %dma_start3A_34] : memref<160x128xi32, #tpu.memory_space<vmem>> -> memref<1x128xi32, #tpu.memory_space<vmem>>
    %dma_start3A_36 = tpu.memref_squeeze %dma_start3A_35 : memref<1x128xi32, #tpu.memory_space<vmem>> -> memref<128xi32, #tpu.memory_space<vmem>>
    %dma_start3A_37 = arith.constant 0 : i32
    %dma_start3A_38 = arith.constant 0 : i32
    %dma_start3A_39 = tpu.memref_slice %arg2[%arg0, %dma_start3A_37, %dma_start3A_38] : memref<2x10240x64xf32, #tpu.memory_space<hbm>> -> memref<1x10240x64xf32, #tpu.memory_space<hbm>>
    %dma_start3A_40 = tpu.memref_squeeze %dma_start3A_39 : memref<1x10240x64xf32, #tpu.memory_space<hbm>> -> memref<10240x64xf32, #tpu.memory_space<hbm>>
    %dma_start3A_41 = arith.constant 0 : i32
    %dma_start3A_42 = arith.constant 0 : i32
    %dma_start3A_43 = tpu.memref_slice %dma_start3A_40[%dma_start3A_41, %dma_start3A_42] : memref<10240x64xf32, #tpu.memory_space<hbm>> -> memref<10240x64xf32, #tpu.memory_space<hbm>>
    tpu.enqueue_indirect_dma source(%dma_start3A_43 : memref<10240x64xf32, #tpu.memory_space<hbm>>) target(%arg11 : memref<128x64xf32, #tpu.memory_space<vmem>>) offsets(%dma_start3A_36 : memref<128xi32, #tpu.memory_space<vmem>>) semaphore(%arg17 : memref<!tpu.dma_semaphore, #tpu.memory_space<semaphore_mem>>)
    %scan3A = arith.constant 0 : i32
    %scan3A_44 = arith.constant 32 : i32
    %scan3A_45 = arith.addi %scan3A, %scan3A_44 : i32
    %scan3A_46 = arith.constant 1 : i32
    scf.for %scan3A_83 = %scan3A to %scan3A_45 step %scan3A_46  : i32 {
      %mul3A_84 = arith.constant 1 : i32
      %mul3A_85 = arith.muli %scan3A_83, %mul3A_84 : i32
      %add3A = arith.constant 0 : i32
      %add3A_86 = arith.addi %add3A, %mul3A_85 : i32
      %mul3A_87 = arith.constant 5 : i32
      %mul3A_88 = arith.muli %add3A_86, %mul3A_87 : i32
      %add3A_89 = arith.constant 0 : i32
      %add3A_90 = arith.addi %mul3A_88, %add3A_89 : i32
      %add3A_91 = arith.constant 5 : i32
      %add3A_92 = arith.addi %add3A_90, %add3A_91 : i32
      %sub3A = arith.constant 1 : i32
      %sub3A_93 = arith.subi %add3A_92, %sub3A : i32
      %lt3A = arith.constant 160 : i32
      %lt3A_94 = arith.cmpi slt, %sub3A_93, %lt3A : i32
      %convert_element_type3A = arith.extui %lt3A_94 : i1 to i32
      %cond3A = arith.constant 0 : i32
      %cond3A_95 = arith.cmpi ne, %convert_element_type3A, %cond3A : i32
      scf.if %cond3A_95 {
        %ge3A = arith.constant 5 : i32
        %ge3A_240 = arith.cmpi sge, %sub3A_93, %ge3A : i32
        %convert_element_type3A_241 = arith.extui %ge3A_240 : i1 to i32
        %cond3A_242 = arith.constant 0 : i32
        %cond3A_243 = arith.cmpi ne, %convert_element_type3A_241, %cond3A_242 : i32
        scf.if %cond3A_243 {
          %dma_wait3A_254 = arith.constant 0 : i32
          %dma_wait3A_255 = tpu.memref_slice %arg7[%sub3A_93, %dma_wait3A_254] : memref<160x128xi32, #tpu.memory_space<vmem>> -> memref<1x128xi32, #tpu.memory_space<vmem>>
          %dma_wait3A_256 = tpu.memref_squeeze %dma_wait3A_255 : memref<1x128xi32, #tpu.memory_space<vmem>> -> memref<128xi32, #tpu.memory_space<vmem>>
          %dma_wait3A_257 = arith.constant 0 : i32
          %dma_wait3A_258 = arith.constant 0 : i32
          %dma_wait3A_259 = tpu.memref_slice %arg13[%dma_wait3A_257, %dma_wait3A_258] : memref<10240x64xf32, #tpu.memory_space<vmem_shared>> -> memref<10240x64xf32, #tpu.memory_space<vmem_shared>>
          tpu.wait_indirect_dma semaphore(%arg23 : memref<!tpu.dma_semaphore, #tpu.memory_space<semaphore_mem>>) src(%arg12 : memref<128x64xf32, #tpu.memory_space<vmem>>) dst(%dma_wait3A_259 : memref<10240x64xf32, #tpu.memory_space<vmem_shared>>)
        } else {
        }
        %dma_start3A_244 = arith.constant 0 : i32
        %dma_start3A_245 = tpu.memref_slice %arg6[%sub3A_93, %dma_start3A_244] : memref<160x128xi32, #tpu.memory_space<vmem>> -> memref<1x128xi32, #tpu.memory_space<vmem>>
        %dma_start3A_246 = tpu.memref_squeeze %dma_start3A_245 : memref<1x128xi32, #tpu.memory_space<vmem>> -> memref<128xi32, #tpu.memory_space<vmem>>
        %dma_start3A_247 = arith.constant 0 : i32
        %dma_start3A_248 = arith.constant 0 : i32
        %dma_start3A_249 = tpu.memref_slice %arg2[%arg0, %dma_start3A_247, %dma_start3A_248] : memref<2x10240x64xf32, #tpu.memory_space<hbm>> -> memref<1x10240x64xf32, #tpu.memory_space<hbm>>
        %dma_start3A_250 = tpu.memref_squeeze %dma_start3A_249 : memref<1x10240x64xf32, #tpu.memory_space<hbm>> -> memref<10240x64xf32, #tpu.memory_space<hbm>>
        %dma_start3A_251 = arith.constant 0 : i32
        %dma_start3A_252 = arith.constant 0 : i32
        %dma_start3A_253 = tpu.memref_slice %dma_start3A_250[%dma_start3A_251, %dma_start3A_252] : memref<10240x64xf32, #tpu.memory_space<hbm>> -> memref<10240x64xf32, #tpu.memory_space<hbm>>
        tpu.enqueue_indirect_dma source(%dma_start3A_253 : memref<10240x64xf32, #tpu.memory_space<hbm>>) target(%arg12 : memref<128x64xf32, #tpu.memory_space<vmem>>) offsets(%dma_start3A_246 : memref<128xi32, #tpu.memory_space<vmem>>) semaphore(%arg18 : memref<!tpu.dma_semaphore, #tpu.memory_space<semaphore_mem>>)
      } else {
      }
      %add3A_96 = arith.constant 0 : i32
      %add3A_97 = arith.addi %mul3A_88, %add3A_96 : i32
      %dma_wait3A_98 = arith.constant 0 : i32
      %dma_wait3A_99 = tpu.memref_slice %arg6[%add3A_97, %dma_wait3A_98] : memref<160x128xi32, #tpu.memory_space<vmem>> -> memref<1x128xi32, #tpu.memory_space<vmem>>
      %dma_wait3A_100 = tpu.memref_squeeze %dma_wait3A_99 : memref<1x128xi32, #tpu.memory_space<vmem>> -> memref<128xi32, #tpu.memory_space<vmem>>
      %dma_wait3A_101 = arith.constant 0 : i32
      %dma_wait3A_102 = arith.constant 0 : i32
      %dma_wait3A_103 = tpu.memref_slice %arg2[%arg0, %dma_wait3A_101, %dma_wait3A_102] : memref<2x10240x64xf32, #tpu.memory_space<hbm>> -> memref<1x10240x64xf32, #tpu.memory_space<hbm>>
      %dma_wait3A_104 = tpu.memref_squeeze %dma_wait3A_103 : memref<1x10240x64xf32, #tpu.memory_space<hbm>> -> memref<10240x64xf32, #tpu.memory_space<hbm>>
      %dma_wait3A_105 = arith.constant 0 : i32
      %dma_wait3A_106 = arith.constant 0 : i32
      %dma_wait3A_107 = tpu.memref_slice %dma_wait3A_104[%dma_wait3A_105, %dma_wait3A_106] : memref<10240x64xf32, #tpu.memory_space<hbm>> -> memref<10240x64xf32, #tpu.memory_space<hbm>>
      tpu.wait_indirect_dma semaphore(%arg14 : memref<!tpu.dma_semaphore, #tpu.memory_space<semaphore_mem>>) src(%dma_wait3A_107 : memref<10240x64xf32, #tpu.memory_space<hbm>>) dst(%arg8 : memref<128x64xf32, #tpu.memory_space<vmem>>)
      %add3A_108 = arith.constant 0 : i32
      %add3A_109 = arith.addi %mul3A_88, %add3A_108 : i32
      %dma_start3A_110 = arith.constant 0 : i32
      %dma_start3A_111 = tpu.memref_slice %arg7[%add3A_109, %dma_start3A_110] : memref<160x128xi32, #tpu.memory_space<vmem>> -> memref<1x128xi32, #tpu.memory_space<vmem>>
      %dma_start3A_112 = tpu.memref_squeeze %dma_start3A_111 : memref<1x128xi32, #tpu.memory_space<vmem>> -> memref<128xi32, #tpu.memory_space<vmem>>
      %dma_start3A_113 = arith.constant 0 : i32
      %dma_start3A_114 = arith.constant 0 : i32
      %dma_start3A_115 = tpu.memref_slice %arg13[%dma_start3A_113, %dma_start3A_114] : memref<10240x64xf32, #tpu.memory_space<vmem_shared>> -> memref<10240x64xf32, #tpu.memory_space<vmem_shared>>
      tpu.enqueue_indirect_dma source(%arg8 : memref<128x64xf32, #tpu.memory_space<vmem>>) target(%dma_start3A_115 : memref<10240x64xf32, #tpu.memory_space<vmem_shared>>) offsets(%dma_start3A_112 : memref<128xi32, #tpu.memory_space<vmem>>) semaphore(%arg19 : memref<!tpu.dma_semaphore, #tpu.memory_space<semaphore_mem>>) {add = true}
      %add3A_116 = arith.constant 1 : i32
      %add3A_117 = arith.addi %mul3A_88, %add3A_116 : i32
      %add3A_118 = arith.constant 5 : i32
      %add3A_119 = arith.addi %add3A_117, %add3A_118 : i32
      %sub3A_120 = arith.constant 1 : i32
      %sub3A_121 = arith.subi %add3A_119, %sub3A_120 : i32
      %lt3A_122 = arith.constant 160 : i32
      %lt3A_123 = arith.cmpi slt, %sub3A_121, %lt3A_122 : i32
      %convert_element_type3A_124 = arith.extui %lt3A_123 : i1 to i32
      %cond3A_125 = arith.constant 0 : i32
      %cond3A_126 = arith.cmpi ne, %convert_element_type3A_124, %cond3A_125 : i32
      scf.if %cond3A_126 {
        %ge3A = arith.constant 5 : i32
        %ge3A_240 = arith.cmpi sge, %sub3A_121, %ge3A : i32
        %convert_element_type3A_241 = arith.extui %ge3A_240 : i1 to i32
        %cond3A_242 = arith.constant 0 : i32
        %cond3A_243 = arith.cmpi ne, %convert_element_type3A_241, %cond3A_242 : i32
        scf.if %cond3A_243 {
          %dma_wait3A_254 = arith.constant 0 : i32
          %dma_wait3A_255 = tpu.memref_slice %arg7[%sub3A_121, %dma_wait3A_254] : memref<160x128xi32, #tpu.memory_space<vmem>> -> memref<1x128xi32, #tpu.memory_space<vmem>>
          %dma_wait3A_256 = tpu.memref_squeeze %dma_wait3A_255 : memref<1x128xi32, #tpu.memory_space<vmem>> -> memref<128xi32, #tpu.memory_space<vmem>>
          %dma_wait3A_257 = arith.constant 0 : i32
          %dma_wait3A_258 = arith.constant 0 : i32
          %dma_wait3A_259 = tpu.memref_slice %arg13[%dma_wait3A_257, %dma_wait3A_258] : memref<10240x64xf32, #tpu.memory_space<vmem_shared>> -> memref<10240x64xf32, #tpu.memory_space<vmem_shared>>
          tpu.wait_indirect_dma semaphore(%arg19 : memref<!tpu.dma_semaphore, #tpu.memory_space<semaphore_mem>>) src(%arg8 : memref<128x64xf32, #tpu.memory_space<vmem>>) dst(%dma_wait3A_259 : memref<10240x64xf32, #tpu.memory_space<vmem_shared>>)
        } else {
        }
        %dma_start3A_244 = arith.constant 0 : i32
        %dma_start3A_245 = tpu.memref_slice %arg6[%sub3A_121, %dma_start3A_244] : memref<160x128xi32, #tpu.memory_space<vmem>> -> memref<1x128xi32, #tpu.memory_space<vmem>>
        %dma_start3A_246 = tpu.memref_squeeze %dma_start3A_245 : memref<1x128xi32, #tpu.memory_space<vmem>> -> memref<128xi32, #tpu.memory_space<vmem>>
        %dma_start3A_247 = arith.constant 0 : i32
        %dma_start3A_248 = arith.constant 0 : i32
        %dma_start3A_249 = tpu.memref_slice %arg2[%arg0, %dma_start3A_247, %dma_start3A_248] : memref<2x10240x64xf32, #tpu.memory_space<hbm>> -> memref<1x10240x64xf32, #tpu.memory_space<hbm>>
        %dma_start3A_250 = tpu.memref_squeeze %dma_start3A_249 : memref<1x10240x64xf32, #tpu.memory_space<hbm>> -> memref<10240x64xf32, #tpu.memory_space<hbm>>
        %dma_start3A_251 = arith.constant 0 : i32
        %dma_start3A_252 = arith.constant 0 : i32
        %dma_start3A_253 = tpu.memref_slice %dma_start3A_250[%dma_start3A_251, %dma_start3A_252] : memref<10240x64xf32, #tpu.memory_space<hbm>> -> memref<10240x64xf32, #tpu.memory_space<hbm>>
        tpu.enqueue_indirect_dma source(%dma_start3A_253 : memref<10240x64xf32, #tpu.memory_space<hbm>>) target(%arg8 : memref<128x64xf32, #tpu.memory_space<vmem>>) offsets(%dma_start3A_246 : memref<128xi32, #tpu.memory_space<vmem>>) semaphore(%arg14 : memref<!tpu.dma_semaphore, #tpu.memory_space<semaphore_mem>>)
      } else {
      }
      %add3A_127 = arith.constant 1 : i32
      %add3A_128 = arith.addi %mul3A_88, %add3A_127 : i32
      %dma_wait3A_129 = arith.constant 0 : i32
      %dma_wait3A_130 = tpu.memref_slice %arg6[%add3A_128, %dma_wait3A_129] : memref<160x128xi32, #tpu.memory_space<vmem>> -> memref<1x128xi32, #tpu.memory_space<vmem>>
      %dma_wait3A_131 = tpu.memref_squeeze %dma_wait3A_130 : memref<1x128xi32, #tpu.memory_space<vmem>> -> memref<128xi32, #tpu.memory_space<vmem>>
      %dma_wait3A_132 = arith.constant 0 : i32
      %dma_wait3A_133 = arith.constant 0 : i32
      %dma_wait3A_134 = tpu.memref_slice %arg2[%arg0, %dma_wait3A_132, %dma_wait3A_133] : memref<2x10240x64xf32, #tpu.memory_space<hbm>> -> memref<1x10240x64xf32, #tpu.memory_space<hbm>>
      %dma_wait3A_135 = tpu.memref_squeeze %dma_wait3A_134 : memref<1x10240x64xf32, #tpu.memory_space<hbm>> -> memref<10240x64xf32, #tpu.memory_space<hbm>>
      %dma_wait3A_136 = arith.constant 0 : i32
      %dma_wait3A_137 = arith.constant 0 : i32
      %dma_wait3A_138 = tpu.memref_slice %dma_wait3A_135[%dma_wait3A_136, %dma_wait3A_137] : memref<10240x64xf32, #tpu.memory_space<hbm>> -> memref<10240x64xf32, #tpu.memory_space<hbm>>
      tpu.wait_indirect_dma semaphore(%arg15 : memref<!tpu.dma_semaphore, #tpu.memory_space<semaphore_mem>>) src(%dma_wait3A_138 : memref<10240x64xf32, #tpu.memory_space<hbm>>) dst(%arg9 : memref<128x64xf32, #tpu.memory_space<vmem>>)
      %add3A_139 = arith.constant 1 : i32
      %add3A_140 = arith.addi %mul3A_88, %add3A_139 : i32
      %dma_start3A_141 = arith.constant 0 : i32
      %dma_start3A_142 = tpu.memref_slice %arg7[%add3A_140, %dma_start3A_141] : memref<160x128xi32, #tpu.memory_space<vmem>> -> memref<1x128xi32, #tpu.memory_space<vmem>>
      %dma_start3A_143 = tpu.memref_squeeze %dma_start3A_142 : memref<1x128xi32, #tpu.memory_space<vmem>> -> memref<128xi32, #tpu.memory_space<vmem>>
      %dma_start3A_144 = arith.constant 0 : i32
      %dma_start3A_145 = arith.constant 0 : i32
      %dma_start3A_146 = tpu.memref_slice %arg13[%dma_start3A_144, %dma_start3A_145] : memref<10240x64xf32, #tpu.memory_space<vmem_shared>> -> memref<10240x64xf32, #tpu.memory_space<vmem_shared>>
      tpu.enqueue_indirect_dma source(%arg9 : memref<128x64xf32, #tpu.memory_space<vmem>>) target(%dma_start3A_146 : memref<10240x64xf32, #tpu.memory_space<vmem_shared>>) offsets(%dma_start3A_143 : memref<128xi32, #tpu.memory_space<vmem>>) semaphore(%arg20 : memref<!tpu.dma_semaphore, #tpu.memory_space<semaphore_mem>>) {add = true}
      %add3A_147 = arith.constant 2 : i32
      %add3A_148 = arith.addi %mul3A_88, %add3A_147 : i32
      %add3A_149 = arith.constant 5 : i32
      %add3A_150 = arith.addi %add3A_148, %add3A_149 : i32
      %sub3A_151 = arith.constant 1 : i32
      %sub3A_152 = arith.subi %add3A_150, %sub3A_151 : i32
      %lt3A_153 = arith.constant 160 : i32
      %lt3A_154 = arith.cmpi slt, %sub3A_152, %lt3A_153 : i32
      %convert_element_type3A_155 = arith.extui %lt3A_154 : i1 to i32
      %cond3A_156 = arith.constant 0 : i32
      %cond3A_157 = arith.cmpi ne, %convert_element_type3A_155, %cond3A_156 : i32
      scf.if %cond3A_157 {
        %ge3A = arith.constant 5 : i32
        %ge3A_240 = arith.cmpi sge, %sub3A_152, %ge3A : i32
        %convert_element_type3A_241 = arith.extui %ge3A_240 : i1 to i32
        %cond3A_242 = arith.constant 0 : i32
        %cond3A_243 = arith.cmpi ne, %convert_element_type3A_241, %cond3A_242 : i32
        scf.if %cond3A_243 {
          %dma_wait3A_254 = arith.constant 0 : i32
          %dma_wait3A_255 = tpu.memref_slice %arg7[%sub3A_152, %dma_wait3A_254] : memref<160x128xi32, #tpu.memory_space<vmem>> -> memref<1x128xi32, #tpu.memory_space<vmem>>
          %dma_wait3A_256 = tpu.memref_squeeze %dma_wait3A_255 : memref<1x128xi32, #tpu.memory_space<vmem>> -> memref<128xi32, #tpu.memory_space<vmem>>
          %dma_wait3A_257 = arith.constant 0 : i32
          %dma_wait3A_258 = arith.constant 0 : i32
          %dma_wait3A_259 = tpu.memref_slice %arg13[%dma_wait3A_257, %dma_wait3A_258] : memref<10240x64xf32, #tpu.memory_space<vmem_shared>> -> memref<10240x64xf32, #tpu.memory_space<vmem_shared>>
          tpu.wait_indirect_dma semaphore(%arg20 : memref<!tpu.dma_semaphore, #tpu.memory_space<semaphore_mem>>) src(%arg9 : memref<128x64xf32, #tpu.memory_space<vmem>>) dst(%dma_wait3A_259 : memref<10240x64xf32, #tpu.memory_space<vmem_shared>>)
        } else {
        }
        %dma_start3A_244 = arith.constant 0 : i32
        %dma_start3A_245 = tpu.memref_slice %arg6[%sub3A_152, %dma_start3A_244] : memref<160x128xi32, #tpu.memory_space<vmem>> -> memref<1x128xi32, #tpu.memory_space<vmem>>
        %dma_start3A_246 = tpu.memref_squeeze %dma_start3A_245 : memref<1x128xi32, #tpu.memory_space<vmem>> -> memref<128xi32, #tpu.memory_space<vmem>>
        %dma_start3A_247 = arith.constant 0 : i32
        %dma_start3A_248 = arith.constant 0 : i32
        %dma_start3A_249 = tpu.memref_slice %arg2[%arg0, %dma_start3A_247, %dma_start3A_248] : memref<2x10240x64xf32, #tpu.memory_space<hbm>> -> memref<1x10240x64xf32, #tpu.memory_space<hbm>>
        %dma_start3A_250 = tpu.memref_squeeze %dma_start3A_249 : memref<1x10240x64xf32, #tpu.memory_space<hbm>> -> memref<10240x64xf32, #tpu.memory_space<hbm>>
        %dma_start3A_251 = arith.constant 0 : i32
        %dma_start3A_252 = arith.constant 0 : i32
        %dma_start3A_253 = tpu.memref_slice %dma_start3A_250[%dma_start3A_251, %dma_start3A_252] : memref<10240x64xf32, #tpu.memory_space<hbm>> -> memref<10240x64xf32, #tpu.memory_space<hbm>>
        tpu.enqueue_indirect_dma source(%dma_start3A_253 : memref<10240x64xf32, #tpu.memory_space<hbm>>) target(%arg9 : memref<128x64xf32, #tpu.memory_space<vmem>>) offsets(%dma_start3A_246 : memref<128xi32, #tpu.memory_space<vmem>>) semaphore(%arg15 : memref<!tpu.dma_semaphore, #tpu.memory_space<semaphore_mem>>)
      } else {
      }
      %add3A_158 = arith.constant 2 : i32
      %add3A_159 = arith.addi %mul3A_88, %add3A_158 : i32
      %dma_wait3A_160 = arith.constant 0 : i32
      %dma_wait3A_161 = tpu.memref_slice %arg6[%add3A_159, %dma_wait3A_160] : memref<160x128xi32, #tpu.memory_space<vmem>> -> memref<1x128xi32, #tpu.memory_space<vmem>>
      %dma_wait3A_162 = tpu.memref_squeeze %dma_wait3A_161 : memref<1x128xi32, #tpu.memory_space<vmem>> -> memref<128xi32, #tpu.memory_space<vmem>>
      %dma_wait3A_163 = arith.constant 0 : i32
      %dma_wait3A_164 = arith.constant 0 : i32
      %dma_wait3A_165 = tpu.memref_slice %arg2[%arg0, %dma_wait3A_163, %dma_wait3A_164] : memref<2x10240x64xf32, #tpu.memory_space<hbm>> -> memref<1x10240x64xf32, #tpu.memory_space<hbm>>
      %dma_wait3A_166 = tpu.memref_squeeze %dma_wait3A_165 : memref<1x10240x64xf32, #tpu.memory_space<hbm>> -> memref<10240x64xf32, #tpu.memory_space<hbm>>
      %dma_wait3A_167 = arith.constant 0 : i32
      %dma_wait3A_168 = arith.constant 0 : i32
      %dma_wait3A_169 = tpu.memref_slice %dma_wait3A_166[%dma_wait3A_167, %dma_wait3A_168] : memref<10240x64xf32, #tpu.memory_space<hbm>> -> memref<10240x64xf32, #tpu.memory_space<hbm>>
      tpu.wait_indirect_dma semaphore(%arg16 : memref<!tpu.dma_semaphore, #tpu.memory_space<semaphore_mem>>) src(%dma_wait3A_169 : memref<10240x64xf32, #tpu.memory_space<hbm>>) dst(%arg10 : memref<128x64xf32, #tpu.memory_space<vmem>>)
      %add3A_170 = arith.constant 2 : i32
      %add3A_171 = arith.addi %mul3A_88, %add3A_170 : i32
      %dma_start3A_172 = arith.constant 0 : i32
      %dma_start3A_173 = tpu.memref_slice %arg7[%add3A_171, %dma_start3A_172] : memref<160x128xi32, #tpu.memory_space<vmem>> -> memref<1x128xi32, #tpu.memory_space<vmem>>
      %dma_start3A_174 = tpu.memref_squeeze %dma_start3A_173 : memref<1x128xi32, #tpu.memory_space<vmem>> -> memref<128xi32, #tpu.memory_space<vmem>>
      %dma_start3A_175 = arith.constant 0 : i32
      %dma_start3A_176 = arith.constant 0 : i32
      %dma_start3A_177 = tpu.memref_slice %arg13[%dma_start3A_175, %dma_start3A_176] : memref<10240x64xf32, #tpu.memory_space<vmem_shared>> -> memref<10240x64xf32, #tpu.memory_space<vmem_shared>>
      tpu.enqueue_indirect_dma source(%arg10 : memref<128x64xf32, #tpu.memory_space<vmem>>) target(%dma_start3A_177 : memref<10240x64xf32, #tpu.memory_space<vmem_shared>>) offsets(%dma_start3A_174 : memref<128xi32, #tpu.memory_space<vmem>>) semaphore(%arg21 : memref<!tpu.dma_semaphore, #tpu.memory_space<semaphore_mem>>) {add = true}
      %add3A_178 = arith.constant 3 : i32
      %add3A_179 = arith.addi %mul3A_88, %add3A_178 : i32
      %add3A_180 = arith.constant 5 : i32
      %add3A_181 = arith.addi %add3A_179, %add3A_180 : i32
      %sub3A_182 = arith.constant 1 : i32
      %sub3A_183 = arith.subi %add3A_181, %sub3A_182 : i32
      %lt3A_184 = arith.constant 160 : i32
      %lt3A_185 = arith.cmpi slt, %sub3A_183, %lt3A_184 : i32
      %convert_element_type3A_186 = arith.extui %lt3A_185 : i1 to i32
      %cond3A_187 = arith.constant 0 : i32
      %cond3A_188 = arith.cmpi ne, %convert_element_type3A_186, %cond3A_187 : i32
      scf.if %cond3A_188 {
        %ge3A = arith.constant 5 : i32
        %ge3A_240 = arith.cmpi sge, %sub3A_183, %ge3A : i32
        %convert_element_type3A_241 = arith.extui %ge3A_240 : i1 to i32
        %cond3A_242 = arith.constant 0 : i32
        %cond3A_243 = arith.cmpi ne, %convert_element_type3A_241, %cond3A_242 : i32
        scf.if %cond3A_243 {
          %dma_wait3A_254 = arith.constant 0 : i32
          %dma_wait3A_255 = tpu.memref_slice %arg7[%sub3A_183, %dma_wait3A_254] : memref<160x128xi32, #tpu.memory_space<vmem>> -> memref<1x128xi32, #tpu.memory_space<vmem>>
          %dma_wait3A_256 = tpu.memref_squeeze %dma_wait3A_255 : memref<1x128xi32, #tpu.memory_space<vmem>> -> memref<128xi32, #tpu.memory_space<vmem>>
          %dma_wait3A_257 = arith.constant 0 : i32
          %dma_wait3A_258 = arith.constant 0 : i32
          %dma_wait3A_259 = tpu.memref_slice %arg13[%dma_wait3A_257, %dma_wait3A_258] : memref<10240x64xf32, #tpu.memory_space<vmem_shared>> -> memref<10240x64xf32, #tpu.memory_space<vmem_shared>>
          tpu.wait_indirect_dma semaphore(%arg21 : memref<!tpu.dma_semaphore, #tpu.memory_space<semaphore_mem>>) src(%arg10 : memref<128x64xf32, #tpu.memory_space<vmem>>) dst(%dma_wait3A_259 : memref<10240x64xf32, #tpu.memory_space<vmem_shared>>)
        } else {
        }
        %dma_start3A_244 = arith.constant 0 : i32
        %dma_start3A_245 = tpu.memref_slice %arg6[%sub3A_183, %dma_start3A_244] : memref<160x128xi32, #tpu.memory_space<vmem>> -> memref<1x128xi32, #tpu.memory_space<vmem>>
        %dma_start3A_246 = tpu.memref_squeeze %dma_start3A_245 : memref<1x128xi32, #tpu.memory_space<vmem>> -> memref<128xi32, #tpu.memory_space<vmem>>
        %dma_start3A_247 = arith.constant 0 : i32
        %dma_start3A_248 = arith.constant 0 : i32
        %dma_start3A_249 = tpu.memref_slice %arg2[%arg0, %dma_start3A_247, %dma_start3A_248] : memref<2x10240x64xf32, #tpu.memory_space<hbm>> -> memref<1x10240x64xf32, #tpu.memory_space<hbm>>
        %dma_start3A_250 = tpu.memref_squeeze %dma_start3A_249 : memref<1x10240x64xf32, #tpu.memory_space<hbm>> -> memref<10240x64xf32, #tpu.memory_space<hbm>>
        %dma_start3A_251 = arith.constant 0 : i32
        %dma_start3A_252 = arith.constant 0 : i32
        %dma_start3A_253 = tpu.memref_slice %dma_start3A_250[%dma_start3A_251, %dma_start3A_252] : memref<10240x64xf32, #tpu.memory_space<hbm>> -> memref<10240x64xf32, #tpu.memory_space<hbm>>
        tpu.enqueue_indirect_dma source(%dma_start3A_253 : memref<10240x64xf32, #tpu.memory_space<hbm>>) target(%arg10 : memref<128x64xf32, #tpu.memory_space<vmem>>) offsets(%dma_start3A_246 : memref<128xi32, #tpu.memory_space<vmem>>) semaphore(%arg16 : memref<!tpu.dma_semaphore, #tpu.memory_space<semaphore_mem>>)
      } else {
      }
      %add3A_189 = arith.constant 3 : i32
      %add3A_190 = arith.addi %mul3A_88, %add3A_189 : i32
      %dma_wait3A_191 = arith.constant 0 : i32
      %dma_wait3A_192 = tpu.memref_slice %arg6[%add3A_190, %dma_wait3A_191] : memref<160x128xi32, #tpu.memory_space<vmem>> -> memref<1x128xi32, #tpu.memory_space<vmem>>
      %dma_wait3A_193 = tpu.memref_squeeze %dma_wait3A_192 : memref<1x128xi32, #tpu.memory_space<vmem>> -> memref<128xi32, #tpu.memory_space<vmem>>
      %dma_wait3A_194 = arith.constant 0 : i32
      %dma_wait3A_195 = arith.constant 0 : i32
      %dma_wait3A_196 = tpu.memref_slice %arg2[%arg0, %dma_wait3A_194, %dma_wait3A_195] : memref<2x10240x64xf32, #tpu.memory_space<hbm>> -> memref<1x10240x64xf32, #tpu.memory_space<hbm>>
      %dma_wait3A_197 = tpu.memref_squeeze %dma_wait3A_196 : memref<1x10240x64xf32, #tpu.memory_space<hbm>> -> memref<10240x64xf32, #tpu.memory_space<hbm>>
      %dma_wait3A_198 = arith.constant 0 : i32
      %dma_wait3A_199 = arith.constant 0 : i32
      %dma_wait3A_200 = tpu.memref_slice %dma_wait3A_197[%dma_wait3A_198, %dma_wait3A_199] : memref<10240x64xf32, #tpu.memory_space<hbm>> -> memref<10240x64xf32, #tpu.memory_space<hbm>>
      tpu.wait_indirect_dma semaphore(%arg17 : memref<!tpu.dma_semaphore, #tpu.memory_space<semaphore_mem>>) src(%dma_wait3A_200 : memref<10240x64xf32, #tpu.memory_space<hbm>>) dst(%arg11 : memref<128x64xf32, #tpu.memory_space<vmem>>)
      %add3A_201 = arith.constant 3 : i32
      %add3A_202 = arith.addi %mul3A_88, %add3A_201 : i32
      %dma_start3A_203 = arith.constant 0 : i32
      %dma_start3A_204 = tpu.memref_slice %arg7[%add3A_202, %dma_start3A_203] : memref<160x128xi32, #tpu.memory_space<vmem>> -> memref<1x128xi32, #tpu.memory_space<vmem>>
      %dma_start3A_205 = tpu.memref_squeeze %dma_start3A_204 : memref<1x128xi32, #tpu.memory_space<vmem>> -> memref<128xi32, #tpu.memory_space<vmem>>
      %dma_start3A_206 = arith.constant 0 : i32
      %dma_start3A_207 = arith.constant 0 : i32
      %dma_start3A_208 = tpu.memref_slice %arg13[%dma_start3A_206, %dma_start3A_207] : memref<10240x64xf32, #tpu.memory_space<vmem_shared>> -> memref<10240x64xf32, #tpu.memory_space<vmem_shared>>
      tpu.enqueue_indirect_dma source(%arg11 : memref<128x64xf32, #tpu.memory_space<vmem>>) target(%dma_start3A_208 : memref<10240x64xf32, #tpu.memory_space<vmem_shared>>) offsets(%dma_start3A_205 : memref<128xi32, #tpu.memory_space<vmem>>) semaphore(%arg22 : memref<!tpu.dma_semaphore, #tpu.memory_space<semaphore_mem>>) {add = true}
      %add3A_209 = arith.constant 4 : i32
      %add3A_210 = arith.addi %mul3A_88, %add3A_209 : i32
      %add3A_211 = arith.constant 5 : i32
      %add3A_212 = arith.addi %add3A_210, %add3A_211 : i32
      %sub3A_213 = arith.constant 1 : i32
      %sub3A_214 = arith.subi %add3A_212, %sub3A_213 : i32
      %lt3A_215 = arith.constant 160 : i32
      %lt3A_216 = arith.cmpi slt, %sub3A_214, %lt3A_215 : i32
      %convert_element_type3A_217 = arith.extui %lt3A_216 : i1 to i32
      %cond3A_218 = arith.constant 0 : i32
      %cond3A_219 = arith.cmpi ne, %convert_element_type3A_217, %cond3A_218 : i32
      scf.if %cond3A_219 {
        %ge3A = arith.constant 5 : i32
        %ge3A_240 = arith.cmpi sge, %sub3A_214, %ge3A : i32
        %convert_element_type3A_241 = arith.extui %ge3A_240 : i1 to i32
        %cond3A_242 = arith.constant 0 : i32
        %cond3A_243 = arith.cmpi ne, %convert_element_type3A_241, %cond3A_242 : i32
        scf.if %cond3A_243 {
          %dma_wait3A_254 = arith.constant 0 : i32
          %dma_wait3A_255 = tpu.memref_slice %arg7[%sub3A_214, %dma_wait3A_254] : memref<160x128xi32, #tpu.memory_space<vmem>> -> memref<1x128xi32, #tpu.memory_space<vmem>>
          %dma_wait3A_256 = tpu.memref_squeeze %dma_wait3A_255 : memref<1x128xi32, #tpu.memory_space<vmem>> -> memref<128xi32, #tpu.memory_space<vmem>>
          %dma_wait3A_257 = arith.constant 0 : i32
          %dma_wait3A_258 = arith.constant 0 : i32
          %dma_wait3A_259 = tpu.memref_slice %arg13[%dma_wait3A_257, %dma_wait3A_258] : memref<10240x64xf32, #tpu.memory_space<vmem_shared>> -> memref<10240x64xf32, #tpu.memory_space<vmem_shared>>
          tpu.wait_indirect_dma semaphore(%arg22 : memref<!tpu.dma_semaphore, #tpu.memory_space<semaphore_mem>>) src(%arg11 : memref<128x64xf32, #tpu.memory_space<vmem>>) dst(%dma_wait3A_259 : memref<10240x64xf32, #tpu.memory_space<vmem_shared>>)
        } else {
        }
        %dma_start3A_244 = arith.constant 0 : i32
        %dma_start3A_245 = tpu.memref_slice %arg6[%sub3A_214, %dma_start3A_244] : memref<160x128xi32, #tpu.memory_space<vmem>> -> memref<1x128xi32, #tpu.memory_space<vmem>>
        %dma_start3A_246 = tpu.memref_squeeze %dma_start3A_245 : memref<1x128xi32, #tpu.memory_space<vmem>> -> memref<128xi32, #tpu.memory_space<vmem>>
        %dma_start3A_247 = arith.constant 0 : i32
        %dma_start3A_248 = arith.constant 0 : i32
        %dma_start3A_249 = tpu.memref_slice %arg2[%arg0, %dma_start3A_247, %dma_start3A_248] : memref<2x10240x64xf32, #tpu.memory_space<hbm>> -> memref<1x10240x64xf32, #tpu.memory_space<hbm>>
        %dma_start3A_250 = tpu.memref_squeeze %dma_start3A_249 : memref<1x10240x64xf32, #tpu.memory_space<hbm>> -> memref<10240x64xf32, #tpu.memory_space<hbm>>
        %dma_start3A_251 = arith.constant 0 : i32
        %dma_start3A_252 = arith.constant 0 : i32
        %dma_start3A_253 = tpu.memref_slice %dma_start3A_250[%dma_start3A_251, %dma_start3A_252] : memref<10240x64xf32, #tpu.memory_space<hbm>> -> memref<10240x64xf32, #tpu.memory_space<hbm>>
        tpu.enqueue_indirect_dma source(%dma_start3A_253 : memref<10240x64xf32, #tpu.memory_space<hbm>>) target(%arg11 : memref<128x64xf32, #tpu.memory_space<vmem>>) offsets(%dma_start3A_246 : memref<128xi32, #tpu.memory_space<vmem>>) semaphore(%arg17 : memref<!tpu.dma_semaphore, #tpu.memory_space<semaphore_mem>>)
      } else {
      }
      %add3A_220 = arith.constant 4 : i32
      %add3A_221 = arith.addi %mul3A_88, %add3A_220 : i32
      %dma_wait3A_222 = arith.constant 0 : i32
      %dma_wait3A_223 = tpu.memref_slice %arg6[%add3A_221, %dma_wait3A_222] : memref<160x128xi32, #tpu.memory_space<vmem>> -> memref<1x128xi32, #tpu.memory_space<vmem>>
      %dma_wait3A_224 = tpu.memref_squeeze %dma_wait3A_223 : memref<1x128xi32, #tpu.memory_space<vmem>> -> memref<128xi32, #tpu.memory_space<vmem>>
      %dma_wait3A_225 = arith.constant 0 : i32
      %dma_wait3A_226 = arith.constant 0 : i32
      %dma_wait3A_227 = tpu.memref_slice %arg2[%arg0, %dma_wait3A_225, %dma_wait3A_226] : memref<2x10240x64xf32, #tpu.memory_space<hbm>> -> memref<1x10240x64xf32, #tpu.memory_space<hbm>>
      %dma_wait3A_228 = tpu.memref_squeeze %dma_wait3A_227 : memref<1x10240x64xf32, #tpu.memory_space<hbm>> -> memref<10240x64xf32, #tpu.memory_space<hbm>>
      %dma_wait3A_229 = arith.constant 0 : i32
      %dma_wait3A_230 = arith.constant 0 : i32
      %dma_wait3A_231 = tpu.memref_slice %dma_wait3A_228[%dma_wait3A_229, %dma_wait3A_230] : memref<10240x64xf32, #tpu.memory_space<hbm>> -> memref<10240x64xf32, #tpu.memory_space<hbm>>
      tpu.wait_indirect_dma semaphore(%arg18 : memref<!tpu.dma_semaphore, #tpu.memory_space<semaphore_mem>>) src(%dma_wait3A_231 : memref<10240x64xf32, #tpu.memory_space<hbm>>) dst(%arg12 : memref<128x64xf32, #tpu.memory_space<vmem>>)
      %add3A_232 = arith.constant 4 : i32
      %add3A_233 = arith.addi %mul3A_88, %add3A_232 : i32
      %dma_start3A_234 = arith.constant 0 : i32
      %dma_start3A_235 = tpu.memref_slice %arg7[%add3A_233, %dma_start3A_234] : memref<160x128xi32, #tpu.memory_space<vmem>> -> memref<1x128xi32, #tpu.memory_space<vmem>>
      %dma_start3A_236 = tpu.memref_squeeze %dma_start3A_235 : memref<1x128xi32, #tpu.memory_space<vmem>> -> memref<128xi32, #tpu.memory_space<vmem>>
      %dma_start3A_237 = arith.constant 0 : i32
      %dma_start3A_238 = arith.constant 0 : i32
      %dma_start3A_239 = tpu.memref_slice %arg13[%dma_start3A_237, %dma_start3A_238] : memref<10240x64xf32, #tpu.memory_space<vmem_shared>> -> memref<10240x64xf32, #tpu.memory_space<vmem_shared>>
      tpu.enqueue_indirect_dma source(%arg12 : memref<128x64xf32, #tpu.memory_space<vmem>>) target(%dma_start3A_239 : memref<10240x64xf32, #tpu.memory_space<vmem_shared>>) offsets(%dma_start3A_236 : memref<128xi32, #tpu.memory_space<vmem>>) semaphore(%arg23 : memref<!tpu.dma_semaphore, #tpu.memory_space<semaphore_mem>>) {add = true}
    }
    %scan3A_47 = arith.constant 32 : i32
    %dma_wait3A = arith.constant 0 : i32
    %dma_wait3A_48 = arith.constant 0 : i32
    %dma_wait3A_49 = tpu.memref_slice %arg7[%dma_wait3A, %dma_wait3A_48] : memref<160x128xi32, #tpu.memory_space<vmem>> -> memref<1x128xi32, #tpu.memory_space<vmem>>
    %dma_wait3A_50 = tpu.memref_squeeze %dma_wait3A_49 : memref<1x128xi32, #tpu.memory_space<vmem>> -> memref<128xi32, #tpu.memory_space<vmem>>
    %dma_wait3A_51 = arith.constant 0 : i32
    %dma_wait3A_52 = arith.constant 0 : i32
    %dma_wait3A_53 = tpu.memref_slice %arg13[%dma_wait3A_51, %dma_wait3A_52] : memref<10240x64xf32, #tpu.memory_space<vmem_shared>> -> memref<10240x64xf32, #tpu.memory_space<vmem_shared>>
    tpu.wait_indirect_dma semaphore(%arg19 : memref<!tpu.dma_semaphore, #tpu.memory_space<semaphore_mem>>) src(%arg8 : memref<128x64xf32, #tpu.memory_space<vmem>>) dst(%dma_wait3A_53 : memref<10240x64xf32, #tpu.memory_space<vmem_shared>>)
    %dma_wait3A_54 = arith.constant 1 : i32
    %dma_wait3A_55 = arith.constant 0 : i32
    %dma_wait3A_56 = tpu.memref_slice %arg7[%dma_wait3A_54, %dma_wait3A_55] : memref<160x128xi32, #tpu.memory_space<vmem>> -> memref<1x128xi32, #tpu.memory_space<vmem>>
    %dma_wait3A_57 = tpu.memref_squeeze %dma_wait3A_56 : memref<1x128xi32, #tpu.memory_space<vmem>> -> memref<128xi32, #tpu.memory_space<vmem>>
    %dma_wait3A_58 = arith.constant 0 : i32
    %dma_wait3A_59 = arith.constant 0 : i32
    %dma_wait3A_60 = tpu.memref_slice %arg13[%dma_wait3A_58, %dma_wait3A_59] : memref<10240x64xf32, #tpu.memory_space<vmem_shared>> -> memref<10240x64xf32, #tpu.memory_space<vmem_shared>>
    tpu.wait_indirect_dma semaphore(%arg20 : memref<!tpu.dma_semaphore, #tpu.memory_space<semaphore_mem>>) src(%arg9 : memref<128x64xf32, #tpu.memory_space<vmem>>) dst(%dma_wait3A_60 : memref<10240x64xf32, #tpu.memory_space<vmem_shared>>)
    %dma_wait3A_61 = arith.constant 2 : i32
    %dma_wait3A_62 = arith.constant 0 : i32
    %dma_wait3A_63 = tpu.memref_slice %arg7[%dma_wait3A_61, %dma_wait3A_62] : memref<160x128xi32, #tpu.memory_space<vmem>> -> memref<1x128xi32, #tpu.memory_space<vmem>>
    %dma_wait3A_64 = tpu.memref_squeeze %dma_wait3A_63 : memref<1x128xi32, #tpu.memory_space<vmem>> -> memref<128xi32, #tpu.memory_space<vmem>>
    %dma_wait3A_65 = arith.constant 0 : i32
    %dma_wait3A_66 = arith.constant 0 : i32
    %dma_wait3A_67 = tpu.memref_slice %arg13[%dma_wait3A_65, %dma_wait3A_66] : memref<10240x64xf32, #tpu.memory_space<vmem_shared>> -> memref<10240x64xf32, #tpu.memory_space<vmem_shared>>
    tpu.wait_indirect_dma semaphore(%arg21 : memref<!tpu.dma_semaphore, #tpu.memory_space<semaphore_mem>>) src(%arg10 : memref<128x64xf32, #tpu.memory_space<vmem>>) dst(%dma_wait3A_67 : memref<10240x64xf32, #tpu.memory_space<vmem_shared>>)
    %dma_wait3A_68 = arith.constant 3 : i32
    %dma_wait3A_69 = arith.constant 0 : i32
    %dma_wait3A_70 = tpu.memref_slice %arg7[%dma_wait3A_68, %dma_wait3A_69] : memref<160x128xi32, #tpu.memory_space<vmem>> -> memref<1x128xi32, #tpu.memory_space<vmem>>
    %dma_wait3A_71 = tpu.memref_squeeze %dma_wait3A_70 : memref<1x128xi32, #tpu.memory_space<vmem>> -> memref<128xi32, #tpu.memory_space<vmem>>
    %dma_wait3A_72 = arith.constant 0 : i32
    %dma_wait3A_73 = arith.constant 0 : i32
    %dma_wait3A_74 = tpu.memref_slice %arg13[%dma_wait3A_72, %dma_wait3A_73] : memref<10240x64xf32, #tpu.memory_space<vmem_shared>> -> memref<10240x64xf32, #tpu.memory_space<vmem_shared>>
    tpu.wait_indirect_dma semaphore(%arg22 : memref<!tpu.dma_semaphore, #tpu.memory_space<semaphore_mem>>) src(%arg11 : memref<128x64xf32, #tpu.memory_space<vmem>>) dst(%dma_wait3A_74 : memref<10240x64xf32, #tpu.memory_space<vmem_shared>>)
    %dma_wait3A_75 = arith.constant 4 : i32
    %dma_wait3A_76 = arith.constant 0 : i32
    %dma_wait3A_77 = tpu.memref_slice %arg7[%dma_wait3A_75, %dma_wait3A_76] : memref<160x128xi32, #tpu.memory_space<vmem>> -> memref<1x128xi32, #tpu.memory_space<vmem>>
    %dma_wait3A_78 = tpu.memref_squeeze %dma_wait3A_77 : memref<1x128xi32, #tpu.memory_space<vmem>> -> memref<128xi32, #tpu.memory_space<vmem>>
    %dma_wait3A_79 = arith.constant 0 : i32
    %dma_wait3A_80 = arith.constant 0 : i32
    %dma_wait3A_81 = tpu.memref_slice %arg13[%dma_wait3A_79, %dma_wait3A_80] : memref<10240x64xf32, #tpu.memory_space<vmem_shared>> -> memref<10240x64xf32, #tpu.memory_space<vmem_shared>>
    tpu.wait_indirect_dma semaphore(%arg23 : memref<!tpu.dma_semaphore, #tpu.memory_space<semaphore_mem>>) src(%arg12 : memref<128x64xf32, #tpu.memory_space<vmem>>) dst(%dma_wait3A_81 : memref<10240x64xf32, #tpu.memory_space<vmem_shared>>)
    %barrier3A_82 = arith.constant 0 : index
    tpu.barrier barrier_id(%barrier3A_82)
    "tpu.region"() ({
      %run_scoped3A = tpu.sem_alloc : memref<!tpu.dma_semaphore, #tpu.memory_space<semaphore_mem>>
      %dma_start3A_83 = arith.constant 0 : i32
      %dma_start3A_84 = tpu.memref_slice %arg5[%arg0, %mul3A_0, %dma_start3A_83] : memref<2x10240x64xf32, #tpu.memory_space<hbm>> -> memref<1x640x64xf32, #tpu.memory_space<hbm>>
      %dma_start3A_85 = tpu.memref_squeeze %dma_start3A_84 : memref<1x640x64xf32, #tpu.memory_space<hbm>> -> memref<640x64xf32, #tpu.memory_space<hbm>>
      %dma_start3A_86 = arith.constant 0 : i32
      %dma_start3A_87 = tpu.memref_slice %arg13[%mul3A_0, %dma_start3A_86] : memref<10240x64xf32, #tpu.memory_space<vmem_shared>> -> memref<640x64xf32, #tpu.memory_space<vmem_shared>>
      tpu.enqueue_dma source(%dma_start3A_87 : memref<640x64xf32, #tpu.memory_space<vmem_shared>>) target(%dma_start3A_85 : memref<640x64xf32, #tpu.memory_space<hbm>>) target_semaphore(%run_scoped3A : memref<!tpu.dma_semaphore, #tpu.memory_space<semaphore_mem>>)
      %dma_wait3A_88 = arith.constant 0 : i32
      %dma_wait3A_89 = tpu.memref_slice %arg5[%arg0, %mul3A_0, %dma_wait3A_88] : memref<2x10240x64xf32, #tpu.memory_space<hbm>> -> memref<1x640x64xf32, #tpu.memory_space<hbm>>
      %dma_wait3A_90 = tpu.memref_squeeze %dma_wait3A_89 : memref<1x640x64xf32, #tpu.memory_space<hbm>> -> memref<640x64xf32, #tpu.memory_space<hbm>>
      %dma_wait3A_91 = arith.constant 0 : i32
      %dma_wait3A_92 = tpu.memref_slice %arg13[%mul3A_0, %dma_wait3A_91] : memref<10240x64xf32, #tpu.memory_space<vmem_shared>> -> memref<640x64xf32, #tpu.memory_space<vmem_shared>>
      tpu.wait_dma2 semaphore(%run_scoped3A : memref<!tpu.dma_semaphore, #tpu.memory_space<semaphore_mem>>) src(%dma_wait3A_92 : memref<640x64xf32, #tpu.memory_space<vmem_shared>>) dst(%dma_wait3A_90 : memref<640x64xf32, #tpu.memory_space<hbm>>)
      tpu.yield
    }) : () -> ()
    return
  }
}

#map = affine_map<(d0, d1) -> (0, 0, 0)>
#map1 = affine_map<(d0, d1) -> (0, 0)>
module attributes {stable_mosaic.version = 14 : i64} {
  func.func @_deg_kernel(%arg0: i32, %arg1: i32, %arg2: memref<32x80x128xi32, #tpu.memory_space<hbm>>, %arg3: memref<128x16xf32, #tpu.memory_space<hbm>>, %arg4: memref<10240x16xf32, #tpu.memory_space<hbm>>, %arg5: memref<2x10240x16xf32, #tpu.memory_space<hbm>>, %arg6: memref<80x128xi32, #tpu.memory_space<vmem>>, %arg7: memref<128x16xf32, #tpu.memory_space<vmem>>, %arg8: memref<10240x16xf32, #tpu.memory_space<vmem_shared>>, %arg9: memref<!tpu.dma_semaphore, #tpu.memory_space<semaphore_mem>>) attributes {dimension_semantics = [#tpu.dimension_semantics<core_parallel>, #tpu.dimension_semantics<subcore_parallel>], iteration_bounds = array<i64: 2, 16>, scalar_prefetch = 0 : i64, scratch_operands = 4 : i64, tpu.core_type = #tpu.core_type<sc_vector_subcore>, window_params = [{transform_indices = #map}, {transform_indices = #map1}, {transform_indices = #map1}, {transform_indices = #map}]} {
    %mul3A = arith.constant 16 : i32
    %mul3A_0 = arith.muli %arg0, %mul3A : i32
    %add3A = arith.addi %mul3A_0, %arg1 : i32
    %mul3A_1 = arith.constant 640 : i32
    %mul3A_2 = arith.muli %arg1, %mul3A_1 : i32
    "tpu.region"() ({
      %run_scoped3A = tpu.sem_alloc : memref<!tpu.dma_semaphore, #tpu.memory_space<semaphore_mem>>
      %dma_start3A = arith.constant 0 : i32
      %dma_start3A_8 = arith.constant 0 : i32
      %dma_start3A_9 = tpu.memref_slice %arg2[%add3A, %dma_start3A, %dma_start3A_8] : memref<32x80x128xi32, #tpu.memory_space<hbm>> -> memref<1x80x128xi32, #tpu.memory_space<hbm>>
      %dma_start3A_10 = tpu.memref_squeeze %dma_start3A_9 : memref<1x80x128xi32, #tpu.memory_space<hbm>> -> memref<80x128xi32, #tpu.memory_space<hbm>>
      %dma_start3A_11 = arith.constant 0 : i32
      %dma_start3A_12 = arith.constant 0 : i32
      %dma_start3A_13 = tpu.memref_slice %arg2[%add3A, %dma_start3A_11, %dma_start3A_12] : memref<32x80x128xi32, #tpu.memory_space<hbm>> -> memref<1x80x128xi32, #tpu.memory_space<hbm>>
      %dma_start3A_14 = tpu.memref_squeeze %dma_start3A_13 : memref<1x80x128xi32, #tpu.memory_space<hbm>> -> memref<80x128xi32, #tpu.memory_space<hbm>>
      tpu.enqueue_dma source(%dma_start3A_14 : memref<80x128xi32, #tpu.memory_space<hbm>>) target(%arg6 : memref<80x128xi32, #tpu.memory_space<vmem>>) target_semaphore(%run_scoped3A : memref<!tpu.dma_semaphore, #tpu.memory_space<semaphore_mem>>)
      %dma_wait3A = arith.constant 0 : i32
      %dma_wait3A_15 = arith.constant 0 : i32
      %dma_wait3A_16 = tpu.memref_slice %arg2[%add3A, %dma_wait3A, %dma_wait3A_15] : memref<32x80x128xi32, #tpu.memory_space<hbm>> -> memref<1x80x128xi32, #tpu.memory_space<hbm>>
      %dma_wait3A_17 = tpu.memref_squeeze %dma_wait3A_16 : memref<1x80x128xi32, #tpu.memory_space<hbm>> -> memref<80x128xi32, #tpu.memory_space<hbm>>
      %dma_wait3A_18 = arith.constant 0 : i32
      %dma_wait3A_19 = arith.constant 0 : i32
      %dma_wait3A_20 = tpu.memref_slice %arg2[%add3A, %dma_wait3A_18, %dma_wait3A_19] : memref<32x80x128xi32, #tpu.memory_space<hbm>> -> memref<1x80x128xi32, #tpu.memory_space<hbm>>
      %dma_wait3A_21 = tpu.memref_squeeze %dma_wait3A_20 : memref<1x80x128xi32, #tpu.memory_space<hbm>> -> memref<80x128xi32, #tpu.memory_space<hbm>>
      tpu.wait_dma2 semaphore(%run_scoped3A : memref<!tpu.dma_semaphore, #tpu.memory_space<semaphore_mem>>) src(%dma_wait3A_21 : memref<80x128xi32, #tpu.memory_space<hbm>>) dst(%arg6 : memref<80x128xi32, #tpu.memory_space<vmem>>)
      tpu.yield
    }) : () -> ()
    "tpu.region"() ({
      %run_scoped3A = tpu.sem_alloc : memref<!tpu.dma_semaphore, #tpu.memory_space<semaphore_mem>>
      tpu.enqueue_dma source(%arg3 : memref<128x16xf32, #tpu.memory_space<hbm>>) target(%arg7 : memref<128x16xf32, #tpu.memory_space<vmem>>) target_semaphore(%run_scoped3A : memref<!tpu.dma_semaphore, #tpu.memory_space<semaphore_mem>>)
      tpu.wait_dma2 semaphore(%run_scoped3A : memref<!tpu.dma_semaphore, #tpu.memory_space<semaphore_mem>>) src(%arg3 : memref<128x16xf32, #tpu.memory_space<hbm>>) dst(%arg7 : memref<128x16xf32, #tpu.memory_space<vmem>>)
      tpu.yield
    }) : () -> ()
    "tpu.region"() ({
      %run_scoped3A = tpu.sem_alloc : memref<!tpu.dma_semaphore, #tpu.memory_space<semaphore_mem>>
      %dma_start3A = arith.constant 0 : i32
      %dma_start3A_8 = tpu.memref_slice %arg8[%mul3A_2, %dma_start3A] : memref<10240x16xf32, #tpu.memory_space<vmem_shared>> -> memref<640x16xf32, #tpu.memory_space<vmem_shared>>
      %dma_start3A_9 = arith.constant 0 : i32
      %dma_start3A_10 = tpu.memref_slice %arg4[%mul3A_2, %dma_start3A_9] : memref<10240x16xf32, #tpu.memory_space<hbm>> -> memref<640x16xf32, #tpu.memory_space<hbm>>
      tpu.enqueue_dma source(%dma_start3A_10 : memref<640x16xf32, #tpu.memory_space<hbm>>) target(%dma_start3A_8 : memref<640x16xf32, #tpu.memory_space<vmem_shared>>) target_semaphore(%run_scoped3A : memref<!tpu.dma_semaphore, #tpu.memory_space<semaphore_mem>>)
      %dma_wait3A = arith.constant 0 : i32
      %dma_wait3A_11 = tpu.memref_slice %arg8[%mul3A_2, %dma_wait3A] : memref<10240x16xf32, #tpu.memory_space<vmem_shared>> -> memref<640x16xf32, #tpu.memory_space<vmem_shared>>
      %dma_wait3A_12 = arith.constant 0 : i32
      %dma_wait3A_13 = tpu.memref_slice %arg4[%mul3A_2, %dma_wait3A_12] : memref<10240x16xf32, #tpu.memory_space<hbm>> -> memref<640x16xf32, #tpu.memory_space<hbm>>
      tpu.wait_dma2 semaphore(%run_scoped3A : memref<!tpu.dma_semaphore, #tpu.memory_space<semaphore_mem>>) src(%dma_wait3A_13 : memref<640x16xf32, #tpu.memory_space<hbm>>) dst(%dma_wait3A_11 : memref<640x16xf32, #tpu.memory_space<vmem_shared>>)
      tpu.yield
    }) : () -> ()
    %barrier3A = arith.constant 0 : index
    tpu.barrier barrier_id(%barrier3A)
    %scan3A = arith.constant 0 : i32
    %scan3A_3 = arith.constant 4 : i32
    %scan3A_4 = arith.addi %scan3A, %scan3A_3 : i32
    %scan3A_5 = arith.constant 1 : i32
    scf.for %scan3A_8 = %scan3A to %scan3A_4 step %scan3A_5  : i32 {
      %mul3A_9 = arith.constant 1 : i32
      %mul3A_10 = arith.muli %scan3A_8, %mul3A_9 : i32
      %add3A_11 = arith.constant 0 : i32
      %add3A_12 = arith.addi %add3A_11, %mul3A_10 : i32
      %scan3A_13 = arith.constant 0 : i32
      %scan3A_14 = arith.constant 20 : i32
      %scan3A_15 = arith.addi %scan3A_13, %scan3A_14 : i32
      %scan3A_16 = arith.constant 1 : i32
      scf.for %scan3A_23 = %scan3A_13 to %scan3A_15 step %scan3A_16  : i32 {
        %mul3A_24 = arith.constant 1 : i32
        %mul3A_25 = arith.muli %scan3A_23, %mul3A_24 : i32
        %add3A_26 = arith.constant 0 : i32
        %add3A_27 = arith.addi %add3A_26, %mul3A_25 : i32
        %mul3A_28 = arith.constant 20 : i32
        %mul3A_29 = arith.muli %add3A_12, %mul3A_28 : i32
        %add3A_30 = arith.addi %mul3A_29, %add3A_27 : i32
        %dma_start3A = arith.constant 0 : i32
        %dma_start3A_31 = tpu.memref_slice %arg6[%add3A_30, %dma_start3A] : memref<80x128xi32, #tpu.memory_space<vmem>> -> memref<1x128xi32, #tpu.memory_space<vmem>>
        %dma_start3A_32 = tpu.memref_squeeze %dma_start3A_31 : memref<1x128xi32, #tpu.memory_space<vmem>> -> memref<128xi32, #tpu.memory_space<vmem>>
        %dma_start3A_33 = arith.constant 0 : i32
        %dma_start3A_34 = arith.constant 0 : i32
        %dma_start3A_35 = tpu.memref_slice %arg8[%dma_start3A_33, %dma_start3A_34] : memref<10240x16xf32, #tpu.memory_space<vmem_shared>> -> memref<10240x16xf32, #tpu.memory_space<vmem_shared>>
        tpu.enqueue_indirect_dma source(%arg7 : memref<128x16xf32, #tpu.memory_space<vmem>>) target(%dma_start3A_35 : memref<10240x16xf32, #tpu.memory_space<vmem_shared>>) offsets(%dma_start3A_32 : memref<128xi32, #tpu.memory_space<vmem>>) semaphore(%arg9 : memref<!tpu.dma_semaphore, #tpu.memory_space<semaphore_mem>>) {add = true}
      }
      %scan3A_17 = arith.constant 20 : i32
      %scan3A_18 = arith.constant 0 : i32
      %scan3A_19 = arith.constant 20 : i32
      %scan3A_20 = arith.addi %scan3A_18, %scan3A_19 : i32
      %scan3A_21 = arith.constant 1 : i32
      scf.for %scan3A_23 = %scan3A_18 to %scan3A_20 step %scan3A_21  : i32 {
        %mul3A_24 = arith.constant 1 : i32
        %mul3A_25 = arith.muli %scan3A_23, %mul3A_24 : i32
        %add3A_26 = arith.constant 0 : i32
        %add3A_27 = arith.addi %add3A_26, %mul3A_25 : i32
        %mul3A_28 = arith.constant 20 : i32
        %mul3A_29 = arith.muli %add3A_12, %mul3A_28 : i32
        %add3A_30 = arith.addi %mul3A_29, %add3A_27 : i32
        %dma_wait3A = arith.constant 0 : i32
        %dma_wait3A_31 = tpu.memref_slice %arg6[%add3A_30, %dma_wait3A] : memref<80x128xi32, #tpu.memory_space<vmem>> -> memref<1x128xi32, #tpu.memory_space<vmem>>
        %dma_wait3A_32 = tpu.memref_squeeze %dma_wait3A_31 : memref<1x128xi32, #tpu.memory_space<vmem>> -> memref<128xi32, #tpu.memory_space<vmem>>
        %dma_wait3A_33 = arith.constant 0 : i32
        %dma_wait3A_34 = arith.constant 0 : i32
        %dma_wait3A_35 = tpu.memref_slice %arg8[%dma_wait3A_33, %dma_wait3A_34] : memref<10240x16xf32, #tpu.memory_space<vmem_shared>> -> memref<10240x16xf32, #tpu.memory_space<vmem_shared>>
        tpu.wait_indirect_dma semaphore(%arg9 : memref<!tpu.dma_semaphore, #tpu.memory_space<semaphore_mem>>) src(%arg7 : memref<128x16xf32, #tpu.memory_space<vmem>>) dst(%dma_wait3A_35 : memref<10240x16xf32, #tpu.memory_space<vmem_shared>>)
      }
      %scan3A_22 = arith.constant 20 : i32
    }
    %scan3A_6 = arith.constant 4 : i32
    %barrier3A_7 = arith.constant 0 : index
    tpu.barrier barrier_id(%barrier3A_7)
    "tpu.region"() ({
      %run_scoped3A = tpu.sem_alloc : memref<!tpu.dma_semaphore, #tpu.memory_space<semaphore_mem>>
      %dma_start3A = arith.constant 0 : i32
      %dma_start3A_8 = tpu.memref_slice %arg5[%arg0, %mul3A_2, %dma_start3A] : memref<2x10240x16xf32, #tpu.memory_space<hbm>> -> memref<1x640x16xf32, #tpu.memory_space<hbm>>
      %dma_start3A_9 = tpu.memref_squeeze %dma_start3A_8 : memref<1x640x16xf32, #tpu.memory_space<hbm>> -> memref<640x16xf32, #tpu.memory_space<hbm>>
      %dma_start3A_10 = arith.constant 0 : i32
      %dma_start3A_11 = tpu.memref_slice %arg8[%mul3A_2, %dma_start3A_10] : memref<10240x16xf32, #tpu.memory_space<vmem_shared>> -> memref<640x16xf32, #tpu.memory_space<vmem_shared>>
      tpu.enqueue_dma source(%dma_start3A_11 : memref<640x16xf32, #tpu.memory_space<vmem_shared>>) target(%dma_start3A_9 : memref<640x16xf32, #tpu.memory_space<hbm>>) target_semaphore(%run_scoped3A : memref<!tpu.dma_semaphore, #tpu.memory_space<semaphore_mem>>)
      %dma_wait3A = arith.constant 0 : i32
      %dma_wait3A_12 = tpu.memref_slice %arg5[%arg0, %mul3A_2, %dma_wait3A] : memref<2x10240x16xf32, #tpu.memory_space<hbm>> -> memref<1x640x16xf32, #tpu.memory_space<hbm>>
      %dma_wait3A_13 = tpu.memref_squeeze %dma_wait3A_12 : memref<1x640x16xf32, #tpu.memory_space<hbm>> -> memref<640x16xf32, #tpu.memory_space<hbm>>
      %dma_wait3A_14 = arith.constant 0 : i32
      %dma_wait3A_15 = tpu.memref_slice %arg8[%mul3A_2, %dma_wait3A_14] : memref<10240x16xf32, #tpu.memory_space<vmem_shared>> -> memref<640x16xf32, #tpu.memory_space<vmem_shared>>
      tpu.wait_dma2 semaphore(%run_scoped3A : memref<!tpu.dma_semaphore, #tpu.memory_space<semaphore_mem>>) src(%dma_wait3A_15 : memref<640x16xf32, #tpu.memory_space<vmem_shared>>) dst(%dma_wait3A_13 : memref<640x16xf32, #tpu.memory_space<hbm>>)
      tpu.yield
    }) : () -> ()
    return
  }
}

#map = affine_map<(d0, d1) -> (0, 0, 0)>
module attributes {stable_mosaic.version = 14 : i64} {
  func.func @_scatter_kernel(%arg0: i32, %arg1: i32, %arg2: memref<2x10240x64xf32, #tpu.memory_space<hbm>>, %arg3: memref<16x160x128xi32, #tpu.memory_space<hbm>>, %arg4: memref<16x160x128xi32, #tpu.memory_space<hbm>>, %arg5: memref<2x10240x64xf32, #tpu.memory_space<hbm>>, %arg6: memref<160x128xi32, #tpu.memory_space<vmem>>, %arg7: memref<160x128xi32, #tpu.memory_space<vmem>>, %arg8: memref<128x64xf32, #tpu.memory_space<vmem>>, %arg9: memref<128x64xf32, #tpu.memory_space<vmem>>, %arg10: memref<128x64xf32, #tpu.memory_space<vmem>>, %arg11: memref<128x64xf32, #tpu.memory_space<vmem>>, %arg12: memref<128x64xf32, #tpu.memory_space<vmem>>, %arg13: memref<10240x64xf32, #tpu.memory_space<vmem_shared>>, %arg14: memref<!tpu.dma_semaphore, #tpu.memory_space<semaphore_mem>>, %arg15: memref<!tpu.dma_semaphore, #tpu.memory_space<semaphore_mem>>, %arg16: memref<!tpu.dma_semaphore, #tpu.memory_space<semaphore_mem>>, %arg17: memref<!tpu.dma_semaphore, #tpu.memory_space<semaphore_mem>>, %arg18: memref<!tpu.dma_semaphore, #tpu.memory_space<semaphore_mem>>, %arg19: memref<!tpu.dma_semaphore, #tpu.memory_space<semaphore_mem>>, %arg20: memref<!tpu.dma_semaphore, #tpu.memory_space<semaphore_mem>>, %arg21: memref<!tpu.dma_semaphore, #tpu.memory_space<semaphore_mem>>, %arg22: memref<!tpu.dma_semaphore, #tpu.memory_space<semaphore_mem>>, %arg23: memref<!tpu.dma_semaphore, #tpu.memory_space<semaphore_mem>>) attributes {dimension_semantics = [#tpu.dimension_semantics<core_parallel>, #tpu.dimension_semantics<subcore_parallel>], iteration_bounds = array<i64: 2, 16>, scalar_prefetch = 0 : i64, scratch_operands = 18 : i64, tpu.core_type = #tpu.core_type<sc_vector_subcore>, window_params = [{transform_indices = #map}, {transform_indices = #map}, {transform_indices = #map}, {transform_indices = #map}]} {
    %mul3A = arith.constant 640 : i32
    %mul3A_0 = arith.muli %arg1, %mul3A : i32
    "tpu.region"() ({
      %run_scoped3A = tpu.sem_alloc : memref<!tpu.dma_semaphore, #tpu.memory_space<semaphore_mem>>
      %dma_start3A_83 = arith.constant 0 : i32
      %dma_start3A_84 = arith.constant 0 : i32
      %dma_start3A_85 = tpu.memref_slice %arg3[%arg1, %dma_start3A_83, %dma_start3A_84] : memref<16x160x128xi32, #tpu.memory_space<hbm>> -> memref<1x160x128xi32, #tpu.memory_space<hbm>>
      %dma_start3A_86 = tpu.memref_squeeze %dma_start3A_85 : memref<1x160x128xi32, #tpu.memory_space<hbm>> -> memref<160x128xi32, #tpu.memory_space<hbm>>
      %dma_start3A_87 = arith.constant 0 : i32
      %dma_start3A_88 = arith.constant 0 : i32
      %dma_start3A_89 = tpu.memref_slice %arg3[%arg1, %dma_start3A_87, %dma_start3A_88] : memref<16x160x128xi32, #tpu.memory_space<hbm>> -> memref<1x160x128xi32, #tpu.memory_space<hbm>>
      %dma_start3A_90 = tpu.memref_squeeze %dma_start3A_89 : memref<1x160x128xi32, #tpu.memory_space<hbm>> -> memref<160x128xi32, #tpu.memory_space<hbm>>
      tpu.enqueue_dma source(%dma_start3A_90 : memref<160x128xi32, #tpu.memory_space<hbm>>) target(%arg6 : memref<160x128xi32, #tpu.memory_space<vmem>>) target_semaphore(%run_scoped3A : memref<!tpu.dma_semaphore, #tpu.memory_space<semaphore_mem>>)
      %dma_wait3A_91 = arith.constant 0 : i32
      %dma_wait3A_92 = arith.constant 0 : i32
      %dma_wait3A_93 = tpu.memref_slice %arg3[%arg1, %dma_wait3A_91, %dma_wait3A_92] : memref<16x160x128xi32, #tpu.memory_space<hbm>> -> memref<1x160x128xi32, #tpu.memory_space<hbm>>
      %dma_wait3A_94 = tpu.memref_squeeze %dma_wait3A_93 : memref<1x160x128xi32, #tpu.memory_space<hbm>> -> memref<160x128xi32, #tpu.memory_space<hbm>>
      %dma_wait3A_95 = arith.constant 0 : i32
      %dma_wait3A_96 = arith.constant 0 : i32
      %dma_wait3A_97 = tpu.memref_slice %arg3[%arg1, %dma_wait3A_95, %dma_wait3A_96] : memref<16x160x128xi32, #tpu.memory_space<hbm>> -> memref<1x160x128xi32, #tpu.memory_space<hbm>>
      %dma_wait3A_98 = tpu.memref_squeeze %dma_wait3A_97 : memref<1x160x128xi32, #tpu.memory_space<hbm>> -> memref<160x128xi32, #tpu.memory_space<hbm>>
      tpu.wait_dma2 semaphore(%run_scoped3A : memref<!tpu.dma_semaphore, #tpu.memory_space<semaphore_mem>>) src(%dma_wait3A_98 : memref<160x128xi32, #tpu.memory_space<hbm>>) dst(%arg6 : memref<160x128xi32, #tpu.memory_space<vmem>>)
      tpu.yield
    }) : () -> ()
    "tpu.region"() ({
      %run_scoped3A = tpu.sem_alloc : memref<!tpu.dma_semaphore, #tpu.memory_space<semaphore_mem>>
      %dma_start3A_83 = arith.constant 0 : i32
      %dma_start3A_84 = arith.constant 0 : i32
      %dma_start3A_85 = tpu.memref_slice %arg4[%arg1, %dma_start3A_83, %dma_start3A_84] : memref<16x160x128xi32, #tpu.memory_space<hbm>> -> memref<1x160x128xi32, #tpu.memory_space<hbm>>
      %dma_start3A_86 = tpu.memref_squeeze %dma_start3A_85 : memref<1x160x128xi32, #tpu.memory_space<hbm>> -> memref<160x128xi32, #tpu.memory_space<hbm>>
      %dma_start3A_87 = arith.constant 0 : i32
      %dma_start3A_88 = arith.constant 0 : i32
      %dma_start3A_89 = tpu.memref_slice %arg4[%arg1, %dma_start3A_87, %dma_start3A_88] : memref<16x160x128xi32, #tpu.memory_space<hbm>> -> memref<1x160x128xi32, #tpu.memory_space<hbm>>
      %dma_start3A_90 = tpu.memref_squeeze %dma_start3A_89 : memref<1x160x128xi32, #tpu.memory_space<hbm>> -> memref<160x128xi32, #tpu.memory_space<hbm>>
      tpu.enqueue_dma source(%dma_start3A_90 : memref<160x128xi32, #tpu.memory_space<hbm>>) target(%arg7 : memref<160x128xi32, #tpu.memory_space<vmem>>) target_semaphore(%run_scoped3A : memref<!tpu.dma_semaphore, #tpu.memory_space<semaphore_mem>>)
      %dma_wait3A_91 = arith.constant 0 : i32
      %dma_wait3A_92 = arith.constant 0 : i32
      %dma_wait3A_93 = tpu.memref_slice %arg4[%arg1, %dma_wait3A_91, %dma_wait3A_92] : memref<16x160x128xi32, #tpu.memory_space<hbm>> -> memref<1x160x128xi32, #tpu.memory_space<hbm>>
      %dma_wait3A_94 = tpu.memref_squeeze %dma_wait3A_93 : memref<1x160x128xi32, #tpu.memory_space<hbm>> -> memref<160x128xi32, #tpu.memory_space<hbm>>
      %dma_wait3A_95 = arith.constant 0 : i32
      %dma_wait3A_96 = arith.constant 0 : i32
      %dma_wait3A_97 = tpu.memref_slice %arg4[%arg1, %dma_wait3A_95, %dma_wait3A_96] : memref<16x160x128xi32, #tpu.memory_space<hbm>> -> memref<1x160x128xi32, #tpu.memory_space<hbm>>
      %dma_wait3A_98 = tpu.memref_squeeze %dma_wait3A_97 : memref<1x160x128xi32, #tpu.memory_space<hbm>> -> memref<160x128xi32, #tpu.memory_space<hbm>>
      tpu.wait_dma2 semaphore(%run_scoped3A : memref<!tpu.dma_semaphore, #tpu.memory_space<semaphore_mem>>) src(%dma_wait3A_98 : memref<160x128xi32, #tpu.memory_space<hbm>>) dst(%arg7 : memref<160x128xi32, #tpu.memory_space<vmem>>)
      tpu.yield
    }) : () -> ()
    "tpu.region"() ({
      %run_scoped3A = tpu.sem_alloc : memref<!tpu.dma_semaphore, #tpu.memory_space<semaphore_mem>>
      %dma_start3A_83 = arith.constant 0 : i32
      %dma_start3A_84 = tpu.memref_slice %arg13[%mul3A_0, %dma_start3A_83] : memref<10240x64xf32, #tpu.memory_space<vmem_shared>> -> memref<640x64xf32, #tpu.memory_space<vmem_shared>>
      %dma_start3A_85 = arith.constant 0 : i32
      %dma_start3A_86 = tpu.memref_slice %arg2[%arg0, %mul3A_0, %dma_start3A_85] : memref<2x10240x64xf32, #tpu.memory_space<hbm>> -> memref<1x640x64xf32, #tpu.memory_space<hbm>>
      %dma_start3A_87 = tpu.memref_squeeze %dma_start3A_86 : memref<1x640x64xf32, #tpu.memory_space<hbm>> -> memref<640x64xf32, #tpu.memory_space<hbm>>
      tpu.enqueue_dma source(%dma_start3A_87 : memref<640x64xf32, #tpu.memory_space<hbm>>) target(%dma_start3A_84 : memref<640x64xf32, #tpu.memory_space<vmem_shared>>) target_semaphore(%run_scoped3A : memref<!tpu.dma_semaphore, #tpu.memory_space<semaphore_mem>>)
      %dma_wait3A_88 = arith.constant 0 : i32
      %dma_wait3A_89 = tpu.memref_slice %arg13[%mul3A_0, %dma_wait3A_88] : memref<10240x64xf32, #tpu.memory_space<vmem_shared>> -> memref<640x64xf32, #tpu.memory_space<vmem_shared>>
      %dma_wait3A_90 = arith.constant 0 : i32
      %dma_wait3A_91 = tpu.memref_slice %arg2[%arg0, %mul3A_0, %dma_wait3A_90] : memref<2x10240x64xf32, #tpu.memory_space<hbm>> -> memref<1x640x64xf32, #tpu.memory_space<hbm>>
      %dma_wait3A_92 = tpu.memref_squeeze %dma_wait3A_91 : memref<1x640x64xf32, #tpu.memory_space<hbm>> -> memref<640x64xf32, #tpu.memory_space<hbm>>
      tpu.wait_dma2 semaphore(%run_scoped3A : memref<!tpu.dma_semaphore, #tpu.memory_space<semaphore_mem>>) src(%dma_wait3A_92 : memref<640x64xf32, #tpu.memory_space<hbm>>) dst(%dma_wait3A_89 : memref<640x64xf32, #tpu.memory_space<vmem_shared>>)
      tpu.yield
    }) : () -> ()
    %barrier3A = arith.constant 0 : index
    tpu.barrier barrier_id(%barrier3A)
    %dma_start3A = arith.constant 0 : i32
    %dma_start3A_1 = arith.constant 0 : i32
    %dma_start3A_2 = tpu.memref_slice %arg6[%dma_start3A, %dma_start3A_1] : memref<160x128xi32, #tpu.memory_space<vmem>> -> memref<1x128xi32, #tpu.memory_space<vmem>>
    %dma_start3A_3 = tpu.memref_squeeze %dma_start3A_2 : memref<1x128xi32, #tpu.memory_space<vmem>> -> memref<128xi32, #tpu.memory_space<vmem>>
    %dma_start3A_4 = arith.constant 0 : i32
    %dma_start3A_5 = arith.constant 0 : i32
    %dma_start3A_6 = tpu.memref_slice %arg2[%arg0, %dma_start3A_4, %dma_start3A_5] : memref<2x10240x64xf32, #tpu.memory_space<hbm>> -> memref<1x10240x64xf32, #tpu.memory_space<hbm>>
    %dma_start3A_7 = tpu.memref_squeeze %dma_start3A_6 : memref<1x10240x64xf32, #tpu.memory_space<hbm>> -> memref<10240x64xf32, #tpu.memory_space<hbm>>
    %dma_start3A_8 = arith.constant 0 : i32
    %dma_start3A_9 = arith.constant 0 : i32
    %dma_start3A_10 = tpu.memref_slice %dma_start3A_7[%dma_start3A_8, %dma_start3A_9] : memref<10240x64xf32, #tpu.memory_space<hbm>> -> memref<10240x64xf32, #tpu.memory_space<hbm>>
    tpu.enqueue_indirect_dma source(%dma_start3A_10 : memref<10240x64xf32, #tpu.memory_space<hbm>>) target(%arg8 : memref<128x64xf32, #tpu.memory_space<vmem>>) offsets(%dma_start3A_3 : memref<128xi32, #tpu.memory_space<vmem>>) semaphore(%arg14 : memref<!tpu.dma_semaphore, #tpu.memory_space<semaphore_mem>>)
    %dma_start3A_11 = arith.constant 1 : i32
    %dma_start3A_12 = arith.constant 0 : i32
    %dma_start3A_13 = tpu.memref_slice %arg6[%dma_start3A_11, %dma_start3A_12] : memref<160x128xi32, #tpu.memory_space<vmem>> -> memref<1x128xi32, #tpu.memory_space<vmem>>
    %dma_start3A_14 = tpu.memref_squeeze %dma_start3A_13 : memref<1x128xi32, #tpu.memory_space<vmem>> -> memref<128xi32, #tpu.memory_space<vmem>>
    %dma_start3A_15 = arith.constant 0 : i32
    %dma_start3A_16 = arith.constant 0 : i32
    %dma_start3A_17 = tpu.memref_slice %arg2[%arg0, %dma_start3A_15, %dma_start3A_16] : memref<2x10240x64xf32, #tpu.memory_space<hbm>> -> memref<1x10240x64xf32, #tpu.memory_space<hbm>>
    %dma_start3A_18 = tpu.memref_squeeze %dma_start3A_17 : memref<1x10240x64xf32, #tpu.memory_space<hbm>> -> memref<10240x64xf32, #tpu.memory_space<hbm>>
    %dma_start3A_19 = arith.constant 0 : i32
    %dma_start3A_20 = arith.constant 0 : i32
    %dma_start3A_21 = tpu.memref_slice %dma_start3A_18[%dma_start3A_19, %dma_start3A_20] : memref<10240x64xf32, #tpu.memory_space<hbm>> -> memref<10240x64xf32, #tpu.memory_space<hbm>>
    tpu.enqueue_indirect_dma source(%dma_start3A_21 : memref<10240x64xf32, #tpu.memory_space<hbm>>) target(%arg9 : memref<128x64xf32, #tpu.memory_space<vmem>>) offsets(%dma_start3A_14 : memref<128xi32, #tpu.memory_space<vmem>>) semaphore(%arg15 : memref<!tpu.dma_semaphore, #tpu.memory_space<semaphore_mem>>)
    %dma_start3A_22 = arith.constant 2 : i32
    %dma_start3A_23 = arith.constant 0 : i32
    %dma_start3A_24 = tpu.memref_slice %arg6[%dma_start3A_22, %dma_start3A_23] : memref<160x128xi32, #tpu.memory_space<vmem>> -> memref<1x128xi32, #tpu.memory_space<vmem>>
    %dma_start3A_25 = tpu.memref_squeeze %dma_start3A_24 : memref<1x128xi32, #tpu.memory_space<vmem>> -> memref<128xi32, #tpu.memory_space<vmem>>
    %dma_start3A_26 = arith.constant 0 : i32
    %dma_start3A_27 = arith.constant 0 : i32
    %dma_start3A_28 = tpu.memref_slice %arg2[%arg0, %dma_start3A_26, %dma_start3A_27] : memref<2x10240x64xf32, #tpu.memory_space<hbm>> -> memref<1x10240x64xf32, #tpu.memory_space<hbm>>
    %dma_start3A_29 = tpu.memref_squeeze %dma_start3A_28 : memref<1x10240x64xf32, #tpu.memory_space<hbm>> -> memref<10240x64xf32, #tpu.memory_space<hbm>>
    %dma_start3A_30 = arith.constant 0 : i32
    %dma_start3A_31 = arith.constant 0 : i32
    %dma_start3A_32 = tpu.memref_slice %dma_start3A_29[%dma_start3A_30, %dma_start3A_31] : memref<10240x64xf32, #tpu.memory_space<hbm>> -> memref<10240x64xf32, #tpu.memory_space<hbm>>
    tpu.enqueue_indirect_dma source(%dma_start3A_32 : memref<10240x64xf32, #tpu.memory_space<hbm>>) target(%arg10 : memref<128x64xf32, #tpu.memory_space<vmem>>) offsets(%dma_start3A_25 : memref<128xi32, #tpu.memory_space<vmem>>) semaphore(%arg16 : memref<!tpu.dma_semaphore, #tpu.memory_space<semaphore_mem>>)
    %dma_start3A_33 = arith.constant 3 : i32
    %dma_start3A_34 = arith.constant 0 : i32
    %dma_start3A_35 = tpu.memref_slice %arg6[%dma_start3A_33, %dma_start3A_34] : memref<160x128xi32, #tpu.memory_space<vmem>> -> memref<1x128xi32, #tpu.memory_space<vmem>>
    %dma_start3A_36 = tpu.memref_squeeze %dma_start3A_35 : memref<1x128xi32, #tpu.memory_space<vmem>> -> memref<128xi32, #tpu.memory_space<vmem>>
    %dma_start3A_37 = arith.constant 0 : i32
    %dma_start3A_38 = arith.constant 0 : i32
    %dma_start3A_39 = tpu.memref_slice %arg2[%arg0, %dma_start3A_37, %dma_start3A_38] : memref<2x10240x64xf32, #tpu.memory_space<hbm>> -> memref<1x10240x64xf32, #tpu.memory_space<hbm>>
    %dma_start3A_40 = tpu.memref_squeeze %dma_start3A_39 : memref<1x10240x64xf32, #tpu.memory_space<hbm>> -> memref<10240x64xf32, #tpu.memory_space<hbm>>
    %dma_start3A_41 = arith.constant 0 : i32
    %dma_start3A_42 = arith.constant 0 : i32
    %dma_start3A_43 = tpu.memref_slice %dma_start3A_40[%dma_start3A_41, %dma_start3A_42] : memref<10240x64xf32, #tpu.memory_space<hbm>> -> memref<10240x64xf32, #tpu.memory_space<hbm>>
    tpu.enqueue_indirect_dma source(%dma_start3A_43 : memref<10240x64xf32, #tpu.memory_space<hbm>>) target(%arg11 : memref<128x64xf32, #tpu.memory_space<vmem>>) offsets(%dma_start3A_36 : memref<128xi32, #tpu.memory_space<vmem>>) semaphore(%arg17 : memref<!tpu.dma_semaphore, #tpu.memory_space<semaphore_mem>>)
    %scan3A = arith.constant 0 : i32
    %scan3A_44 = arith.constant 32 : i32
    %scan3A_45 = arith.addi %scan3A, %scan3A_44 : i32
    %scan3A_46 = arith.constant 1 : i32
    scf.for %scan3A_83 = %scan3A to %scan3A_45 step %scan3A_46  : i32 {
      %mul3A_84 = arith.constant 1 : i32
      %mul3A_85 = arith.muli %scan3A_83, %mul3A_84 : i32
      %add3A = arith.constant 0 : i32
      %add3A_86 = arith.addi %add3A, %mul3A_85 : i32
      %mul3A_87 = arith.constant 5 : i32
      %mul3A_88 = arith.muli %add3A_86, %mul3A_87 : i32
      %add3A_89 = arith.constant 0 : i32
      %add3A_90 = arith.addi %mul3A_88, %add3A_89 : i32
      %add3A_91 = arith.constant 5 : i32
      %add3A_92 = arith.addi %add3A_90, %add3A_91 : i32
      %sub3A = arith.constant 1 : i32
      %sub3A_93 = arith.subi %add3A_92, %sub3A : i32
      %lt3A = arith.constant 160 : i32
      %lt3A_94 = arith.cmpi slt, %sub3A_93, %lt3A : i32
      %convert_element_type3A = arith.extui %lt3A_94 : i1 to i32
      %cond3A = arith.constant 0 : i32
      %cond3A_95 = arith.cmpi ne, %convert_element_type3A, %cond3A : i32
      scf.if %cond3A_95 {
        %ge3A = arith.constant 5 : i32
        %ge3A_240 = arith.cmpi sge, %sub3A_93, %ge3A : i32
        %convert_element_type3A_241 = arith.extui %ge3A_240 : i1 to i32
        %cond3A_242 = arith.constant 0 : i32
        %cond3A_243 = arith.cmpi ne, %convert_element_type3A_241, %cond3A_242 : i32
        scf.if %cond3A_243 {
          %dma_wait3A_254 = arith.constant 0 : i32
          %dma_wait3A_255 = tpu.memref_slice %arg7[%sub3A_93, %dma_wait3A_254] : memref<160x128xi32, #tpu.memory_space<vmem>> -> memref<1x128xi32, #tpu.memory_space<vmem>>
          %dma_wait3A_256 = tpu.memref_squeeze %dma_wait3A_255 : memref<1x128xi32, #tpu.memory_space<vmem>> -> memref<128xi32, #tpu.memory_space<vmem>>
          %dma_wait3A_257 = arith.constant 0 : i32
          %dma_wait3A_258 = arith.constant 0 : i32
          %dma_wait3A_259 = tpu.memref_slice %arg13[%dma_wait3A_257, %dma_wait3A_258] : memref<10240x64xf32, #tpu.memory_space<vmem_shared>> -> memref<10240x64xf32, #tpu.memory_space<vmem_shared>>
          tpu.wait_indirect_dma semaphore(%arg23 : memref<!tpu.dma_semaphore, #tpu.memory_space<semaphore_mem>>) src(%arg12 : memref<128x64xf32, #tpu.memory_space<vmem>>) dst(%dma_wait3A_259 : memref<10240x64xf32, #tpu.memory_space<vmem_shared>>)
        } else {
        }
        %dma_start3A_244 = arith.constant 0 : i32
        %dma_start3A_245 = tpu.memref_slice %arg6[%sub3A_93, %dma_start3A_244] : memref<160x128xi32, #tpu.memory_space<vmem>> -> memref<1x128xi32, #tpu.memory_space<vmem>>
        %dma_start3A_246 = tpu.memref_squeeze %dma_start3A_245 : memref<1x128xi32, #tpu.memory_space<vmem>> -> memref<128xi32, #tpu.memory_space<vmem>>
        %dma_start3A_247 = arith.constant 0 : i32
        %dma_start3A_248 = arith.constant 0 : i32
        %dma_start3A_249 = tpu.memref_slice %arg2[%arg0, %dma_start3A_247, %dma_start3A_248] : memref<2x10240x64xf32, #tpu.memory_space<hbm>> -> memref<1x10240x64xf32, #tpu.memory_space<hbm>>
        %dma_start3A_250 = tpu.memref_squeeze %dma_start3A_249 : memref<1x10240x64xf32, #tpu.memory_space<hbm>> -> memref<10240x64xf32, #tpu.memory_space<hbm>>
        %dma_start3A_251 = arith.constant 0 : i32
        %dma_start3A_252 = arith.constant 0 : i32
        %dma_start3A_253 = tpu.memref_slice %dma_start3A_250[%dma_start3A_251, %dma_start3A_252] : memref<10240x64xf32, #tpu.memory_space<hbm>> -> memref<10240x64xf32, #tpu.memory_space<hbm>>
        tpu.enqueue_indirect_dma source(%dma_start3A_253 : memref<10240x64xf32, #tpu.memory_space<hbm>>) target(%arg12 : memref<128x64xf32, #tpu.memory_space<vmem>>) offsets(%dma_start3A_246 : memref<128xi32, #tpu.memory_space<vmem>>) semaphore(%arg18 : memref<!tpu.dma_semaphore, #tpu.memory_space<semaphore_mem>>)
      } else {
      }
      %add3A_96 = arith.constant 0 : i32
      %add3A_97 = arith.addi %mul3A_88, %add3A_96 : i32
      %dma_wait3A_98 = arith.constant 0 : i32
      %dma_wait3A_99 = tpu.memref_slice %arg6[%add3A_97, %dma_wait3A_98] : memref<160x128xi32, #tpu.memory_space<vmem>> -> memref<1x128xi32, #tpu.memory_space<vmem>>
      %dma_wait3A_100 = tpu.memref_squeeze %dma_wait3A_99 : memref<1x128xi32, #tpu.memory_space<vmem>> -> memref<128xi32, #tpu.memory_space<vmem>>
      %dma_wait3A_101 = arith.constant 0 : i32
      %dma_wait3A_102 = arith.constant 0 : i32
      %dma_wait3A_103 = tpu.memref_slice %arg2[%arg0, %dma_wait3A_101, %dma_wait3A_102] : memref<2x10240x64xf32, #tpu.memory_space<hbm>> -> memref<1x10240x64xf32, #tpu.memory_space<hbm>>
      %dma_wait3A_104 = tpu.memref_squeeze %dma_wait3A_103 : memref<1x10240x64xf32, #tpu.memory_space<hbm>> -> memref<10240x64xf32, #tpu.memory_space<hbm>>
      %dma_wait3A_105 = arith.constant 0 : i32
      %dma_wait3A_106 = arith.constant 0 : i32
      %dma_wait3A_107 = tpu.memref_slice %dma_wait3A_104[%dma_wait3A_105, %dma_wait3A_106] : memref<10240x64xf32, #tpu.memory_space<hbm>> -> memref<10240x64xf32, #tpu.memory_space<hbm>>
      tpu.wait_indirect_dma semaphore(%arg14 : memref<!tpu.dma_semaphore, #tpu.memory_space<semaphore_mem>>) src(%dma_wait3A_107 : memref<10240x64xf32, #tpu.memory_space<hbm>>) dst(%arg8 : memref<128x64xf32, #tpu.memory_space<vmem>>)
      %add3A_108 = arith.constant 0 : i32
      %add3A_109 = arith.addi %mul3A_88, %add3A_108 : i32
      %dma_start3A_110 = arith.constant 0 : i32
      %dma_start3A_111 = tpu.memref_slice %arg7[%add3A_109, %dma_start3A_110] : memref<160x128xi32, #tpu.memory_space<vmem>> -> memref<1x128xi32, #tpu.memory_space<vmem>>
      %dma_start3A_112 = tpu.memref_squeeze %dma_start3A_111 : memref<1x128xi32, #tpu.memory_space<vmem>> -> memref<128xi32, #tpu.memory_space<vmem>>
      %dma_start3A_113 = arith.constant 0 : i32
      %dma_start3A_114 = arith.constant 0 : i32
      %dma_start3A_115 = tpu.memref_slice %arg13[%dma_start3A_113, %dma_start3A_114] : memref<10240x64xf32, #tpu.memory_space<vmem_shared>> -> memref<10240x64xf32, #tpu.memory_space<vmem_shared>>
      tpu.enqueue_indirect_dma source(%arg8 : memref<128x64xf32, #tpu.memory_space<vmem>>) target(%dma_start3A_115 : memref<10240x64xf32, #tpu.memory_space<vmem_shared>>) offsets(%dma_start3A_112 : memref<128xi32, #tpu.memory_space<vmem>>) semaphore(%arg19 : memref<!tpu.dma_semaphore, #tpu.memory_space<semaphore_mem>>) {add = true}
      %add3A_116 = arith.constant 1 : i32
      %add3A_117 = arith.addi %mul3A_88, %add3A_116 : i32
      %add3A_118 = arith.constant 5 : i32
      %add3A_119 = arith.addi %add3A_117, %add3A_118 : i32
      %sub3A_120 = arith.constant 1 : i32
      %sub3A_121 = arith.subi %add3A_119, %sub3A_120 : i32
      %lt3A_122 = arith.constant 160 : i32
      %lt3A_123 = arith.cmpi slt, %sub3A_121, %lt3A_122 : i32
      %convert_element_type3A_124 = arith.extui %lt3A_123 : i1 to i32
      %cond3A_125 = arith.constant 0 : i32
      %cond3A_126 = arith.cmpi ne, %convert_element_type3A_124, %cond3A_125 : i32
      scf.if %cond3A_126 {
        %ge3A = arith.constant 5 : i32
        %ge3A_240 = arith.cmpi sge, %sub3A_121, %ge3A : i32
        %convert_element_type3A_241 = arith.extui %ge3A_240 : i1 to i32
        %cond3A_242 = arith.constant 0 : i32
        %cond3A_243 = arith.cmpi ne, %convert_element_type3A_241, %cond3A_242 : i32
        scf.if %cond3A_243 {
          %dma_wait3A_254 = arith.constant 0 : i32
          %dma_wait3A_255 = tpu.memref_slice %arg7[%sub3A_121, %dma_wait3A_254] : memref<160x128xi32, #tpu.memory_space<vmem>> -> memref<1x128xi32, #tpu.memory_space<vmem>>
          %dma_wait3A_256 = tpu.memref_squeeze %dma_wait3A_255 : memref<1x128xi32, #tpu.memory_space<vmem>> -> memref<128xi32, #tpu.memory_space<vmem>>
          %dma_wait3A_257 = arith.constant 0 : i32
          %dma_wait3A_258 = arith.constant 0 : i32
          %dma_wait3A_259 = tpu.memref_slice %arg13[%dma_wait3A_257, %dma_wait3A_258] : memref<10240x64xf32, #tpu.memory_space<vmem_shared>> -> memref<10240x64xf32, #tpu.memory_space<vmem_shared>>
          tpu.wait_indirect_dma semaphore(%arg19 : memref<!tpu.dma_semaphore, #tpu.memory_space<semaphore_mem>>) src(%arg8 : memref<128x64xf32, #tpu.memory_space<vmem>>) dst(%dma_wait3A_259 : memref<10240x64xf32, #tpu.memory_space<vmem_shared>>)
        } else {
        }
        %dma_start3A_244 = arith.constant 0 : i32
        %dma_start3A_245 = tpu.memref_slice %arg6[%sub3A_121, %dma_start3A_244] : memref<160x128xi32, #tpu.memory_space<vmem>> -> memref<1x128xi32, #tpu.memory_space<vmem>>
        %dma_start3A_246 = tpu.memref_squeeze %dma_start3A_245 : memref<1x128xi32, #tpu.memory_space<vmem>> -> memref<128xi32, #tpu.memory_space<vmem>>
        %dma_start3A_247 = arith.constant 0 : i32
        %dma_start3A_248 = arith.constant 0 : i32
        %dma_start3A_249 = tpu.memref_slice %arg2[%arg0, %dma_start3A_247, %dma_start3A_248] : memref<2x10240x64xf32, #tpu.memory_space<hbm>> -> memref<1x10240x64xf32, #tpu.memory_space<hbm>>
        %dma_start3A_250 = tpu.memref_squeeze %dma_start3A_249 : memref<1x10240x64xf32, #tpu.memory_space<hbm>> -> memref<10240x64xf32, #tpu.memory_space<hbm>>
        %dma_start3A_251 = arith.constant 0 : i32
        %dma_start3A_252 = arith.constant 0 : i32
        %dma_start3A_253 = tpu.memref_slice %dma_start3A_250[%dma_start3A_251, %dma_start3A_252] : memref<10240x64xf32, #tpu.memory_space<hbm>> -> memref<10240x64xf32, #tpu.memory_space<hbm>>
        tpu.enqueue_indirect_dma source(%dma_start3A_253 : memref<10240x64xf32, #tpu.memory_space<hbm>>) target(%arg8 : memref<128x64xf32, #tpu.memory_space<vmem>>) offsets(%dma_start3A_246 : memref<128xi32, #tpu.memory_space<vmem>>) semaphore(%arg14 : memref<!tpu.dma_semaphore, #tpu.memory_space<semaphore_mem>>)
      } else {
      }
      %add3A_127 = arith.constant 1 : i32
      %add3A_128 = arith.addi %mul3A_88, %add3A_127 : i32
      %dma_wait3A_129 = arith.constant 0 : i32
      %dma_wait3A_130 = tpu.memref_slice %arg6[%add3A_128, %dma_wait3A_129] : memref<160x128xi32, #tpu.memory_space<vmem>> -> memref<1x128xi32, #tpu.memory_space<vmem>>
      %dma_wait3A_131 = tpu.memref_squeeze %dma_wait3A_130 : memref<1x128xi32, #tpu.memory_space<vmem>> -> memref<128xi32, #tpu.memory_space<vmem>>
      %dma_wait3A_132 = arith.constant 0 : i32
      %dma_wait3A_133 = arith.constant 0 : i32
      %dma_wait3A_134 = tpu.memref_slice %arg2[%arg0, %dma_wait3A_132, %dma_wait3A_133] : memref<2x10240x64xf32, #tpu.memory_space<hbm>> -> memref<1x10240x64xf32, #tpu.memory_space<hbm>>
      %dma_wait3A_135 = tpu.memref_squeeze %dma_wait3A_134 : memref<1x10240x64xf32, #tpu.memory_space<hbm>> -> memref<10240x64xf32, #tpu.memory_space<hbm>>
      %dma_wait3A_136 = arith.constant 0 : i32
      %dma_wait3A_137 = arith.constant 0 : i32
      %dma_wait3A_138 = tpu.memref_slice %dma_wait3A_135[%dma_wait3A_136, %dma_wait3A_137] : memref<10240x64xf32, #tpu.memory_space<hbm>> -> memref<10240x64xf32, #tpu.memory_space<hbm>>
      tpu.wait_indirect_dma semaphore(%arg15 : memref<!tpu.dma_semaphore, #tpu.memory_space<semaphore_mem>>) src(%dma_wait3A_138 : memref<10240x64xf32, #tpu.memory_space<hbm>>) dst(%arg9 : memref<128x64xf32, #tpu.memory_space<vmem>>)
      %add3A_139 = arith.constant 1 : i32
      %add3A_140 = arith.addi %mul3A_88, %add3A_139 : i32
      %dma_start3A_141 = arith.constant 0 : i32
      %dma_start3A_142 = tpu.memref_slice %arg7[%add3A_140, %dma_start3A_141] : memref<160x128xi32, #tpu.memory_space<vmem>> -> memref<1x128xi32, #tpu.memory_space<vmem>>
      %dma_start3A_143 = tpu.memref_squeeze %dma_start3A_142 : memref<1x128xi32, #tpu.memory_space<vmem>> -> memref<128xi32, #tpu.memory_space<vmem>>
      %dma_start3A_144 = arith.constant 0 : i32
      %dma_start3A_145 = arith.constant 0 : i32
      %dma_start3A_146 = tpu.memref_slice %arg13[%dma_start3A_144, %dma_start3A_145] : memref<10240x64xf32, #tpu.memory_space<vmem_shared>> -> memref<10240x64xf32, #tpu.memory_space<vmem_shared>>
      tpu.enqueue_indirect_dma source(%arg9 : memref<128x64xf32, #tpu.memory_space<vmem>>) target(%dma_start3A_146 : memref<10240x64xf32, #tpu.memory_space<vmem_shared>>) offsets(%dma_start3A_143 : memref<128xi32, #tpu.memory_space<vmem>>) semaphore(%arg20 : memref<!tpu.dma_semaphore, #tpu.memory_space<semaphore_mem>>) {add = true}
      %add3A_147 = arith.constant 2 : i32
      %add3A_148 = arith.addi %mul3A_88, %add3A_147 : i32
      %add3A_149 = arith.constant 5 : i32
      %add3A_150 = arith.addi %add3A_148, %add3A_149 : i32
      %sub3A_151 = arith.constant 1 : i32
      %sub3A_152 = arith.subi %add3A_150, %sub3A_151 : i32
      %lt3A_153 = arith.constant 160 : i32
      %lt3A_154 = arith.cmpi slt, %sub3A_152, %lt3A_153 : i32
      %convert_element_type3A_155 = arith.extui %lt3A_154 : i1 to i32
      %cond3A_156 = arith.constant 0 : i32
      %cond3A_157 = arith.cmpi ne, %convert_element_type3A_155, %cond3A_156 : i32
      scf.if %cond3A_157 {
        %ge3A = arith.constant 5 : i32
        %ge3A_240 = arith.cmpi sge, %sub3A_152, %ge3A : i32
        %convert_element_type3A_241 = arith.extui %ge3A_240 : i1 to i32
        %cond3A_242 = arith.constant 0 : i32
        %cond3A_243 = arith.cmpi ne, %convert_element_type3A_241, %cond3A_242 : i32
        scf.if %cond3A_243 {
          %dma_wait3A_254 = arith.constant 0 : i32
          %dma_wait3A_255 = tpu.memref_slice %arg7[%sub3A_152, %dma_wait3A_254] : memref<160x128xi32, #tpu.memory_space<vmem>> -> memref<1x128xi32, #tpu.memory_space<vmem>>
          %dma_wait3A_256 = tpu.memref_squeeze %dma_wait3A_255 : memref<1x128xi32, #tpu.memory_space<vmem>> -> memref<128xi32, #tpu.memory_space<vmem>>
          %dma_wait3A_257 = arith.constant 0 : i32
          %dma_wait3A_258 = arith.constant 0 : i32
          %dma_wait3A_259 = tpu.memref_slice %arg13[%dma_wait3A_257, %dma_wait3A_258] : memref<10240x64xf32, #tpu.memory_space<vmem_shared>> -> memref<10240x64xf32, #tpu.memory_space<vmem_shared>>
          tpu.wait_indirect_dma semaphore(%arg20 : memref<!tpu.dma_semaphore, #tpu.memory_space<semaphore_mem>>) src(%arg9 : memref<128x64xf32, #tpu.memory_space<vmem>>) dst(%dma_wait3A_259 : memref<10240x64xf32, #tpu.memory_space<vmem_shared>>)
        } else {
        }
        %dma_start3A_244 = arith.constant 0 : i32
        %dma_start3A_245 = tpu.memref_slice %arg6[%sub3A_152, %dma_start3A_244] : memref<160x128xi32, #tpu.memory_space<vmem>> -> memref<1x128xi32, #tpu.memory_space<vmem>>
        %dma_start3A_246 = tpu.memref_squeeze %dma_start3A_245 : memref<1x128xi32, #tpu.memory_space<vmem>> -> memref<128xi32, #tpu.memory_space<vmem>>
        %dma_start3A_247 = arith.constant 0 : i32
        %dma_start3A_248 = arith.constant 0 : i32
        %dma_start3A_249 = tpu.memref_slice %arg2[%arg0, %dma_start3A_247, %dma_start3A_248] : memref<2x10240x64xf32, #tpu.memory_space<hbm>> -> memref<1x10240x64xf32, #tpu.memory_space<hbm>>
        %dma_start3A_250 = tpu.memref_squeeze %dma_start3A_249 : memref<1x10240x64xf32, #tpu.memory_space<hbm>> -> memref<10240x64xf32, #tpu.memory_space<hbm>>
        %dma_start3A_251 = arith.constant 0 : i32
        %dma_start3A_252 = arith.constant 0 : i32
        %dma_start3A_253 = tpu.memref_slice %dma_start3A_250[%dma_start3A_251, %dma_start3A_252] : memref<10240x64xf32, #tpu.memory_space<hbm>> -> memref<10240x64xf32, #tpu.memory_space<hbm>>
        tpu.enqueue_indirect_dma source(%dma_start3A_253 : memref<10240x64xf32, #tpu.memory_space<hbm>>) target(%arg9 : memref<128x64xf32, #tpu.memory_space<vmem>>) offsets(%dma_start3A_246 : memref<128xi32, #tpu.memory_space<vmem>>) semaphore(%arg15 : memref<!tpu.dma_semaphore, #tpu.memory_space<semaphore_mem>>)
      } else {
      }
      %add3A_158 = arith.constant 2 : i32
      %add3A_159 = arith.addi %mul3A_88, %add3A_158 : i32
      %dma_wait3A_160 = arith.constant 0 : i32
      %dma_wait3A_161 = tpu.memref_slice %arg6[%add3A_159, %dma_wait3A_160] : memref<160x128xi32, #tpu.memory_space<vmem>> -> memref<1x128xi32, #tpu.memory_space<vmem>>
      %dma_wait3A_162 = tpu.memref_squeeze %dma_wait3A_161 : memref<1x128xi32, #tpu.memory_space<vmem>> -> memref<128xi32, #tpu.memory_space<vmem>>
      %dma_wait3A_163 = arith.constant 0 : i32
      %dma_wait3A_164 = arith.constant 0 : i32
      %dma_wait3A_165 = tpu.memref_slice %arg2[%arg0, %dma_wait3A_163, %dma_wait3A_164] : memref<2x10240x64xf32, #tpu.memory_space<hbm>> -> memref<1x10240x64xf32, #tpu.memory_space<hbm>>
      %dma_wait3A_166 = tpu.memref_squeeze %dma_wait3A_165 : memref<1x10240x64xf32, #tpu.memory_space<hbm>> -> memref<10240x64xf32, #tpu.memory_space<hbm>>
      %dma_wait3A_167 = arith.constant 0 : i32
      %dma_wait3A_168 = arith.constant 0 : i32
      %dma_wait3A_169 = tpu.memref_slice %dma_wait3A_166[%dma_wait3A_167, %dma_wait3A_168] : memref<10240x64xf32, #tpu.memory_space<hbm>> -> memref<10240x64xf32, #tpu.memory_space<hbm>>
      tpu.wait_indirect_dma semaphore(%arg16 : memref<!tpu.dma_semaphore, #tpu.memory_space<semaphore_mem>>) src(%dma_wait3A_169 : memref<10240x64xf32, #tpu.memory_space<hbm>>) dst(%arg10 : memref<128x64xf32, #tpu.memory_space<vmem>>)
      %add3A_170 = arith.constant 2 : i32
      %add3A_171 = arith.addi %mul3A_88, %add3A_170 : i32
      %dma_start3A_172 = arith.constant 0 : i32
      %dma_start3A_173 = tpu.memref_slice %arg7[%add3A_171, %dma_start3A_172] : memref<160x128xi32, #tpu.memory_space<vmem>> -> memref<1x128xi32, #tpu.memory_space<vmem>>
      %dma_start3A_174 = tpu.memref_squeeze %dma_start3A_173 : memref<1x128xi32, #tpu.memory_space<vmem>> -> memref<128xi32, #tpu.memory_space<vmem>>
      %dma_start3A_175 = arith.constant 0 : i32
      %dma_start3A_176 = arith.constant 0 : i32
      %dma_start3A_177 = tpu.memref_slice %arg13[%dma_start3A_175, %dma_start3A_176] : memref<10240x64xf32, #tpu.memory_space<vmem_shared>> -> memref<10240x64xf32, #tpu.memory_space<vmem_shared>>
      tpu.enqueue_indirect_dma source(%arg10 : memref<128x64xf32, #tpu.memory_space<vmem>>) target(%dma_start3A_177 : memref<10240x64xf32, #tpu.memory_space<vmem_shared>>) offsets(%dma_start3A_174 : memref<128xi32, #tpu.memory_space<vmem>>) semaphore(%arg21 : memref<!tpu.dma_semaphore, #tpu.memory_space<semaphore_mem>>) {add = true}
      %add3A_178 = arith.constant 3 : i32
      %add3A_179 = arith.addi %mul3A_88, %add3A_178 : i32
      %add3A_180 = arith.constant 5 : i32
      %add3A_181 = arith.addi %add3A_179, %add3A_180 : i32
      %sub3A_182 = arith.constant 1 : i32
      %sub3A_183 = arith.subi %add3A_181, %sub3A_182 : i32
      %lt3A_184 = arith.constant 160 : i32
      %lt3A_185 = arith.cmpi slt, %sub3A_183, %lt3A_184 : i32
      %convert_element_type3A_186 = arith.extui %lt3A_185 : i1 to i32
      %cond3A_187 = arith.constant 0 : i32
      %cond3A_188 = arith.cmpi ne, %convert_element_type3A_186, %cond3A_187 : i32
      scf.if %cond3A_188 {
        %ge3A = arith.constant 5 : i32
        %ge3A_240 = arith.cmpi sge, %sub3A_183, %ge3A : i32
        %convert_element_type3A_241 = arith.extui %ge3A_240 : i1 to i32
        %cond3A_242 = arith.constant 0 : i32
        %cond3A_243 = arith.cmpi ne, %convert_element_type3A_241, %cond3A_242 : i32
        scf.if %cond3A_243 {
          %dma_wait3A_254 = arith.constant 0 : i32
          %dma_wait3A_255 = tpu.memref_slice %arg7[%sub3A_183, %dma_wait3A_254] : memref<160x128xi32, #tpu.memory_space<vmem>> -> memref<1x128xi32, #tpu.memory_space<vmem>>
          %dma_wait3A_256 = tpu.memref_squeeze %dma_wait3A_255 : memref<1x128xi32, #tpu.memory_space<vmem>> -> memref<128xi32, #tpu.memory_space<vmem>>
          %dma_wait3A_257 = arith.constant 0 : i32
          %dma_wait3A_258 = arith.constant 0 : i32
          %dma_wait3A_259 = tpu.memref_slice %arg13[%dma_wait3A_257, %dma_wait3A_258] : memref<10240x64xf32, #tpu.memory_space<vmem_shared>> -> memref<10240x64xf32, #tpu.memory_space<vmem_shared>>
          tpu.wait_indirect_dma semaphore(%arg21 : memref<!tpu.dma_semaphore, #tpu.memory_space<semaphore_mem>>) src(%arg10 : memref<128x64xf32, #tpu.memory_space<vmem>>) dst(%dma_wait3A_259 : memref<10240x64xf32, #tpu.memory_space<vmem_shared>>)
        } else {
        }
        %dma_start3A_244 = arith.constant 0 : i32
        %dma_start3A_245 = tpu.memref_slice %arg6[%sub3A_183, %dma_start3A_244] : memref<160x128xi32, #tpu.memory_space<vmem>> -> memref<1x128xi32, #tpu.memory_space<vmem>>
        %dma_start3A_246 = tpu.memref_squeeze %dma_start3A_245 : memref<1x128xi32, #tpu.memory_space<vmem>> -> memref<128xi32, #tpu.memory_space<vmem>>
        %dma_start3A_247 = arith.constant 0 : i32
        %dma_start3A_248 = arith.constant 0 : i32
        %dma_start3A_249 = tpu.memref_slice %arg2[%arg0, %dma_start3A_247, %dma_start3A_248] : memref<2x10240x64xf32, #tpu.memory_space<hbm>> -> memref<1x10240x64xf32, #tpu.memory_space<hbm>>
        %dma_start3A_250 = tpu.memref_squeeze %dma_start3A_249 : memref<1x10240x64xf32, #tpu.memory_space<hbm>> -> memref<10240x64xf32, #tpu.memory_space<hbm>>
        %dma_start3A_251 = arith.constant 0 : i32
        %dma_start3A_252 = arith.constant 0 : i32
        %dma_start3A_253 = tpu.memref_slice %dma_start3A_250[%dma_start3A_251, %dma_start3A_252] : memref<10240x64xf32, #tpu.memory_space<hbm>> -> memref<10240x64xf32, #tpu.memory_space<hbm>>
        tpu.enqueue_indirect_dma source(%dma_start3A_253 : memref<10240x64xf32, #tpu.memory_space<hbm>>) target(%arg10 : memref<128x64xf32, #tpu.memory_space<vmem>>) offsets(%dma_start3A_246 : memref<128xi32, #tpu.memory_space<vmem>>) semaphore(%arg16 : memref<!tpu.dma_semaphore, #tpu.memory_space<semaphore_mem>>)
      } else {
      }
      %add3A_189 = arith.constant 3 : i32
      %add3A_190 = arith.addi %mul3A_88, %add3A_189 : i32
      %dma_wait3A_191 = arith.constant 0 : i32
      %dma_wait3A_192 = tpu.memref_slice %arg6[%add3A_190, %dma_wait3A_191] : memref<160x128xi32, #tpu.memory_space<vmem>> -> memref<1x128xi32, #tpu.memory_space<vmem>>
      %dma_wait3A_193 = tpu.memref_squeeze %dma_wait3A_192 : memref<1x128xi32, #tpu.memory_space<vmem>> -> memref<128xi32, #tpu.memory_space<vmem>>
      %dma_wait3A_194 = arith.constant 0 : i32
      %dma_wait3A_195 = arith.constant 0 : i32
      %dma_wait3A_196 = tpu.memref_slice %arg2[%arg0, %dma_wait3A_194, %dma_wait3A_195] : memref<2x10240x64xf32, #tpu.memory_space<hbm>> -> memref<1x10240x64xf32, #tpu.memory_space<hbm>>
      %dma_wait3A_197 = tpu.memref_squeeze %dma_wait3A_196 : memref<1x10240x64xf32, #tpu.memory_space<hbm>> -> memref<10240x64xf32, #tpu.memory_space<hbm>>
      %dma_wait3A_198 = arith.constant 0 : i32
      %dma_wait3A_199 = arith.constant 0 : i32
      %dma_wait3A_200 = tpu.memref_slice %dma_wait3A_197[%dma_wait3A_198, %dma_wait3A_199] : memref<10240x64xf32, #tpu.memory_space<hbm>> -> memref<10240x64xf32, #tpu.memory_space<hbm>>
      tpu.wait_indirect_dma semaphore(%arg17 : memref<!tpu.dma_semaphore, #tpu.memory_space<semaphore_mem>>) src(%dma_wait3A_200 : memref<10240x64xf32, #tpu.memory_space<hbm>>) dst(%arg11 : memref<128x64xf32, #tpu.memory_space<vmem>>)
      %add3A_201 = arith.constant 3 : i32
      %add3A_202 = arith.addi %mul3A_88, %add3A_201 : i32
      %dma_start3A_203 = arith.constant 0 : i32
      %dma_start3A_204 = tpu.memref_slice %arg7[%add3A_202, %dma_start3A_203] : memref<160x128xi32, #tpu.memory_space<vmem>> -> memref<1x128xi32, #tpu.memory_space<vmem>>
      %dma_start3A_205 = tpu.memref_squeeze %dma_start3A_204 : memref<1x128xi32, #tpu.memory_space<vmem>> -> memref<128xi32, #tpu.memory_space<vmem>>
      %dma_start3A_206 = arith.constant 0 : i32
      %dma_start3A_207 = arith.constant 0 : i32
      %dma_start3A_208 = tpu.memref_slice %arg13[%dma_start3A_206, %dma_start3A_207] : memref<10240x64xf32, #tpu.memory_space<vmem_shared>> -> memref<10240x64xf32, #tpu.memory_space<vmem_shared>>
      tpu.enqueue_indirect_dma source(%arg11 : memref<128x64xf32, #tpu.memory_space<vmem>>) target(%dma_start3A_208 : memref<10240x64xf32, #tpu.memory_space<vmem_shared>>) offsets(%dma_start3A_205 : memref<128xi32, #tpu.memory_space<vmem>>) semaphore(%arg22 : memref<!tpu.dma_semaphore, #tpu.memory_space<semaphore_mem>>) {add = true}
      %add3A_209 = arith.constant 4 : i32
      %add3A_210 = arith.addi %mul3A_88, %add3A_209 : i32
      %add3A_211 = arith.constant 5 : i32
      %add3A_212 = arith.addi %add3A_210, %add3A_211 : i32
      %sub3A_213 = arith.constant 1 : i32
      %sub3A_214 = arith.subi %add3A_212, %sub3A_213 : i32
      %lt3A_215 = arith.constant 160 : i32
      %lt3A_216 = arith.cmpi slt, %sub3A_214, %lt3A_215 : i32
      %convert_element_type3A_217 = arith.extui %lt3A_216 : i1 to i32
      %cond3A_218 = arith.constant 0 : i32
      %cond3A_219 = arith.cmpi ne, %convert_element_type3A_217, %cond3A_218 : i32
      scf.if %cond3A_219 {
        %ge3A = arith.constant 5 : i32
        %ge3A_240 = arith.cmpi sge, %sub3A_214, %ge3A : i32
        %convert_element_type3A_241 = arith.extui %ge3A_240 : i1 to i32
        %cond3A_242 = arith.constant 0 : i32
        %cond3A_243 = arith.cmpi ne, %convert_element_type3A_241, %cond3A_242 : i32
        scf.if %cond3A_243 {
          %dma_wait3A_254 = arith.constant 0 : i32
          %dma_wait3A_255 = tpu.memref_slice %arg7[%sub3A_214, %dma_wait3A_254] : memref<160x128xi32, #tpu.memory_space<vmem>> -> memref<1x128xi32, #tpu.memory_space<vmem>>
          %dma_wait3A_256 = tpu.memref_squeeze %dma_wait3A_255 : memref<1x128xi32, #tpu.memory_space<vmem>> -> memref<128xi32, #tpu.memory_space<vmem>>
          %dma_wait3A_257 = arith.constant 0 : i32
          %dma_wait3A_258 = arith.constant 0 : i32
          %dma_wait3A_259 = tpu.memref_slice %arg13[%dma_wait3A_257, %dma_wait3A_258] : memref<10240x64xf32, #tpu.memory_space<vmem_shared>> -> memref<10240x64xf32, #tpu.memory_space<vmem_shared>>
          tpu.wait_indirect_dma semaphore(%arg22 : memref<!tpu.dma_semaphore, #tpu.memory_space<semaphore_mem>>) src(%arg11 : memref<128x64xf32, #tpu.memory_space<vmem>>) dst(%dma_wait3A_259 : memref<10240x64xf32, #tpu.memory_space<vmem_shared>>)
        } else {
        }
        %dma_start3A_244 = arith.constant 0 : i32
        %dma_start3A_245 = tpu.memref_slice %arg6[%sub3A_214, %dma_start3A_244] : memref<160x128xi32, #tpu.memory_space<vmem>> -> memref<1x128xi32, #tpu.memory_space<vmem>>
        %dma_start3A_246 = tpu.memref_squeeze %dma_start3A_245 : memref<1x128xi32, #tpu.memory_space<vmem>> -> memref<128xi32, #tpu.memory_space<vmem>>
        %dma_start3A_247 = arith.constant 0 : i32
        %dma_start3A_248 = arith.constant 0 : i32
        %dma_start3A_249 = tpu.memref_slice %arg2[%arg0, %dma_start3A_247, %dma_start3A_248] : memref<2x10240x64xf32, #tpu.memory_space<hbm>> -> memref<1x10240x64xf32, #tpu.memory_space<hbm>>
        %dma_start3A_250 = tpu.memref_squeeze %dma_start3A_249 : memref<1x10240x64xf32, #tpu.memory_space<hbm>> -> memref<10240x64xf32, #tpu.memory_space<hbm>>
        %dma_start3A_251 = arith.constant 0 : i32
        %dma_start3A_252 = arith.constant 0 : i32
        %dma_start3A_253 = tpu.memref_slice %dma_start3A_250[%dma_start3A_251, %dma_start3A_252] : memref<10240x64xf32, #tpu.memory_space<hbm>> -> memref<10240x64xf32, #tpu.memory_space<hbm>>
        tpu.enqueue_indirect_dma source(%dma_start3A_253 : memref<10240x64xf32, #tpu.memory_space<hbm>>) target(%arg11 : memref<128x64xf32, #tpu.memory_space<vmem>>) offsets(%dma_start3A_246 : memref<128xi32, #tpu.memory_space<vmem>>) semaphore(%arg17 : memref<!tpu.dma_semaphore, #tpu.memory_space<semaphore_mem>>)
      } else {
      }
      %add3A_220 = arith.constant 4 : i32
      %add3A_221 = arith.addi %mul3A_88, %add3A_220 : i32
      %dma_wait3A_222 = arith.constant 0 : i32
      %dma_wait3A_223 = tpu.memref_slice %arg6[%add3A_221, %dma_wait3A_222] : memref<160x128xi32, #tpu.memory_space<vmem>> -> memref<1x128xi32, #tpu.memory_space<vmem>>
      %dma_wait3A_224 = tpu.memref_squeeze %dma_wait3A_223 : memref<1x128xi32, #tpu.memory_space<vmem>> -> memref<128xi32, #tpu.memory_space<vmem>>
      %dma_wait3A_225 = arith.constant 0 : i32
      %dma_wait3A_226 = arith.constant 0 : i32
      %dma_wait3A_227 = tpu.memref_slice %arg2[%arg0, %dma_wait3A_225, %dma_wait3A_226] : memref<2x10240x64xf32, #tpu.memory_space<hbm>> -> memref<1x10240x64xf32, #tpu.memory_space<hbm>>
      %dma_wait3A_228 = tpu.memref_squeeze %dma_wait3A_227 : memref<1x10240x64xf32, #tpu.memory_space<hbm>> -> memref<10240x64xf32, #tpu.memory_space<hbm>>
      %dma_wait3A_229 = arith.constant 0 : i32
      %dma_wait3A_230 = arith.constant 0 : i32
      %dma_wait3A_231 = tpu.memref_slice %dma_wait3A_228[%dma_wait3A_229, %dma_wait3A_230] : memref<10240x64xf32, #tpu.memory_space<hbm>> -> memref<10240x64xf32, #tpu.memory_space<hbm>>
      tpu.wait_indirect_dma semaphore(%arg18 : memref<!tpu.dma_semaphore, #tpu.memory_space<semaphore_mem>>) src(%dma_wait3A_231 : memref<10240x64xf32, #tpu.memory_space<hbm>>) dst(%arg12 : memref<128x64xf32, #tpu.memory_space<vmem>>)
      %add3A_232 = arith.constant 4 : i32
      %add3A_233 = arith.addi %mul3A_88, %add3A_232 : i32
      %dma_start3A_234 = arith.constant 0 : i32
      %dma_start3A_235 = tpu.memref_slice %arg7[%add3A_233, %dma_start3A_234] : memref<160x128xi32, #tpu.memory_space<vmem>> -> memref<1x128xi32, #tpu.memory_space<vmem>>
      %dma_start3A_236 = tpu.memref_squeeze %dma_start3A_235 : memref<1x128xi32, #tpu.memory_space<vmem>> -> memref<128xi32, #tpu.memory_space<vmem>>
      %dma_start3A_237 = arith.constant 0 : i32
      %dma_start3A_238 = arith.constant 0 : i32
      %dma_start3A_239 = tpu.memref_slice %arg13[%dma_start3A_237, %dma_start3A_238] : memref<10240x64xf32, #tpu.memory_space<vmem_shared>> -> memref<10240x64xf32, #tpu.memory_space<vmem_shared>>
      tpu.enqueue_indirect_dma source(%arg12 : memref<128x64xf32, #tpu.memory_space<vmem>>) target(%dma_start3A_239 : memref<10240x64xf32, #tpu.memory_space<vmem_shared>>) offsets(%dma_start3A_236 : memref<128xi32, #tpu.memory_space<vmem>>) semaphore(%arg23 : memref<!tpu.dma_semaphore, #tpu.memory_space<semaphore_mem>>) {add = true}
    }
    %scan3A_47 = arith.constant 32 : i32
    %dma_wait3A = arith.constant 0 : i32
    %dma_wait3A_48 = arith.constant 0 : i32
    %dma_wait3A_49 = tpu.memref_slice %arg7[%dma_wait3A, %dma_wait3A_48] : memref<160x128xi32, #tpu.memory_space<vmem>> -> memref<1x128xi32, #tpu.memory_space<vmem>>
    %dma_wait3A_50 = tpu.memref_squeeze %dma_wait3A_49 : memref<1x128xi32, #tpu.memory_space<vmem>> -> memref<128xi32, #tpu.memory_space<vmem>>
    %dma_wait3A_51 = arith.constant 0 : i32
    %dma_wait3A_52 = arith.constant 0 : i32
    %dma_wait3A_53 = tpu.memref_slice %arg13[%dma_wait3A_51, %dma_wait3A_52] : memref<10240x64xf32, #tpu.memory_space<vmem_shared>> -> memref<10240x64xf32, #tpu.memory_space<vmem_shared>>
    tpu.wait_indirect_dma semaphore(%arg19 : memref<!tpu.dma_semaphore, #tpu.memory_space<semaphore_mem>>) src(%arg8 : memref<128x64xf32, #tpu.memory_space<vmem>>) dst(%dma_wait3A_53 : memref<10240x64xf32, #tpu.memory_space<vmem_shared>>)
    %dma_wait3A_54 = arith.constant 1 : i32
    %dma_wait3A_55 = arith.constant 0 : i32
    %dma_wait3A_56 = tpu.memref_slice %arg7[%dma_wait3A_54, %dma_wait3A_55] : memref<160x128xi32, #tpu.memory_space<vmem>> -> memref<1x128xi32, #tpu.memory_space<vmem>>
    %dma_wait3A_57 = tpu.memref_squeeze %dma_wait3A_56 : memref<1x128xi32, #tpu.memory_space<vmem>> -> memref<128xi32, #tpu.memory_space<vmem>>
    %dma_wait3A_58 = arith.constant 0 : i32
    %dma_wait3A_59 = arith.constant 0 : i32
    %dma_wait3A_60 = tpu.memref_slice %arg13[%dma_wait3A_58, %dma_wait3A_59] : memref<10240x64xf32, #tpu.memory_space<vmem_shared>> -> memref<10240x64xf32, #tpu.memory_space<vmem_shared>>
    tpu.wait_indirect_dma semaphore(%arg20 : memref<!tpu.dma_semaphore, #tpu.memory_space<semaphore_mem>>) src(%arg9 : memref<128x64xf32, #tpu.memory_space<vmem>>) dst(%dma_wait3A_60 : memref<10240x64xf32, #tpu.memory_space<vmem_shared>>)
    %dma_wait3A_61 = arith.constant 2 : i32
    %dma_wait3A_62 = arith.constant 0 : i32
    %dma_wait3A_63 = tpu.memref_slice %arg7[%dma_wait3A_61, %dma_wait3A_62] : memref<160x128xi32, #tpu.memory_space<vmem>> -> memref<1x128xi32, #tpu.memory_space<vmem>>
    %dma_wait3A_64 = tpu.memref_squeeze %dma_wait3A_63 : memref<1x128xi32, #tpu.memory_space<vmem>> -> memref<128xi32, #tpu.memory_space<vmem>>
    %dma_wait3A_65 = arith.constant 0 : i32
    %dma_wait3A_66 = arith.constant 0 : i32
    %dma_wait3A_67 = tpu.memref_slice %arg13[%dma_wait3A_65, %dma_wait3A_66] : memref<10240x64xf32, #tpu.memory_space<vmem_shared>> -> memref<10240x64xf32, #tpu.memory_space<vmem_shared>>
    tpu.wait_indirect_dma semaphore(%arg21 : memref<!tpu.dma_semaphore, #tpu.memory_space<semaphore_mem>>) src(%arg10 : memref<128x64xf32, #tpu.memory_space<vmem>>) dst(%dma_wait3A_67 : memref<10240x64xf32, #tpu.memory_space<vmem_shared>>)
    %dma_wait3A_68 = arith.constant 3 : i32
    %dma_wait3A_69 = arith.constant 0 : i32
    %dma_wait3A_70 = tpu.memref_slice %arg7[%dma_wait3A_68, %dma_wait3A_69] : memref<160x128xi32, #tpu.memory_space<vmem>> -> memref<1x128xi32, #tpu.memory_space<vmem>>
    %dma_wait3A_71 = tpu.memref_squeeze %dma_wait3A_70 : memref<1x128xi32, #tpu.memory_space<vmem>> -> memref<128xi32, #tpu.memory_space<vmem>>
    %dma_wait3A_72 = arith.constant 0 : i32
    %dma_wait3A_73 = arith.constant 0 : i32
    %dma_wait3A_74 = tpu.memref_slice %arg13[%dma_wait3A_72, %dma_wait3A_73] : memref<10240x64xf32, #tpu.memory_space<vmem_shared>> -> memref<10240x64xf32, #tpu.memory_space<vmem_shared>>
    tpu.wait_indirect_dma semaphore(%arg22 : memref<!tpu.dma_semaphore, #tpu.memory_space<semaphore_mem>>) src(%arg11 : memref<128x64xf32, #tpu.memory_space<vmem>>) dst(%dma_wait3A_74 : memref<10240x64xf32, #tpu.memory_space<vmem_shared>>)
    %dma_wait3A_75 = arith.constant 4 : i32
    %dma_wait3A_76 = arith.constant 0 : i32
    %dma_wait3A_77 = tpu.memref_slice %arg7[%dma_wait3A_75, %dma_wait3A_76] : memref<160x128xi32, #tpu.memory_space<vmem>> -> memref<1x128xi32, #tpu.memory_space<vmem>>
    %dma_wait3A_78 = tpu.memref_squeeze %dma_wait3A_77 : memref<1x128xi32, #tpu.memory_space<vmem>> -> memref<128xi32, #tpu.memory_space<vmem>>
    %dma_wait3A_79 = arith.constant 0 : i32
    %dma_wait3A_80 = arith.constant 0 : i32
    %dma_wait3A_81 = tpu.memref_slice %arg13[%dma_wait3A_79, %dma_wait3A_80] : memref<10240x64xf32, #tpu.memory_space<vmem_shared>> -> memref<10240x64xf32, #tpu.memory_space<vmem_shared>>
    tpu.wait_indirect_dma semaphore(%arg23 : memref<!tpu.dma_semaphore, #tpu.memory_space<semaphore_mem>>) src(%arg12 : memref<128x64xf32, #tpu.memory_space<vmem>>) dst(%dma_wait3A_81 : memref<10240x64xf32, #tpu.memory_space<vmem_shared>>)
    %barrier3A_82 = arith.constant 0 : index
    tpu.barrier barrier_id(%barrier3A_82)
    "tpu.region"() ({
      %run_scoped3A = tpu.sem_alloc : memref<!tpu.dma_semaphore, #tpu.memory_space<semaphore_mem>>
      %dma_start3A_83 = arith.constant 0 : i32
      %dma_start3A_84 = tpu.memref_slice %arg5[%arg0, %mul3A_0, %dma_start3A_83] : memref<2x10240x64xf32, #tpu.memory_space<hbm>> -> memref<1x640x64xf32, #tpu.memory_space<hbm>>
      %dma_start3A_85 = tpu.memref_squeeze %dma_start3A_84 : memref<1x640x64xf32, #tpu.memory_space<hbm>> -> memref<640x64xf32, #tpu.memory_space<hbm>>
      %dma_start3A_86 = arith.constant 0 : i32
      %dma_start3A_87 = tpu.memref_slice %arg13[%mul3A_0, %dma_start3A_86] : memref<10240x64xf32, #tpu.memory_space<vmem_shared>> -> memref<640x64xf32, #tpu.memory_space<vmem_shared>>
      tpu.enqueue_dma source(%dma_start3A_87 : memref<640x64xf32, #tpu.memory_space<vmem_shared>>) target(%dma_start3A_85 : memref<640x64xf32, #tpu.memory_space<hbm>>) target_semaphore(%run_scoped3A : memref<!tpu.dma_semaphore, #tpu.memory_space<semaphore_mem>>)
      %dma_wait3A_88 = arith.constant 0 : i32
      %dma_wait3A_89 = tpu.memref_slice %arg5[%arg0, %mul3A_0, %dma_wait3A_88] : memref<2x10240x64xf32, #tpu.memory_space<hbm>> -> memref<1x640x64xf32, #tpu.memory_space<hbm>>
      %dma_wait3A_90 = tpu.memref_squeeze %dma_wait3A_89 : memref<1x640x64xf32, #tpu.memory_space<hbm>> -> memref<640x64xf32, #tpu.memory_space<hbm>>
      %dma_wait3A_91 = arith.constant 0 : i32
      %dma_wait3A_92 = tpu.memref_slice %arg13[%mul3A_0, %dma_wait3A_91] : memref<10240x64xf32, #tpu.memory_space<vmem_shared>> -> memref<640x64xf32, #tpu.memory_space<vmem_shared>>
      tpu.wait_dma2 semaphore(%run_scoped3A : memref<!tpu.dma_semaphore, #tpu.memory_space<semaphore_mem>>) src(%dma_wait3A_92 : memref<640x64xf32, #tpu.memory_space<vmem_shared>>) dst(%dma_wait3A_90 : memref<640x64xf32, #tpu.memory_space<hbm>>)
      tpu.yield
    }) : () -> ()
    return
  }
}

module attributes {stable_mosaic.version = 14 : i64} {
  func.func @_tc1_body(%arg0: memref<10240x128xf32, #tpu.memory_space<vmem>>, %arg1: memref<128x128xf32, #tpu.memory_space<vmem>>, %arg2: memref<2x10240x16xf32, #tpu.memory_space<vmem>>, %arg3: memref<2x10240x64xf32, #tpu.memory_space<vmem>>) attributes {dimension_semantics = [], scalar_prefetch = 0 : i64, scratch_operands = 0 : i64, tpu.core_type = #tpu.core_type<tc>} {
    %get3A = arith.constant 0 : index
    %get3A_0 = arith.constant 0 : index
    %get3A_1 = arith.constant 0 : index
    %get3A_2 = vector.load %arg2[%get3A, %get3A_0, %get3A_1] : memref<2x10240x16xf32, #tpu.memory_space<vmem>>, vector<2x10240x16xf32>
    %slice3A = vector.extract_strided_slice %get3A_2 {offsets = [0, 0, 0], sizes = [1, 10240, 1], strides = [1, 1, 1]} : vector<2x10240x16xf32> to vector<1x10240x1xf32>
    %squeeze3A = vector.shape_cast %slice3A : vector<1x10240x1xf32> to vector<10240xf32>
    %slice3A_3 = vector.extract_strided_slice %get3A_2 {offsets = [1, 0, 0], sizes = [1, 10240, 1], strides = [1, 1, 1]} : vector<2x10240x16xf32> to vector<1x10240x1xf32>
    %squeeze3A_4 = vector.shape_cast %slice3A_3 : vector<1x10240x1xf32> to vector<10240xf32>
    %add3A = arith.addf %squeeze3A, %squeeze3A_4 : vector<10240xf32>
    %add3A_5 = arith.constant 1.000000e+00 : f32
    %add3A_6 = vector.broadcast %add3A_5 : f32 to vector<10240xf32>
    %add3A_7 = arith.addf %add3A, %add3A_6 : vector<10240xf32>
    %rsqrt3A = math.rsqrt %add3A_7 : vector<10240xf32>
    %get3A_8 = arith.constant 0 : index
    %get3A_9 = arith.constant 0 : index
    %get3A_10 = vector.load %arg0[%get3A_8, %get3A_9] : memref<10240x128xf32, #tpu.memory_space<vmem>>, vector<10240x128xf32>
    %get3A_11 = arith.constant 0 : index
    %get3A_12 = arith.constant 0 : index
    %get3A_13 = vector.load %arg1[%get3A_11, %get3A_12] : memref<128x128xf32, #tpu.memory_space<vmem>>, vector<128x128xf32>
    %dot_general3A = arith.constant dense<0.000000e+00> : vector<10240x128xf32>
    %dot_general3A_14 = tpu.matmul %get3A_10, %get3A_13, %dot_general3A {dimension_numbers = #tpu.dot_dimension_numbers<[1], [0], [0], [1], [0, 0, 1, 1], [], []>, transpose_lhs_hint = false} : vector<10240x128xf32>, vector<128x128xf32>, vector<10240x128xf32> -> vector<10240x128xf32>
    %broadcast_in_dim3A = vector.shape_cast %rsqrt3A : vector<10240xf32> to vector<10240x1xf32>
    %mul3A = vector.broadcast %broadcast_in_dim3A : vector<10240x1xf32> to vector<10240x128xf32>
    %mul3A_15 = arith.mulf %dot_general3A_14, %mul3A : vector<10240x128xf32>
    %slice3A_16 = vector.extract_strided_slice %mul3A_15 {offsets = [0, 0], sizes = [10240, 64], strides = [1, 1]} : vector<10240x128xf32> to vector<10240x64xf32>
    %swap3A = arith.constant 0 : index
    %swap3A_17 = arith.constant 0 : index
    %swap3A_18 = arith.constant 0 : index
    %swap3A_19 = vector.load %arg3[%swap3A, %swap3A_17, %swap3A_18] : memref<2x10240x64xf32, #tpu.memory_space<vmem>>, vector<1x10240x64xf32>
    %swap3A_20 = vector.shape_cast %swap3A_19 : vector<1x10240x64xf32> to vector<10240x64xf32>
    %swap3A_21 = vector.shape_cast %slice3A_16 : vector<10240x64xf32> to vector<1x10240x64xf32>
    tpu.vector_store %arg3[%swap3A, %swap3A_17, %swap3A_18], %swap3A_21 {strides = array<i32>} : memref<2x10240x64xf32, #tpu.memory_space<vmem>>, vector<1x10240x64xf32>,
    %slice3A_22 = vector.extract_strided_slice %mul3A_15 {offsets = [0, 64], sizes = [10240, 64], strides = [1, 1]} : vector<10240x128xf32> to vector<10240x64xf32>
    %swap3A_23 = arith.constant 1 : index
    %swap3A_24 = arith.constant 0 : index
    %swap3A_25 = arith.constant 0 : index
    %swap3A_26 = vector.load %arg3[%swap3A_23, %swap3A_24, %swap3A_25] : memref<2x10240x64xf32, #tpu.memory_space<vmem>>, vector<1x10240x64xf32>
    %swap3A_27 = vector.shape_cast %swap3A_26 : vector<1x10240x64xf32> to vector<10240x64xf32>
    %swap3A_28 = vector.shape_cast %slice3A_22 : vector<10240x64xf32> to vector<1x10240x64xf32>
    tpu.vector_store %arg3[%swap3A_23, %swap3A_24, %swap3A_25], %swap3A_28 {strides = array<i32>} : memref<2x10240x64xf32, #tpu.memory_space<vmem>>, vector<1x10240x64xf32>,
    return
  }
}

module attributes {stable_mosaic.version = 14 : i64} {
  func.func @_tc2_body(%arg0: memref<2x10240x64xf32, #tpu.memory_space<vmem>>, %arg1: memref<2x10240x16xf32, #tpu.memory_space<vmem>>, %arg2: memref<1x128xf32, #tpu.memory_space<vmem>>, %arg3: memref<128x128xf32, #tpu.memory_space<vmem>>, %arg4: memref<2x10240x64xf32, #tpu.memory_space<vmem>>) attributes {dimension_semantics = [], scalar_prefetch = 0 : i64, scratch_operands = 0 : i64, tpu.core_type = #tpu.core_type<tc>} {
    %get3A = arith.constant 0 : index
    %get3A_0 = arith.constant 0 : index
    %get3A_1 = arith.constant 0 : index
    %get3A_2 = vector.load %arg1[%get3A, %get3A_0, %get3A_1] : memref<2x10240x16xf32, #tpu.memory_space<vmem>>, vector<2x10240x16xf32>
    %slice3A = vector.extract_strided_slice %get3A_2 {offsets = [0, 0, 0], sizes = [1, 10240, 1], strides = [1, 1, 1]} : vector<2x10240x16xf32> to vector<1x10240x1xf32>
    %squeeze3A = vector.shape_cast %slice3A : vector<1x10240x1xf32> to vector<10240xf32>
    %slice3A_3 = vector.extract_strided_slice %get3A_2 {offsets = [1, 0, 0], sizes = [1, 10240, 1], strides = [1, 1, 1]} : vector<2x10240x16xf32> to vector<1x10240x1xf32>
    %squeeze3A_4 = vector.shape_cast %slice3A_3 : vector<1x10240x1xf32> to vector<10240xf32>
    %add3A = arith.addf %squeeze3A, %squeeze3A_4 : vector<10240xf32>
    %add3A_5 = arith.constant 1.000000e+00 : f32
    %add3A_6 = vector.broadcast %add3A_5 : f32 to vector<10240xf32>
    %add3A_7 = arith.addf %add3A, %add3A_6 : vector<10240xf32>
    %rsqrt3A = math.rsqrt %add3A_7 : vector<10240xf32>
    %get3A_8 = arith.constant 0 : index
    %get3A_9 = arith.constant 0 : index
    %get3A_10 = arith.constant 0 : index
    %get3A_11 = vector.load %arg0[%get3A_8, %get3A_9, %get3A_10] : memref<2x10240x64xf32, #tpu.memory_space<vmem>>, vector<1x10240x64xf32>
    %get3A_12 = vector.shape_cast %get3A_11 : vector<1x10240x64xf32> to vector<10240x64xf32>
    %get3A_13 = arith.constant 1 : index
    %get3A_14 = arith.constant 0 : index
    %get3A_15 = arith.constant 0 : index
    %get3A_16 = vector.load %arg0[%get3A_13, %get3A_14, %get3A_15] : memref<2x10240x64xf32, #tpu.memory_space<vmem>>, vector<1x10240x64xf32>
    %get3A_17 = vector.shape_cast %get3A_16 : vector<1x10240x64xf32> to vector<10240x64xf32>
    %concatenate3A = tpu.concatenate %get3A_12, %get3A_17 in 1 : vector<10240x64xf32>, vector<10240x64xf32> -> vector<10240x128xf32>
    %broadcast_in_dim3A = vector.shape_cast %rsqrt3A : vector<10240xf32> to vector<10240x1xf32>
    %mul3A = vector.broadcast %broadcast_in_dim3A : vector<10240x1xf32> to vector<10240x128xf32>
    %mul3A_18 = arith.mulf %concatenate3A, %mul3A : vector<10240x128xf32>
    %get3A_19 = arith.constant 0 : index
    %get3A_20 = arith.constant 0 : index
    %get3A_21 = vector.load %arg2[%get3A_19, %get3A_20] : memref<1x128xf32, #tpu.memory_space<vmem>>, vector<1x128xf32>
    %add3A_22 = vector.broadcast %get3A_21 : vector<1x128xf32> to vector<10240x128xf32>
    %add3A_23 = arith.addf %mul3A_18, %add3A_22 : vector<10240x128xf32>
    %max3A = arith.constant 0.000000e+00 : f32
    %max3A_24 = vector.broadcast %max3A : f32 to vector<10240x128xf32>
    %max3A_25 = arith.maximumf %add3A_23, %max3A_24 : vector<10240x128xf32>
    %get3A_26 = arith.constant 0 : index
    %get3A_27 = arith.constant 0 : index
    %get3A_28 = vector.load %arg3[%get3A_26, %get3A_27] : memref<128x128xf32, #tpu.memory_space<vmem>>, vector<128x128xf32>
    %dot_general3A = arith.constant dense<0.000000e+00> : vector<10240x128xf32>
    %dot_general3A_29 = tpu.matmul %max3A_25, %get3A_28, %dot_general3A {dimension_numbers = #tpu.dot_dimension_numbers<[1], [0], [0], [1], [0, 0, 1, 1], [], []>, transpose_lhs_hint = false} : vector<10240x128xf32>, vector<128x128xf32>, vector<10240x128xf32> -> vector<10240x128xf32>
    %broadcast_in_dim3A_30 = vector.shape_cast %rsqrt3A : vector<10240xf32> to vector<10240x1xf32>
    %mul3A_31 = vector.broadcast %broadcast_in_dim3A_30 : vector<10240x1xf32> to vector<10240x128xf32>
    %mul3A_32 = arith.mulf %dot_general3A_29, %mul3A_31 : vector<10240x128xf32>
    %slice3A_33 = vector.extract_strided_slice %mul3A_32 {offsets = [0, 0], sizes = [10240, 64], strides = [1, 1]} : vector<10240x128xf32> to vector<10240x64xf32>
    %swap3A = arith.constant 0 : index
    %swap3A_34 = arith.constant 0 : index
    %swap3A_35 = arith.constant 0 : index
    %swap3A_36 = vector.load %arg4[%swap3A, %swap3A_34, %swap3A_35] : memref<2x10240x64xf32, #tpu.memory_space<vmem>>, vector<1x10240x64xf32>
    %swap3A_37 = vector.shape_cast %swap3A_36 : vector<1x10240x64xf32> to vector<10240x64xf32>
    %swap3A_38 = vector.shape_cast %slice3A_33 : vector<10240x64xf32> to vector<1x10240x64xf32>
    tpu.vector_store %arg4[%swap3A, %swap3A_34, %swap3A_35], %swap3A_38 {strides = array<i32>} : memref<2x10240x64xf32, #tpu.memory_space<vmem>>, vector<1x10240x64xf32>,
    %slice3A_39 = vector.extract_strided_slice %mul3A_32 {offsets = [0, 64], sizes = [10240, 64], strides = [1, 1]} : vector<10240x128xf32> to vector<10240x64xf32>
    %swap3A_40 = arith.constant 1 : index
    %swap3A_41 = arith.constant 0 : index
    %swap3A_42 = arith.constant 0 : index
    %swap3A_43 = vector.load %arg4[%swap3A_40, %swap3A_41, %swap3A_42] : memref<2x10240x64xf32, #tpu.memory_space<vmem>>, vector<1x10240x64xf32>
    %swap3A_44 = vector.shape_cast %swap3A_43 : vector<1x10240x64xf32> to vector<10240x64xf32>
    %swap3A_45 = vector.shape_cast %slice3A_39 : vector<10240x64xf32> to vector<1x10240x64xf32>
    tpu.vector_store %arg4[%swap3A_40, %swap3A_41, %swap3A_42], %swap3A_45 {strides = array<i32>} : memref<2x10240x64xf32, #tpu.memory_space<vmem>>, vector<1x10240x64xf32>,
    return
  }
}

module attributes {stable_mosaic.version = 14 : i64} {
  func.func @_tc3_body(%arg0: memref<2x10240x64xf32, #tpu.memory_space<vmem>>, %arg1: memref<2x10240x16xf32, #tpu.memory_space<vmem>>, %arg2: memref<1x128xf32, #tpu.memory_space<vmem>>, %arg3: memref<128x1xf32, #tpu.memory_space<vmem>>, %arg4: memref<1x1xf32, #tpu.memory_space<vmem>>, %arg5: memref<10240x1xf32, #tpu.memory_space<vmem>>) attributes {dimension_semantics = [], scalar_prefetch = 0 : i64, scratch_operands = 0 : i64, tpu.core_type = #tpu.core_type<tc>} {
    %get3A = arith.constant 0 : index
    %get3A_0 = arith.constant 0 : index
    %get3A_1 = arith.constant 0 : index
    %get3A_2 = vector.load %arg1[%get3A, %get3A_0, %get3A_1] : memref<2x10240x16xf32, #tpu.memory_space<vmem>>, vector<2x10240x16xf32>
    %slice3A = vector.extract_strided_slice %get3A_2 {offsets = [0, 0, 0], sizes = [1, 10240, 1], strides = [1, 1, 1]} : vector<2x10240x16xf32> to vector<1x10240x1xf32>
    %squeeze3A = vector.shape_cast %slice3A : vector<1x10240x1xf32> to vector<10240xf32>
    %slice3A_3 = vector.extract_strided_slice %get3A_2 {offsets = [1, 0, 0], sizes = [1, 10240, 1], strides = [1, 1, 1]} : vector<2x10240x16xf32> to vector<1x10240x1xf32>
    %squeeze3A_4 = vector.shape_cast %slice3A_3 : vector<1x10240x1xf32> to vector<10240xf32>
    %add3A = arith.addf %squeeze3A, %squeeze3A_4 : vector<10240xf32>
    %add3A_5 = arith.constant 1.000000e+00 : f32
    %add3A_6 = vector.broadcast %add3A_5 : f32 to vector<10240xf32>
    %add3A_7 = arith.addf %add3A, %add3A_6 : vector<10240xf32>
    %rsqrt3A = math.rsqrt %add3A_7 : vector<10240xf32>
    %get3A_8 = arith.constant 0 : index
    %get3A_9 = arith.constant 0 : index
    %get3A_10 = arith.constant 0 : index
    %get3A_11 = vector.load %arg0[%get3A_8, %get3A_9, %get3A_10] : memref<2x10240x64xf32, #tpu.memory_space<vmem>>, vector<1x10240x64xf32>
    %get3A_12 = vector.shape_cast %get3A_11 : vector<1x10240x64xf32> to vector<10240x64xf32>
    %get3A_13 = arith.constant 1 : index
    %get3A_14 = arith.constant 0 : index
    %get3A_15 = arith.constant 0 : index
    %get3A_16 = vector.load %arg0[%get3A_13, %get3A_14, %get3A_15] : memref<2x10240x64xf32, #tpu.memory_space<vmem>>, vector<1x10240x64xf32>
    %get3A_17 = vector.shape_cast %get3A_16 : vector<1x10240x64xf32> to vector<10240x64xf32>
    %concatenate3A = tpu.concatenate %get3A_12, %get3A_17 in 1 : vector<10240x64xf32>, vector<10240x64xf32> -> vector<10240x128xf32>
    %broadcast_in_dim3A = vector.shape_cast %rsqrt3A : vector<10240xf32> to vector<10240x1xf32>
    %mul3A = vector.broadcast %broadcast_in_dim3A : vector<10240x1xf32> to vector<10240x128xf32>
    %mul3A_18 = arith.mulf %concatenate3A, %mul3A : vector<10240x128xf32>
    %get3A_19 = arith.constant 0 : index
    %get3A_20 = arith.constant 0 : index
    %get3A_21 = vector.load %arg2[%get3A_19, %get3A_20] : memref<1x128xf32, #tpu.memory_space<vmem>>, vector<1x128xf32>
    %add3A_22 = vector.broadcast %get3A_21 : vector<1x128xf32> to vector<10240x128xf32>
    %add3A_23 = arith.addf %mul3A_18, %add3A_22 : vector<10240x128xf32>
    %max3A = arith.constant 0.000000e+00 : f32
    %max3A_24 = vector.broadcast %max3A : f32 to vector<10240x128xf32>
    %max3A_25 = arith.maximumf %add3A_23, %max3A_24 : vector<10240x128xf32>
    %get3A_26 = arith.constant 0 : index
    %get3A_27 = arith.constant 0 : index
    %get3A_28 = vector.load %arg3[%get3A_26, %get3A_27] : memref<128x1xf32, #tpu.memory_space<vmem>>, vector<128x1xf32>
    %dot_general3A = arith.constant dense<0.000000e+00> : vector<10240x1xf32>
    %dot_general3A_29 = tpu.matmul %max3A_25, %get3A_28, %dot_general3A {dimension_numbers = #tpu.dot_dimension_numbers<[1], [0], [0], [1], [0, 0, 1, 1], [], []>, transpose_lhs_hint = false} : vector<10240x128xf32>, vector<128x1xf32>, vector<10240x1xf32> -> vector<10240x1xf32>
    %get3A_30 = arith.constant 0 : index
    %get3A_31 = arith.constant 0 : index
    %get3A_32 = vector.load %arg4[%get3A_30, %get3A_31] : memref<1x1xf32, #tpu.memory_space<vmem>>, vector<1x1xf32>
    %add3A_33 = vector.broadcast %get3A_32 : vector<1x1xf32> to vector<10240x1xf32>
    %add3A_34 = arith.addf %dot_general3A_29, %add3A_33 : vector<10240x1xf32>
    %swap3A = arith.constant 0 : index
    %swap3A_35 = arith.constant 0 : index
    %swap3A_36 = vector.load %arg5[%swap3A, %swap3A_35] : memref<10240x1xf32, #tpu.memory_space<vmem>>, vector<10240x1xf32>
    tpu.vector_store %arg5[%swap3A, %swap3A_35], %add3A_34 {strides = array<i32>} : memref<10240x1xf32, #tpu.memory_space<vmem>>, vector<10240x1xf32>,
    return
  }
}

</mosaic_0001>

<sc_bundles>
// kernel: kernel.11.cloned.1.call-start
scs
__scs_entry_jumppad:
0x0: {  	(pc) =	sbr.rel $0x88, $3  }
0x1: {  	(tag) =	ssettag $0x0;
	lr =	simm.s32 $0x1  }
0x2: {  	[smem:$0x3F99] =	sst lr;
	_ =	strace $0xD0000000  }
0x3: {  	_ = 	snop  }
0x4: {  	_ = 	snop  }
0x5: {  	_ = 	snop  }
0x6: {  	_ = 	snop  }
0x7: {  	_ = 	snop  }
__scs_overlays_trampoline_lowered:
0x8: {  	[smem:$0x3FA8] =	sst s0  }
0x9: {  	[smem:$0x3FA9] =	sst s1  }
0xa: {  	[smem:$0x3FAA] =	sst s2  }
0xb: {  	[smem:$0x3FAB] =	sst s3  }
0xc: {  	[smem:$0x3FAC] =	sst s4  }
0xd: {  	[smem:$0x3FAD] =	sst s5  }
0xe: {  	[smem:$0x3FAE] =	sst s6  }
0xf: {  	[smem:$0x3FAF] =	sst s7  }
0x10: {  	[smem:$0x3FB0] =	sst s8  }
0x11: {  	[smem:$0x3FB1] =	sst s9;
	s0 =	simm.s32 @!p0 $0x0  }
0x12: {  	s1 =	sld [smem:$0x3F97];
	s0 =	simm.s32 @p0 $0x1  }
0x13: {  	[smem:$0x3FB2] =	sst s0;
	s0 =	simm.s32 @!p1 $0x0  }
0x14: {  	s2 =	sld [smem:$0x3F96];
	s0 =	simm.s32 @p1 $0x1  }
0x15: {  	[smem:$0x3FB3] =	sst s0;
	s0 =	simm.s32 @!p2 $0x0  }
0x16: {  	s3 =	sld [smem:$0x3FDB];
	s0 =	simm.s32 @p2 $0x1  }
0x17: {  	s4 =	simm.s32 $0x1BF5;
	[smem:$0x3FB5] =	sst s0  }
0x18: {  	s0 =	sld [smem:$0x3F98];
	_ =	swait.ge [sflag:s4], $0x0  }
0x19: {  	s7 =	sld [smem:$0x3F99]  }
0x1a: {  	s8 =	sadd.s32 $0xFFFFE003, lr  }
0x1b: {  	s9 =	sadd.s32 $0xFFFFFEF7, lr;
	s5 =	simm.s32 $0xFFFFFFFF;
	p2 =	slt.u32 s8, $0xFFFFF086  }
0x1c: {  	p1 =	slt.u32 s9, $0xF7A;
	s5 =	simm.s32 @!p2 $0x0  }
0x1d: {  	s5 =	simm.s32 @p1 $0x1;
	p0 =	seq.s32 s7, s2  }
0x1e: {  	s7 =	smul.u32 @!p0 $0xF7A, s2;
	p2 =	seq.s32 @!p0 s5, $0x0  }
0x1f: {  	s9 =	smul.u32 $0xF7A, s1;
	s8 =	simm.s32 @!p0 $0x1BF5;
	p2 =	por !p2, p0  }
0x20: {  	[sflag:s8] =	ssyncset.s32 @!p0 $0xFFFFF086;
	s6 =	sadd.s32 @!p0 s3, s7;
	s7 =	simm.s32 @!p0 $0x108  }
0x21: {  	s3 =	sadd.s32 s3, s9;
	s6 =	sadd.s32 @!p0 $0x88, s6;
	s7 =	simm.s32 @p2 $0x1082  }
0x22: {  	[simem:s7], [sflag:s8] =	dma.local @!p0 [hbm:s6], $0xF7A  }
0x23: {  	s9 =	sor.u32 $0xD0000000, s2;
	s6 =	simm.s32 $0x108;
	_ =	swait.ge @!p0 [sflag:s8], $0x0  }
0x24: {  	s3 =	sadd.s32 $0x88, s3;
	s6 =	simm.s32 @!p1 $0x1082;
	[sflag:s4] =	ssyncset.s32 $0xFFFFF086  }
0x25: {  	[simem:s6], [sflag:s4] =	dma.local [hbm:s3], $0xF7A  }
0x26: {  	[smem:$0x3F99] =	sst s1;
	(tag) =	ssettag s2;
	_ =	strace s9  }
0x27: {  	s1 =	sld [smem:$0x3FA9]  }
0x28: {  	s2 =	sld [smem:$0x3FAA]  }
0x29: {  	s4 =	sld [smem:$0x3FAC]  }
0x2a: {  	p0 =	seq.s32 s5, $0x0;
	s5 =	sld [smem:$0x3FAD]  }
0x2b: {  	s6 =	sld [smem:$0x3FAE]  }
0x2c: {  	s7 =	sld [smem:$0x3FAF]  }
0x2d: {  	s3 =	simm.s32 $0x108;
	s8 =	sld [smem:$0x3FB0]  }
0x2e: {  	s3 =	simm.s32 @!p0 $0x1082;
	s9 =	sld [smem:$0x3FB1]  }
0x2f: {  	lr =	sadd.s32 s0, s3;
	s0 =	sld [smem:$0x3FA8]  }
0x30: {  	s3 =	sld [smem:$0x3FAB]  }
0x31: {  	[smem:$0x3FB4] =	sst s10  }
0x32: {  	s10 =	sld [smem:$0x3FB2];
	_ =	sdelay $0x3  }
0x33: {  	p0 =	seq.s32 s10, $0x1;
	s10 =	sld [smem:$0x3FB4];
	_ =	sdelay $0x3  }
0x34: {  	[smem:$0x3FB4] =	sst s10  }
0x35: {  	s10 =	sld [smem:$0x3FB3];
	_ =	sdelay $0x3  }
0x36: {  	p1 =	seq.s32 s10, $0x1;
	s10 =	sld [smem:$0x3FB4];
	_ =	sdelay $0x3  }
0x37: {  	[smem:$0x3FB4] =	sst s10  }
0x38: {  	s10 =	sld [smem:$0x3FB5]  }
0x39: {  	_ = 	snop;
	(pc) =	sbr.ind lr, $3  }
0x3a: {  	_ = 	snop  }
0x3b: {  	_ = 	snop  }
0x3c: {  	p2 =	seq.s32 s10, $0x1;
	s10 =	sld [smem:$0x3FB4]  }
0x3d: {  	_ =	shalt  }
0x3e: {  	_ =	shalt  }
0x3f: {  	_ =	shalt  }
0x40: {  	_ =	shalt  }
0x41: {  	_ =	shalt  }
0x42: {  	_ =	shalt  }
0x43: {  	_ =	shalt  }
0x44: {  	_ =	shalt  }
0x45: {  	_ =	shalt  }
0x46: {  	_ =	shalt  }
0x47: {  	_ =	shalt  }
0x48: {  	_ =	shalt  }
0x49: {  	_ =	shalt  }
0x4a: {  	_ =	shalt  }
0x4b: {  	_ =	shalt  }
0x4c: {  	_ =	shalt  }
0x4d: {  	_ =	shalt  }
0x4e: {  	_ =	shalt  }
0x4f: {  	_ =	shalt  }
0x50: {  	_ =	shalt  }
0x51: {  	_ =	shalt  }
0x52: {  	_ =	shalt  }
0x53: {  	_ =	shalt  }
0x54: {  	_ =	shalt  }
0x55: {  	_ =	shalt  }
0x56: {  	_ =	shalt  }
0x57: {  	_ =	shalt  }
0x58: {  	_ =	shalt  }
0x59: {  	_ =	shalt  }
0x5a: {  	_ =	shalt  }
0x5b: {  	_ =	shalt  }
0x5c: {  	_ =	shalt  }
0x5d: {  	_ =	shalt  }
0x5e: {  	_ =	shalt  }
0x5f: {  	_ =	shalt  }
0x60: {  	_ =	shalt  }
0x61: {  	_ =	shalt  }
0x62: {  	_ =	shalt  }
0x63: {  	_ =	shalt  }
0x64: {  	_ =	shalt  }
0x65: {  	_ =	shalt  }
0x66: {  	_ =	shalt  }
0x67: {  	_ =	shalt  }
0x68: {  	_ =	shalt  }
0x69: {  	_ =	shalt  }
0x6a: {  	_ =	shalt  }
0x6b: {  	_ =	shalt  }
0x6c: {  	_ =	shalt  }
0x6d: {  	_ =	shalt  }
0x6e: {  	_ =	shalt  }
0x6f: {  	_ =	shalt  }
0x70: {  	_ =	shalt  }
0x71: {  	_ =	shalt  }
0x72: {  	_ =	shalt  }
0x73: {  	_ =	shalt  }
0x74: {  	_ =	shalt  }
0x75: {  	_ =	shalt  }
0x76: {  	_ =	shalt  }
0x77: {  	_ =	shalt  }
0x78: {  	_ =	shalt  }
0x79: {  	_ =	shalt  }
0x7a: {  	_ =	shalt  }
0x7b: {  	_ =	shalt  }
0x7c: {  	_ =	shalt  }
0x7d: {  	_ =	shalt  }
0x7e: {  	_ =	shalt  }
0x7f: {  	_ =	shalt  }
0x80: {  	_ =	shalt  }
0x81: {  	_ =	shalt  }
0x82: {  	_ =	shalt  }
0x83: {  	_ =	shalt  }
0x84: {  	_ =	shalt  }
0x85: {  	_ =	shalt  }
0x86: {  	_ =	shalt  }
0x87: {  	_ =	shalt  }
.Lfunc_end0:
.L_simem_size_0:
called_computation.1_lowered:
.L_overlay_start_0:
0x88: {  	s2 =	sld [smem:$0x3FD9]  }
0x89: {  	s3 =	sld [smem:$0x3FFE];
	_ =	sdelay $0x1  }
0x8a: {  	s1 =	srdreg.scid  }
0x8b: {  	s0 =	sand.u32 $0x1, s1  }
0x8c: {  	s16 =	sshll.u32 s0, $0xA;
	s2 =	sadd.s32 s3, s2  }
0x8d: {  	s2 =	sadd.s32 s2, s16  }
0x8e: {  	[smem:$0x3FC0] =	sst s2  }
0x8f: {  	_ = 	snop  }
0x90: {  	(tm) =	ssettm $0x1  }
0x91: {  	s17 =	sld [smem:$0x3FFB];
	_ =	sdelay $0x3  }
0x92: {  	_ =	strace s17  }
0x93: {  	s2 =	sld [smem:$0x3FFC];
	_ =	sdelay $0x3  }
0x94: {  	_ =	strace s2  }
0x95: {  	s2 =	sld [smem:$0x3FFD];
	_ =	sdelay $0x3  }
0x96: {  	_ =	strace s2  }
0x97: {  	_ =	strace $0x8FFFFFFF  }
0x98: {  	s18 =	sld [smem:$0x3FDB];
	_ =	sdelay $0x1  }
0x99: {  	s19 =	simm.s32 $_scs_section_size  }
0x9a: {  	s4 =	simm.s32 $_size__tile_overlayer_lowered;
	s5 =	simm.s32 $_tile_overlayer_lowered  }
0x9b: {  	s22 =	simm.s32 $0x1BFF;
	s21 =	sshll.u32 s5, $0x1;
	s2 =	sadd.s32 s19, s18  }
0x9c: {  	s6 =	simm.s32 $0x0;
	s20 =	sshll.u32 s4, $0x1;
	s4 =	sadd.s32 s21, s2  }
0x9d: {  	[timem:s6], [sflag:s22] =	dma.local [hbm:s4], s20  }
0x9e: {  	_ =	swait.ge [sflag:s22], s20  }
0x9f: {  	s3 =	ssub.s32 $0x0, s20;
	[sflag:s22] =	ssyncset.done $0x0  }
0xa0: {  	[sflag:s22] =	ssyncadd.s32 s3;
	_ =	sdelay $0x1  }
0xa1: {  	s23 =	simm.s32 $0x1B8B  }
0xa2: {  	_ =	swait.ge [sflag:s23], $0x1  }
0xa3: {  	[sflag:s23] =	ssyncset.done $0x0  }
0xa4: {  	s25 =	simm.s32 $0x1B8E;
	s24 =	sld [smem:$0x3FFE];
	[sflag:s23] =	ssyncadd.s32 $0xFFFFFFFF  }
0xa5: {  	s26 =	simm.s32 $execute0_lowered;
	[smem:$0x3FD2] =	sst s25  }
0xa6: {  	s4 =	sshll.u32 s26, $0x1;
	_ =	strace $0x80000049;
	[dreg:$0x1] =	wrdreg $0xFFFFFFFF  }
0xa7: {  	s28 =	simm.s32 $_size_execute0_lowered;
	s2 =	sadd.s32 s2, s4;
	[dreg:$0x0] =	wrdreg $0x0  }
0xa8: {  	s4 =	sshll.u32 s28, $0x1;
	[dreg:$0x2] =	wrdreg s2  }
0xa9: {  	[dreg:$0x3] =	wrdreg s4  }
0xaa: {  	[dreg:$0x4] =	wrdreg $0xC0  }
0xab: {  	_ =	task [dreg:s6], $0x5FFFF  }
0xac: {  	[dreg:$0x1] =	wrdreg $0xFFFFFFFF  }
0xad: {  	[dreg:$0x0] =	wrdreg $0x60  }
0xae: {  	[dreg:$0x2] =	wrdreg s24  }
0xaf: {  	[dreg:$0x3] =	wrdreg $0x140000  }
0xb0: {  	[dreg:$0x4] =	wrdreg $0x9  }
0xb1: {  	_ =	task.clear_ibuf [dreg:s6], $0x5FFFF;
	_ =	strace $0x90000049  }
0xb2: {  	s29 =	simm.s32 $0x9;
	_ =	strace $0x8000004B  }
0xb3: {  	_ =	swait.ge [sflag:s29], $0x1  }
0xb4: {  	[sflag:s29] =	ssyncadd.s32 $0xFFFFFFFF  }
0xb5: {  	_ =	strace $0x9000004B  }
0xb6: {  	_ =	sfence  }
0xb7: {  	s30 =	sld [smem:$0x0];
	_ =	sdelay $0x2  }
0xb8: {  	s31 =	sshll.u32 s1, $0xD;
	s1 =	sshrl.u32 s1, $0x2  }
0xb9: {  	s3 =	sand.u32 $0x4000, s31;
	s1 =	sadd.s32 s1, s30  }
0xba: {  	s0 =	sor.u32 s3, s0;
	s1 =	sshll.u32 s1, $0x11  }
0xbb: {  	s0 =	sor.u32 s1, s0  }
0xbc: {  	s0 =	sadd.s32 $0x8F2B, s0  }
0xbd: {  	[sflag:s0] =	ssyncadd.remote.s32 $0x1  }
0xbe: {  	_ =	sfence.sel $0xFFFF  }
0xbf: {  	[dreg:$0x0] =	wrdreg $0xFFFFFFFF;
	(pc) =	sbr.abs _section_cstart, $3  }
0xc0: {  	[dreg:$0x1] =	wrdreg $0xFFFFFFFF  }
0xc1: {  	_ =	task.clear_ibuf [dreg:s6], $0x2FFFF;
	_ =	strace $0x9FFFFFFF  }
0xc2: {  	(tm) =	ssettm $0x7FFFFFFF  }
0xc3: {  	_ =	shalt  }
tec
execute0_lowered:
.L_overlay_start_1:
0x0: {  	(tag) =	ssettag $0x1  }
0x1: {  	s0 =	rddreg [dreg:$0x0]  }
0x2: {  	s2 =	rddreg [dreg:$0x1]  }
0x3: {  	s11 =	stileid.u32;
	s1 =	srdreg.scid;
	s3 =	simm.s32 $0x0  }
0x4: {  	s14 =	simm.s32 $0x80;
	s15 =	simm.s32 $0xA000;
	s16 =	simm.s32 $0xC000  }
0x5: {  	s18 =	simm.s32 $0xE000;
	s20 =	simm.s32 $0x10000;
	s22 =	simm.s32 $0x12000  }
0x6: {  	s23 =	simm.s32 $0x1;
	s24 =	simm.s32 $0x6;
	s29 =	simm.s32 $0x7  }
0x7: {  	s31 =	simm.s32 $0x3;
	s19 =	simm.s32 $0x4;
	s30 =	simm.s32 $0x5  }
0x8: {  	s17 =	simm.s32 $0xA;
	s1 =	sand.u32 $0x1, s1;
	s6 =	smul.u32 $0xA000, s11  }
0x9: {  	[smem:$0x7FF] =	sst s3;
	s4 =	smul.u32 $0xA00, s11;
	s8 =	sadd.s32 $0x74600, s0  }
0xa: {  	s28 =	sshll.u32 s11, $0x6;
	s11 =	simm.s32 $0x5000;
	s7 =	smul.u32 $0xA0000, s1  }
0xb: {  	_ =	strace $0x8000004A;
	s1 =	ssub.s32 $0x2, s1;
	s12 =	sor.u32 $0x1C0B, s28  }
0xc: {  	s9 =	sadd.s32 s4, s0;
	s25 =	sshrl.u32 s1, $0x1;
	s13 =	sadd.s32 s6, s2  }
0xd: {  	s5 =	sadd.s32 s6, s7;
	s1 =	ssub.s32 s1, s25;
	s26 =	sadd.s32 $0x1A600, s9  }
0xe: {  	s7 =	sshrl.u32 s7, $0x3;
	s13 =	sshrl.u32 s13, $0x3;
	s25 =	simm.s32 $0x9  }
0xf: {  	s10 =	sshrl.u32 s5, $0x3;
	[dreg:$0x3] =	wrdreg s26;
	s5 =	sadd.s32 $0x1600, s9  }
0x10: {  	s7 =	sadd.s32 s8, s7;
	s9 =	smax.u32 s1, $0x1;
	s26 =	simm.s32 $0x2  }
0x11: {  	s1 =	simm.s32 $0x8;
	s0 =	sadd.s32 s10, s0;
	s6 =	sadd.s32 s8, s10  }
0x12: {  	s10 =	simm.s32 $0xB;
	s8 =	sadd.s32 $0x9C600, s0;
	s0 =	simm.s32 $0x0  }
.LBB2_1:
0x13: {  	s4 =	rddreg [dreg:$0x3]  }
0x14: {  	[tilespmem:s3], [sflag:$0xB] =	stream.linear.gather [hbm4b:s4+s3], $0x5000, $0x38;
	[tilespmem:$0x1E000] =	vst v63  }
0x15: {  	_ =	swait.ge [sflag:s10], $0x5000  }
0x16: {  	[sflag:s10] =	ssyncset.done $0x0  }
0x17: {  	[sflag:s10] =	ssyncadd.s32 $0xFFFFB000  }
0x18: {  	[tilespmem:s11], [sflag:$0xB] =	stream.linear.gather [hbm4b:s5+s3], $0x5000, $0x38;
	[tilespmem:$0x1E000] =	vst v63  }
0x19: {  	_ =	swait.ge [sflag:s10], $0x5000  }
0x1a: {  	[sflag:s10] =	ssyncset.done $0x0  }
0x1b: {  	[sflag:s10] =	ssyncadd.s32 $0xFFFFB000  }
0x1c: {  	[spmem:s13], [sflag:s12] =	dma.local [hbm:s6], $0x1400  }
0x1d: {  	_ =	swait.ge [sflag:s10], $0x1400  }
0x1e: {  	[sflag:s10] =	ssyncset.done $0x0  }
0x1f: {  	[sflag:s10] =	ssyncadd.s32 $0xFFFFEC00  }
0x20: {  	[bflag:$0x0] =	sbarrier.arrive $0xFFFF  }
0x21: {  	[tilespmem:s15], [sflag:$0x1] =	stream.indirect.gather [hbm4b:s7+s14], $0x40, s3, s14, $0xb8;
	[tilespmem:$0x1E000] =	vst v63  }
0x22: {  	_ = 	snop  }
0x23: {  	[tilespmem:s16], [sflag:$0x2] =	stream.indirect.gather [hbm4b:s7+s14], $0x40, s14, s14, $0xb8;
	[tilespmem:$0x1E000] =	vst v63  }
0x24: {  	s21 =	simm.s32 $0x100  }
0x25: {  	[tilespmem:s18], [sflag:$0x3] =	stream.indirect.gather [hbm4b:s7+s14], $0x40, s21, s14, $0xb8;
	[tilespmem:$0x1E000] =	vst v63  }
0x26: {  	s21 =	simm.s32 $0x180  }
0x27: {  	[tilespmem:s20], [sflag:$0x4] =	stream.indirect.gather [hbm4b:s7+s14], $0x40, s21, s14, $0xb8;
	[tilespmem:$0x1E000] =	vst v63  }
0x28: {  	s21 =	simm.s32 $0x200  }
0x29: {  	[tilespmem:s22], [sflag:$0x5] =	stream.indirect.gather [hbm4b:s7+s14], $0x40, s21, s14, $0xb8;
	[tilespmem:$0x1E000] =	vst v63  }
0x2a: {  	_ =	swait.ge [sflag:s23], $0x2000  }
0x2b: {  	[sflag:s23] =	ssyncset.done $0x0  }
0x2c: {  	[sflag:s23] =	ssyncadd.s32 $0xFFFFE000  }
0x2d: {  	[spmem:s2] =	stream.indirect.scatter.add.f32 [tilespmem:s15], [sflag:$0x6], $0x40, s11, s14, $0xb8;
	[tilespmem:$0x1E000] =	vst v63  }
0x2e: {  	_ =	swait.ge [sflag:s24], $0x2000  }
0x2f: {  	[sflag:s24] =	ssyncset.done $0x0  }
0x30: {  	s21 =	simm.s32 $0x280;
	[sflag:s24] =	ssyncadd.s32 $0xFFFFE000  }
0x31: {  	[tilespmem:s15], [sflag:$0x1] =	stream.indirect.gather [hbm4b:s7+s14], $0x40, s21, s14, $0xb8;
	[tilespmem:$0x1E000] =	vst v63  }
0x32: {  	_ =	swait.ge [sflag:s26], $0x2000  }
0x33: {  	[sflag:s26] =	ssyncset.done $0x0  }
0x34: {  	s21 =	simm.s32 $0x5080;
	[sflag:s26] =	ssyncadd.s32 $0xFFFFE000  }
0x35: {  	[spmem:s2] =	stream.indirect.scatter.add.f32 [tilespmem:s16], [sflag:$0x7], $0x40, s21, s14, $0xb8;
	[tilespmem:$0x1E000] =	vst v63  }
0x36: {  	_ =	swait.ge [sflag:s29], $0x2000  }
0x37: {  	[sflag:s29] =	ssyncset.done $0x0  }
0x38: {  	s21 =	simm.s32 $0x300;
	[sflag:s29] =	ssyncadd.s32 $0xFFFFE000  }
0x39: {  	[tilespmem:s16], [sflag:$0x2] =	stream.indirect.gather [hbm4b:s7+s14], $0x40, s21, s14, $0xb8;
	[tilespmem:$0x1E000] =	vst v63  }
0x3a: {  	_ =	swait.ge [sflag:s31], $0x2000  }
0x3b: {  	[sflag:s31] =	ssyncset.done $0x0  }
0x3c: {  	s21 =	simm.s32 $0x5100;
	[sflag:s31] =	ssyncadd.s32 $0xFFFFE000  }
0x3d: {  	[spmem:s2] =	stream.indirect.scatter.add.f32 [tilespmem:s18], [sflag:$0x8], $0x40, s21, s14, $0xb8;
	[tilespmem:$0x1E000] =	vst v63  }
0x3e: {  	_ =	swait.ge [sflag:s1], $0x2000  }
0x3f: {  	[sflag:s1] =	ssyncset.done $0x0  }
0x40: {  	s21 =	simm.s32 $0x380;
	[sflag:s1] =	ssyncadd.s32 $0xFFFFE000  }
0x41: {  	[tilespmem:s18], [sflag:$0x3] =	stream.indirect.gather [hbm4b:s7+s14], $0x40, s21, s14, $0xb8;
	[tilespmem:$0x1E000] =	vst v63  }
0x42: {  	_ =	swait.ge [sflag:s19], $0x2000  }
0x43: {  	[sflag:s19] =	ssyncset.done $0x0  }
0x44: {  	s21 =	simm.s32 $0x5180;
	[sflag:s19] =	ssyncadd.s32 $0xFFFFE000  }
0x45: {  	[spmem:s2] =	stream.indirect.scatter.add.f32 [tilespmem:s20], [sflag:$0x9], $0x40, s21, s14, $0xb8;
	[tilespmem:$0x1E000] =	vst v63  }
0x46: {  	_ =	swait.ge [sflag:s25], $0x2000  }
0x47: {  	[sflag:s25] =	ssyncset.done $0x0  }
0x48: {  	s21 =	simm.s32 $0x400;
	[sflag:s25] =	ssyncadd.s32 $0xFFFFE000  }
0x49: {  	[tilespmem:s20], [sflag:$0x4] =	stream.indirect.gather [hbm4b:s7+s14], $0x40, s21, s14, $0xb8;
	[tilespmem:$0x1E000] =	vst v63  }
0x4a: {  	_ =	swait.ge [sflag:s30], $0x2000  }
0x4b: {  	[sflag:s30] =	ssyncset.done $0x0  }
0x4c: {  	s21 =	simm.s32 $0x5200;
	[sflag:s30] =	ssyncadd.s32 $0xFFFFE000  }
0x4d: {  	[spmem:s2] =	stream.indirect.scatter.add.f32 [tilespmem:s22], [sflag:$0xA], $0x40, s21, s14, $0xb8;
	[tilespmem:$0x1E000] =	vst v63  }
0x4e: {  	_ =	swait.ge [sflag:s17], $0x2000  }
0x4f: {  	[sflag:s17] =	ssyncset.done $0x0  }
0x50: {  	s21 =	simm.s32 $0x480;
	[sflag:s17] =	ssyncadd.s32 $0xFFFFE000  }
0x51: {  	[tilespmem:s22], [sflag:$0x5] =	stream.indirect.gather [hbm4b:s7+s14], $0x40, s21, s14, $0xb8;
	[tilespmem:$0x1E000] =	vst v63  }
0x52: {  	_ =	swait.ge [sflag:s23], $0x2000  }
0x53: {  	[sflag:s23] =	ssyncset.done $0x0  }
0x54: {  	s4 =	simm.s32 $0x5280;
	[sflag:s23] =	ssyncadd.s32 $0xFFFFE000  }
0x55: {  	[spmem:s2] =	stream.indirect.scatter.add.f32 [tilespmem:s15], [sflag:$0x6], $0x40, s4, s14, $0xb8;
	[tilespmem:$0x1E000] =	vst v63  }
0x56: {  	_ =	swait.ge [sflag:s24], $0x2000  }
0x57: {  	[sflag:s24] =	ssyncset.done $0x0  }
0x58: {  	s4 =	simm.s32 $0x500;
	[sflag:s24] =	ssyncadd.s32 $0xFFFFE000  }
0x59: {  	[tilespmem:s15], [sflag:$0x1] =	stream.indirect.gather [hbm4b:s7+s14], $0x40, s4, s14, $0xb8;
	[tilespmem:$0x1E000] =	vst v63  }
0x5a: {  	_ =	swait.ge [sflag:s26], $0x2000  }
0x5b: {  	[sflag:s26] =	ssyncset.done $0x0  }
0x5c: {  	s4 =	simm.s32 $0x5300;
	[sflag:s26] =	ssyncadd.s32 $0xFFFFE000  }
0x5d: {  	[spmem:s2] =	stream.indirect.scatter.add.f32 [tilespmem:s16], [sflag:$0x7], $0x40, s4, s14, $0xb8;
	[tilespmem:$0x1E000] =	vst v63  }
0x5e: {  	_ =	swait.ge [sflag:s29], $0x2000  }
0x5f: {  	[sflag:s29] =	ssyncset.done $0x0  }
0x60: {  	s4 =	simm.s32 $0x580;
	[sflag:s29] =	ssyncadd.s32 $0xFFFFE000  }
0x61: {  	[tilespmem:s16], [sflag:$0x2] =	stream.indirect.gather [hbm4b:s7+s14], $0x40, s4, s14, $0xb8;
	[tilespmem:$0x1E000] =	vst v63  }
0x62: {  	_ =	swait.ge [sflag:s31], $0x2000  }
0x63: {  	[sflag:s31] =	ssyncset.done $0x0  }
0x64: {  	s4 =	simm.s32 $0x5380;
	[sflag:s31] =	ssyncadd.s32 $0xFFFFE000  }
0x65: {  	[spmem:s2] =	stream.indirect.scatter.add.f32 [tilespmem:s18], [sflag:$0x8], $0x40, s4, s14, $0xb8;
	[tilespmem:$0x1E000] =	vst v63  }
0x66: {  	_ =	swait.ge [sflag:s1], $0x2000  }
0x67: {  	[sflag:s1] =	ssyncset.done $0x0  }
0x68: {  	s4 =	simm.s32 $0x600;
	[sflag:s1] =	ssyncadd.s32 $0xFFFFE000  }
0x69: {  	[tilespmem:s18], [sflag:$0x3] =	stream.indirect.gather [hbm4b:s7+s14], $0x40, s4, s14, $0xb8;
	[tilespmem:$0x1E000] =	vst v63  }
0x6a: {  	_ =	swait.ge [sflag:s19], $0x2000  }
0x6b: {  	[sflag:s19] =	ssyncset.done $0x0  }
0x6c: {  	s4 =	simm.s32 $0x5400;
	[sflag:s19] =	ssyncadd.s32 $0xFFFFE000  }
0x6d: {  	[spmem:s2] =	stream.indirect.scatter.add.f32 [tilespmem:s20], [sflag:$0x9], $0x40, s4, s14, $0xb8;
	[tilespmem:$0x1E000] =	vst v63  }
0x6e: {  	_ =	swait.ge [sflag:s25], $0x2000  }
0x6f: {  	[sflag:s25] =	ssyncset.done $0x0  }
0x70: {  	s4 =	simm.s32 $0x680;
	[sflag:s25] =	ssyncadd.s32 $0xFFFFE000  }
0x71: {  	[tilespmem:s20], [sflag:$0x4] =	stream.indirect.gather [hbm4b:s7+s14], $0x40, s4, s14, $0xb8;
	[tilespmem:$0x1E000] =	vst v63  }
0x72: {  	_ =	swait.ge [sflag:s30], $0x2000  }
0x73: {  	[sflag:s30] =	ssyncset.done $0x0  }
0x74: {  	s28 =	simm.s32 $0x5480;
	s21 =	simm.s32 $0xA00;
	[sflag:s30] =	ssyncadd.s32 $0xFFFFE000  }
.LBB2_2:
0x75: {  	[spmem:s2] =	stream.indirect.scatter.add.f32 [tilespmem:s22], [sflag:$0xA], $0x40, s28, s14, $0xb8;
	[tilespmem:$0x1E000] =	vst v63  }
0x76: {  	s28 =	smov.u32 s21;
	s21 =	sadd.s32 $0xA00, s21;
	_ =	swait.ge [sflag:s17], $0x2000  }
0x77: {  	s28 =	sshra.s32 s28, $0x2;
	p0 =	sne.s32 s21, $0x12C00;
	[sflag:s17] =	ssyncset.done $0x0  }
0x78: {  	s4 =	sadd.s32 $0x480, s28;
	[sflag:s17] =	ssyncadd.s32 $0xFFFFE000  }
0x79: {  	[tilespmem:s22], [sflag:$0x5] =	stream.indirect.gather [hbm4b:s7+s14], $0x40, s4, s14, $0xb8;
	[tilespmem:$0x1E000] =	vst v63  }
0x7a: {  	_ =	swait.ge [sflag:s23], $0x2000  }
0x7b: {  	[sflag:s23] =	ssyncset.done $0x0  }
0x7c: {  	s4 =	sadd.s32 $0x5280, s28;
	[sflag:s23] =	ssyncadd.s32 $0xFFFFE000  }
0x7d: {  	[spmem:s2] =	stream.indirect.scatter.add.f32 [tilespmem:s15], [sflag:$0x6], $0x40, s4, s14, $0xb8;
	[tilespmem:$0x1E000] =	vst v63  }
0x7e: {  	_ =	swait.ge [sflag:s24], $0x2000  }
0x7f: {  	[sflag:s24] =	ssyncset.done $0x0  }
0x80: {  	s4 =	sadd.s32 $0x500, s28;
	[sflag:s24] =	ssyncadd.s32 $0xFFFFE000  }
0x81: {  	[tilespmem:s15], [sflag:$0x1] =	stream.indirect.gather [hbm4b:s7+s14], $0x40, s4, s14, $0xb8;
	[tilespmem:$0x1E000] =	vst v63  }
0x82: {  	_ =	swait.ge [sflag:s26], $0x2000  }
0x83: {  	[sflag:s26] =	ssyncset.done $0x0  }
0x84: {  	s4 =	sadd.s32 $0x5300, s28;
	[sflag:s26] =	ssyncadd.s32 $0xFFFFE000  }
0x85: {  	[spmem:s2] =	stream.indirect.scatter.add.f32 [tilespmem:s16], [sflag:$0x7], $0x40, s4, s14, $0xb8;
	[tilespmem:$0x1E000] =	vst v63  }
0x86: {  	_ =	swait.ge [sflag:s29], $0x2000  }
0x87: {  	[sflag:s29] =	ssyncset.done $0x0  }
0x88: {  	s4 =	sadd.s32 $0x580, s28;
	[sflag:s29] =	ssyncadd.s32 $0xFFFFE000  }
0x89: {  	[tilespmem:s16], [sflag:$0x2] =	stream.indirect.gather [hbm4b:s7+s14], $0x40, s4, s14, $0xb8;
	[tilespmem:$0x1E000] =	vst v63  }
0x8a: {  	_ =	swait.ge [sflag:s31], $0x2000  }
0x8b: {  	[sflag:s31] =	ssyncset.done $0x0  }
0x8c: {  	s4 =	sadd.s32 $0x5380, s28;
	[sflag:s31] =	ssyncadd.s32 $0xFFFFE000  }
0x8d: {  	[spmem:s2] =	stream.indirect.scatter.add.f32 [tilespmem:s18], [sflag:$0x8], $0x40, s4, s14, $0xb8;
	[tilespmem:$0x1E000] =	vst v63  }
0x8e: {  	_ =	swait.ge [sflag:s1], $0x2000  }
0x8f: {  	[sflag:s1] =	ssyncset.done $0x0  }
0x90: {  	s4 =	sadd.s32 $0x600, s28;
	[sflag:s1] =	ssyncadd.s32 $0xFFFFE000  }
0x91: {  	[tilespmem:s18], [sflag:$0x3] =	stream.indirect.gather [hbm4b:s7+s14], $0x40, s4, s14, $0xb8;
	[tilespmem:$0x1E000] =	vst v63  }
0x92: {  	_ =	swait.ge [sflag:s19], $0x2000  }
0x93: {  	[sflag:s19] =	ssyncset.done $0x0  }
0x94: {  	s4 =	sadd.s32 $0x5400, s28;
	[sflag:s19] =	ssyncadd.s32 $0xFFFFE000  }
0x95: {  	[spmem:s2] =	stream.indirect.scatter.add.f32 [tilespmem:s20], [sflag:$0x9], $0x40, s4, s14, $0xb8;
	[tilespmem:$0x1E000] =	vst v63  }
0x96: {  	_ =	swait.ge [sflag:s25], $0x2000  }
0x97: {  	[sflag:s25] =	ssyncset.done $0x0  }
.Ltmp0:
0x98: {  	s4 =	sadd.s32 $0x680, s28;
	[sflag:s25] =	ssyncadd.s32 $0xFFFFE000;
	(pc) =	sbr.rel @p0 .LBB2_2-.Ltmp0, $4  }
0x99: {  	[tilespmem:s20], [sflag:$0x4] =	stream.indirect.gather [hbm4b:s7+s14], $0x40, s4, s14, $0xb8;
	[tilespmem:$0x1E000] =	vst v63  }
0x9a: {  	_ =	swait.ge [sflag:s30], $0x2000  }
0x9b: {  	[sflag:s30] =	ssyncset.done $0x0  }
0x9c: {  	s28 =	sadd.s32 $0x5480, s28;
	[sflag:s30] =	ssyncadd.s32 $0xFFFFE000  }
0x9d: {  	[spmem:s2] =	stream.indirect.scatter.add.f32 [tilespmem:s22], [sflag:$0xA], $0x40, s28, s14, $0xb8;
	[tilespmem:$0x1E000] =	vst v63  }
0x9e: {  	_ =	swait.ge [sflag:s17], $0x2000  }
0x9f: {  	[sflag:s17] =	ssyncset.done $0x0  }
0xa0: {  	s4 =	simm.s32 $0x4F80;
	[sflag:s17] =	ssyncadd.s32 $0xFFFFE000  }
0xa1: {  	[tilespmem:s22], [sflag:$0x5] =	stream.indirect.gather [hbm4b:s7+s14], $0x40, s4, s14, $0xb8;
	[tilespmem:$0x1E000] =	vst v63  }
0xa2: {  	_ =	swait.ge [sflag:s23], $0x2000  }
0xa3: {  	s4 =	sshra.s32 s21, $0x2;
	[sflag:s23] =	ssyncset.done $0x0  }
0xa4: {  	s21 =	sadd.s32 $0x5280, s4;
	[sflag:s23] =	ssyncadd.s32 $0xFFFFE000  }
0xa5: {  	[spmem:s2] =	stream.indirect.scatter.add.f32 [tilespmem:s15], [sflag:$0x6], $0x40, s21, s14, $0xb8;
	[tilespmem:$0x1E000] =	vst v63  }
0xa6: {  	_ =	swait.ge [sflag:s26], $0x2000  }
0xa7: {  	[sflag:s26] =	ssyncset.done $0x0  }
0xa8: {  	s28 =	sadd.s32 $0x5300, s4;
	[sflag:s26] =	ssyncadd.s32 $0xFFFFE000  }
0xa9: {  	[spmem:s2] =	stream.indirect.scatter.add.f32 [tilespmem:s16], [sflag:$0x7], $0x40, s28, s14, $0xb8;
	[tilespmem:$0x1E000] =	vst v63  }
0xaa: {  	_ =	swait.ge [sflag:s31], $0x2000  }
0xab: {  	[sflag:s31] =	ssyncset.done $0x0  }
0xac: {  	s28 =	sadd.s32 $0x5380, s4;
	[sflag:s31] =	ssyncadd.s32 $0xFFFFE000  }
0xad: {  	[spmem:s2] =	stream.indirect.scatter.add.f32 [tilespmem:s18], [sflag:$0x8], $0x40, s28, s14, $0xb8;
	[tilespmem:$0x1E000] =	vst v63  }
0xae: {  	_ =	swait.ge [sflag:s19], $0x2000  }
0xaf: {  	[sflag:s19] =	ssyncset.done $0x0  }
0xb0: {  	s4 =	sadd.s32 $0x5400, s4;
	[sflag:s19] =	ssyncadd.s32 $0xFFFFE000  }
0xb1: {  	[spmem:s2] =	stream.indirect.scatter.add.f32 [tilespmem:s20], [sflag:$0x9], $0x40, s4, s14, $0xb8;
	[tilespmem:$0x1E000] =	vst v63  }
0xb2: {  	_ =	swait.ge [sflag:s30], $0x2000  }
0xb3: {  	[sflag:s30] =	ssyncset.done $0x0  }
0xb4: {  	s28 =	simm.s32 $0x9F80;
	[sflag:s30] =	ssyncadd.s32 $0xFFFFE000  }
0xb5: {  	[spmem:s2] =	stream.indirect.scatter.add.f32 [tilespmem:s22], [sflag:$0xA], $0x40, s28, s14, $0xb8;
	[tilespmem:$0x1E000] =	vst v63  }
0xb6: {  	_ =	swait.ge [sflag:s24], $0x2000  }
0xb7: {  	[sflag:s24] =	ssyncset.done $0x0  }
0xb8: {  	[sflag:s24] =	ssyncadd.s32 $0xFFFFE000  }
0xb9: {  	_ =	swait.ge [sflag:s29], $0x2000  }
0xba: {  	[sflag:s29] =	ssyncset.done $0x0  }
0xbb: {  	[sflag:s29] =	ssyncadd.s32 $0xFFFFE000  }
0xbc: {  	_ =	swait.ge [sflag:s1], $0x2000  }
0xbd: {  	[sflag:s1] =	ssyncset.done $0x0  }
0xbe: {  	[sflag:s1] =	ssyncadd.s32 $0xFFFFE000  }
0xbf: {  	_ =	swait.ge [sflag:s25], $0x2000  }
0xc0: {  	[sflag:s25] =	ssyncset.done $0x0  }
0xc1: {  	[sflag:s25] =	ssyncadd.s32 $0xFFFFE000  }
0xc2: {  	_ =	swait.ge [sflag:s17], $0x2000  }
0xc3: {  	s0 =	sadd.s32 $0x1, s0;
	[sflag:s17] =	ssyncset.done $0x0  }
0xc4: {  	p0 =	sne.s32 s0, s9;
	[sflag:s17] =	ssyncadd.s32 $0xFFFFE000  }
.Ltmp1:
0xc5: {  	[bflag:$0x0] =	sbarrier.arrive $0xFFFF;
	(pc) =	sbr.rel @p0 .LBB2_1-.Ltmp1, $4  }
0xc6: {  	[hbm:s8], [sflag:s12] =	dma.local [spmem:s13], $0x1400  }
0xc7: {  	_ =	swait.ge [sflag:s10], $0x1400  }
0xc8: {  	[sflag:s10] =	ssyncset.done $0x0  }
0xc9: {  	[sflag:s10] =	ssyncadd.s32 $0xFFFFEC00  }
0xca: {  	_ =	sfence.sel $0x180000  }
0xcb: {  	[bflag:$0x0] =	sbarrier.arrive $0xFFFF  }
0xcc: {  	_ =	strace $0x9000004A  }
0xcd: {  	s0 =	stileid.u32;
	[bflag:$0x2] =	sbarrier.arrive $0xFFFF  }
0xce: {  	p0 =	sne.s32 s0, $0x0;
	s0 =	rddreg [dreg:$0x2]  }
0xcf: {  	s0 =	sadd.s32 @!p0 $0x100000, s0  }
0xd0: {  	[sflag:s0] =	ssyncadd.tile.s32 @!p0 $0x1;
	_ =	shalt  }
.Lfunc_end2:
_tile_overlayer_lowered:
.L_overlay_start_2:
0xd1: {  	(tag) =	ssettag $0x2  }
0xd2: {  	s0 =	rddreg [dreg:$0x0];
	s2 =	stileid.u32  }
0xd3: {  	s1 =	rddreg [dreg:$0x1];
	p0 =	sne.s32 s2, $0x0  }
0xd4: {  	s3 =	rddreg [dreg:$0x2];
	[bflag:$0x3] =	sbarrier.arrive $0xFFFF;
	s2 =	simm.s32 @!p0 $0x1C0B  }
0xd5: {  	[timem:s3], [sflag:s2] =	dma.local @!p0 [hbm:s0], s1  }
0xd6: {  	s0 =	simm.s32 @!p0 $0xB  }
0xd7: {  	_ =	swait.ge @!p0 [sflag:s0], s1  }
0xd8: {  	s1 =	ssub.s32 @!p0 $0x0, s1;
	[sflag:s0] =	ssyncset.done @!p0 $0x0  }
0xd9: {  	[sflag:s0] =	ssyncadd.s32 @!p0 s1  }
0xda: {  	[bflag:$0x3] =	sbarrier.arrive $0xFFFF  }
0xdb: {  	_ =	shalt  }

// kernel: kernel.14.cloned.1.call-start
scs
__scs_entry_jumppad:
0x0: {  	(pc) =	sbr.rel $0x88, $3  }
0x1: {  	(tag) =	ssettag $0x0;
	lr =	simm.s32 $0x1  }
0x2: {  	[smem:$0x3F99] =	sst lr;
	_ =	strace $0xD0000000  }
0x3: {  	_ = 	snop  }
0x4: {  	_ = 	snop  }
0x5: {  	_ = 	snop  }
0x6: {  	_ = 	snop  }
0x7: {  	_ = 	snop  }
__scs_overlays_trampoline_lowered:
0x8: {  	[smem:$0x3FA8] =	sst s0  }
0x9: {  	[smem:$0x3FA9] =	sst s1  }
0xa: {  	[smem:$0x3FAA] =	sst s2  }
0xb: {  	[smem:$0x3FAB] =	sst s3  }
0xc: {  	[smem:$0x3FAC] =	sst s4  }
0xd: {  	[smem:$0x3FAD] =	sst s5  }
0xe: {  	[smem:$0x3FAE] =	sst s6  }
0xf: {  	[smem:$0x3FAF] =	sst s7  }
0x10: {  	[smem:$0x3FB0] =	sst s8  }
0x11: {  	[smem:$0x3FB1] =	sst s9;
	s0 =	simm.s32 @!p0 $0x0  }
0x12: {  	s1 =	sld [smem:$0x3F97];
	s0 =	simm.s32 @p0 $0x1  }
0x13: {  	[smem:$0x3FB2] =	sst s0;
	s0 =	simm.s32 @!p1 $0x0  }
0x14: {  	s2 =	sld [smem:$0x3F96];
	s0 =	simm.s32 @p1 $0x1  }
0x15: {  	[smem:$0x3FB3] =	sst s0;
	s0 =	simm.s32 @!p2 $0x0  }
0x16: {  	s3 =	sld [smem:$0x3FDB];
	s0 =	simm.s32 @p2 $0x1  }
0x17: {  	s4 =	simm.s32 $0x1BF5;
	[smem:$0x3FB5] =	sst s0  }
0x18: {  	s0 =	sld [smem:$0x3F98];
	_ =	swait.ge [sflag:s4], $0x0  }
0x19: {  	s7 =	sld [smem:$0x3F99]  }
0x1a: {  	s8 =	sadd.s32 $0xFFFFE003, lr  }
0x1b: {  	s9 =	sadd.s32 $0xFFFFFEF7, lr;
	s5 =	simm.s32 $0xFFFFFFFF;
	p2 =	slt.u32 s8, $0xFFFFF086  }
0x1c: {  	p1 =	slt.u32 s9, $0xF7A;
	s5 =	simm.s32 @!p2 $0x0  }
0x1d: {  	s5 =	simm.s32 @p1 $0x1;
	p0 =	seq.s32 s7, s2  }
0x1e: {  	s7 =	smul.u32 @!p0 $0xF7A, s2;
	p2 =	seq.s32 @!p0 s5, $0x0  }
0x1f: {  	s9 =	smul.u32 $0xF7A, s1;
	s8 =	simm.s32 @!p0 $0x1BF5;
	p2 =	por !p2, p0  }
0x20: {  	[sflag:s8] =	ssyncset.s32 @!p0 $0xFFFFF086;
	s6 =	sadd.s32 @!p0 s3, s7;
	s7 =	simm.s32 @!p0 $0x108  }
0x21: {  	s3 =	sadd.s32 s3, s9;
	s6 =	sadd.s32 @!p0 $0x88, s6;
	s7 =	simm.s32 @p2 $0x1082  }
0x22: {  	[simem:s7], [sflag:s8] =	dma.local @!p0 [hbm:s6], $0xF7A  }
0x23: {  	s9 =	sor.u32 $0xD0000000, s2;
	s6 =	simm.s32 $0x108;
	_ =	swait.ge @!p0 [sflag:s8], $0x0  }
0x24: {  	s3 =	sadd.s32 $0x88, s3;
	s6 =	simm.s32 @!p1 $0x1082;
	[sflag:s4] =	ssyncset.s32 $0xFFFFF086  }
0x25: {  	[simem:s6], [sflag:s4] =	dma.local [hbm:s3], $0xF7A  }
0x26: {  	[smem:$0x3F99] =	sst s1;
	(tag) =	ssettag s2;
	_ =	strace s9  }
0x27: {  	s1 =	sld [smem:$0x3FA9]  }
0x28: {  	s2 =	sld [smem:$0x3FAA]  }
0x29: {  	s4 =	sld [smem:$0x3FAC]  }
0x2a: {  	p0 =	seq.s32 s5, $0x0;
	s5 =	sld [smem:$0x3FAD]  }
0x2b: {  	s6 =	sld [smem:$0x3FAE]  }
0x2c: {  	s7 =	sld [smem:$0x3FAF]  }
0x2d: {  	s3 =	simm.s32 $0x108;
	s8 =	sld [smem:$0x3FB0]  }
0x2e: {  	s3 =	simm.s32 @!p0 $0x1082;
	s9 =	sld [smem:$0x3FB1]  }
0x2f: {  	lr =	sadd.s32 s0, s3;
	s0 =	sld [smem:$0x3FA8]  }
0x30: {  	s3 =	sld [smem:$0x3FAB]  }
0x31: {  	[smem:$0x3FB4] =	sst s10  }
0x32: {  	s10 =	sld [smem:$0x3FB2];
	_ =	sdelay $0x3  }
0x33: {  	p0 =	seq.s32 s10, $0x1;
	s10 =	sld [smem:$0x3FB4];
	_ =	sdelay $0x3  }
0x34: {  	[smem:$0x3FB4] =	sst s10  }
0x35: {  	s10 =	sld [smem:$0x3FB3];
	_ =	sdelay $0x3  }
0x36: {  	p1 =	seq.s32 s10, $0x1;
	s10 =	sld [smem:$0x3FB4];
	_ =	sdelay $0x3  }
0x37: {  	[smem:$0x3FB4] =	sst s10  }
0x38: {  	s10 =	sld [smem:$0x3FB5]  }
0x39: {  	_ = 	snop;
	(pc) =	sbr.ind lr, $3  }
0x3a: {  	_ = 	snop  }
0x3b: {  	_ = 	snop  }
0x3c: {  	p2 =	seq.s32 s10, $0x1;
	s10 =	sld [smem:$0x3FB4]  }
0x3d: {  	_ =	shalt  }
0x3e: {  	_ =	shalt  }
0x3f: {  	_ =	shalt  }
0x40: {  	_ =	shalt  }
0x41: {  	_ =	shalt  }
0x42: {  	_ =	shalt  }
0x43: {  	_ =	shalt  }
0x44: {  	_ =	shalt  }
0x45: {  	_ =	shalt  }
0x46: {  	_ =	shalt  }
0x47: {  	_ =	shalt  }
0x48: {  	_ =	shalt  }
0x49: {  	_ =	shalt  }
0x4a: {  	_ =	shalt  }
0x4b: {  	_ =	shalt  }
0x4c: {  	_ =	shalt  }
0x4d: {  	_ =	shalt  }
0x4e: {  	_ =	shalt  }
0x4f: {  	_ =	shalt  }
0x50: {  	_ =	shalt  }
0x51: {  	_ =	shalt  }
0x52: {  	_ =	shalt  }
0x53: {  	_ =	shalt  }
0x54: {  	_ =	shalt  }
0x55: {  	_ =	shalt  }
0x56: {  	_ =	shalt  }
0x57: {  	_ =	shalt  }
0x58: {  	_ =	shalt  }
0x59: {  	_ =	shalt  }
0x5a: {  	_ =	shalt  }
0x5b: {  	_ =	shalt  }
0x5c: {  	_ =	shalt  }
0x5d: {  	_ =	shalt  }
0x5e: {  	_ =	shalt  }
0x5f: {  	_ =	shalt  }
0x60: {  	_ =	shalt  }
0x61: {  	_ =	shalt  }
0x62: {  	_ =	shalt  }
0x63: {  	_ =	shalt  }
0x64: {  	_ =	shalt  }
0x65: {  	_ =	shalt  }
0x66: {  	_ =	shalt  }
0x67: {  	_ =	shalt  }
0x68: {  	_ =	shalt  }
0x69: {  	_ =	shalt  }
0x6a: {  	_ =	shalt  }
0x6b: {  	_ =	shalt  }
0x6c: {  	_ =	shalt  }
0x6d: {  	_ =	shalt  }
0x6e: {  	_ =	shalt  }
0x6f: {  	_ =	shalt  }
0x70: {  	_ =	shalt  }
0x71: {  	_ =	shalt  }
0x72: {  	_ =	shalt  }
0x73: {  	_ =	shalt  }
0x74: {  	_ =	shalt  }
0x75: {  	_ =	shalt  }
0x76: {  	_ =	shalt  }
0x77: {  	_ =	shalt  }
0x78: {  	_ =	shalt  }
0x79: {  	_ =	shalt  }
0x7a: {  	_ =	shalt  }
0x7b: {  	_ =	shalt  }
0x7c: {  	_ =	shalt  }
0x7d: {  	_ =	shalt  }
0x7e: {  	_ =	shalt  }
0x7f: {  	_ =	shalt  }
0x80: {  	_ =	shalt  }
0x81: {  	_ =	shalt  }
0x82: {  	_ =	shalt  }
0x83: {  	_ =	shalt  }
0x84: {  	_ =	shalt  }
0x85: {  	_ =	shalt  }
0x86: {  	_ =	shalt  }
0x87: {  	_ =	shalt  }
.Lfunc_end0:
.L_simem_size_0:
called_computation.2_lowered:
.L_overlay_start_0:
0x88: {  	s2 =	sld [smem:$0x3FD9]  }
0x89: {  	s3 =	sld [smem:$0x3FFE];
	_ =	sdelay $0x1  }
0x8a: {  	s1 =	srdreg.scid  }
0x8b: {  	s0 =	sand.u32 $0x1, s1  }
0x8c: {  	s16 =	sshll.u32 s0, $0xA;
	s2 =	sadd.s32 s3, s2  }
0x8d: {  	s2 =	sadd.s32 s2, s16  }
0x8e: {  	[smem:$0x3FC0] =	sst s2  }
0x8f: {  	_ = 	snop  }
0x90: {  	(tm) =	ssettm $0x1  }
0x91: {  	s17 =	sld [smem:$0x3FFB];
	_ =	sdelay $0x3  }
0x92: {  	_ =	strace s17  }
0x93: {  	s2 =	sld [smem:$0x3FFC];
	_ =	sdelay $0x3  }
0x94: {  	_ =	strace s2  }
0x95: {  	s2 =	sld [smem:$0x3FFD];
	_ =	sdelay $0x3  }
0x96: {  	_ =	strace s2  }
0x97: {  	_ =	strace $0x8FFFFFFF  }
0x98: {  	s18 =	sld [smem:$0x3FDB];
	_ =	sdelay $0x1  }
0x99: {  	s19 =	simm.s32 $_scs_section_size  }
0x9a: {  	s4 =	simm.s32 $_size__tile_overlayer_lowered;
	s5 =	simm.s32 $_tile_overlayer_lowered  }
0x9b: {  	s22 =	simm.s32 $0x1BFF;
	s21 =	sshll.u32 s5, $0x1;
	s2 =	sadd.s32 s19, s18  }
0x9c: {  	s6 =	simm.s32 $0x0;
	s20 =	sshll.u32 s4, $0x1;
	s4 =	sadd.s32 s21, s2  }
0x9d: {  	[timem:s6], [sflag:s22] =	dma.local [hbm:s4], s20  }
0x9e: {  	_ =	swait.ge [sflag:s22], s20  }
0x9f: {  	s3 =	ssub.s32 $0x0, s20;
	[sflag:s22] =	ssyncset.done $0x0  }
0xa0: {  	[sflag:s22] =	ssyncadd.s32 s3;
	_ =	sdelay $0x1  }
0xa1: {  	s23 =	simm.s32 $0x1B8B  }
0xa2: {  	_ =	swait.ge [sflag:s23], $0x1  }
0xa3: {  	[sflag:s23] =	ssyncset.done $0x0  }
0xa4: {  	s25 =	simm.s32 $0x1B8E;
	s24 =	sld [smem:$0x3FFE];
	[sflag:s23] =	ssyncadd.s32 $0xFFFFFFFF  }
0xa5: {  	s26 =	simm.s32 $execute0_lowered;
	[smem:$0x3FD2] =	sst s25  }
0xa6: {  	s4 =	sshll.u32 s26, $0x1;
	_ =	strace $0x8000004C;
	[dreg:$0x1] =	wrdreg $0xFFFFFFFF  }
0xa7: {  	s28 =	simm.s32 $_size_execute0_lowered;
	s2 =	sadd.s32 s2, s4;
	[dreg:$0x0] =	wrdreg $0x0  }
0xa8: {  	s4 =	sshll.u32 s28, $0x1;
	[dreg:$0x2] =	wrdreg s2  }
0xa9: {  	[dreg:$0x3] =	wrdreg s4  }
0xaa: {  	[dreg:$0x4] =	wrdreg $0xC0  }
0xab: {  	_ =	task [dreg:s6], $0x5FFFF  }
0xac: {  	[dreg:$0x1] =	wrdreg $0xFFFFFFFF  }
0xad: {  	[dreg:$0x0] =	wrdreg $0x60  }
0xae: {  	[dreg:$0x2] =	wrdreg s24  }
0xaf: {  	[dreg:$0x3] =	wrdreg $0x140000  }
0xb0: {  	[dreg:$0x4] =	wrdreg $0x9  }
0xb1: {  	_ =	task.clear_ibuf [dreg:s6], $0x5FFFF;
	_ =	strace $0x9000004C  }
0xb2: {  	s29 =	simm.s32 $0x9;
	_ =	strace $0x8000004E  }
0xb3: {  	_ =	swait.ge [sflag:s29], $0x1  }
0xb4: {  	[sflag:s29] =	ssyncadd.s32 $0xFFFFFFFF  }
0xb5: {  	_ =	strace $0x9000004E  }
0xb6: {  	_ =	sfence  }
0xb7: {  	s30 =	sld [smem:$0x0];
	_ =	sdelay $0x2  }
0xb8: {  	s31 =	sshll.u32 s1, $0xD;
	s1 =	sshrl.u32 s1, $0x2  }
0xb9: {  	s3 =	sand.u32 $0x4000, s31;
	s1 =	sadd.s32 s1, s30  }
0xba: {  	s0 =	sor.u32 s3, s0;
	s1 =	sshll.u32 s1, $0x11  }
0xbb: {  	s0 =	sor.u32 s1, s0  }
0xbc: {  	s0 =	sadd.s32 $0x8F2B, s0  }
0xbd: {  	[sflag:s0] =	ssyncadd.remote.s32 $0x1  }
0xbe: {  	_ =	sfence.sel $0xFFFF  }
0xbf: {  	[dreg:$0x0] =	wrdreg $0xFFFFFFFF;
	(pc) =	sbr.abs _section_cstart, $3  }
0xc0: {  	[dreg:$0x1] =	wrdreg $0xFFFFFFFF  }
0xc1: {  	_ =	task.clear_ibuf [dreg:s6], $0x2FFFF;
	_ =	strace $0x9FFFFFFF  }
0xc2: {  	(tm) =	ssettm $0x7FFFFFFF  }
0xc3: {  	_ =	shalt  }
tec
execute0_lowered:
.L_overlay_start_1:
0x0: {  	(tag) =	ssettag $0x1  }
0x1: {  	s0 =	rddreg [dreg:$0x0]  }
0x2: {  	s2 =	rddreg [dreg:$0x1]  }
0x3: {  	s11 =	stileid.u32;
	s1 =	srdreg.scid;
	s3 =	simm.s32 $0x0  }
0x4: {  	s14 =	simm.s32 $0x80;
	s15 =	simm.s32 $0xA000;
	s16 =	simm.s32 $0xC000  }
0x5: {  	s18 =	simm.s32 $0xE000;
	s20 =	simm.s32 $0x10000;
	s22 =	simm.s32 $0x12000  }
0x6: {  	s23 =	simm.s32 $0x1;
	s24 =	simm.s32 $0x6;
	s29 =	simm.s32 $0x7  }
0x7: {  	s31 =	simm.s32 $0x3;
	s19 =	simm.s32 $0x4;
	s30 =	simm.s32 $0x5  }
0x8: {  	s17 =	simm.s32 $0xA;
	s1 =	sand.u32 $0x1, s1;
	s6 =	smul.u32 $0xA000, s11  }
0x9: {  	[smem:$0x7FF] =	sst s3;
	s4 =	smul.u32 $0xA00, s11;
	s8 =	sadd.s32 $0x74600, s0  }
0xa: {  	s28 =	sshll.u32 s11, $0x6;
	s11 =	simm.s32 $0x5000;
	s7 =	smul.u32 $0xA0000, s1  }
0xb: {  	_ =	strace $0x8000004D;
	s1 =	ssub.s32 $0x2, s1;
	s12 =	sor.u32 $0x1C0B, s28  }
0xc: {  	s9 =	sadd.s32 s4, s0;
	s25 =	sshrl.u32 s1, $0x1;
	s13 =	sadd.s32 s6, s2  }
0xd: {  	s5 =	sadd.s32 s6, s7;
	s1 =	ssub.s32 s1, s25;
	s26 =	sadd.s32 $0x1A600, s9  }
0xe: {  	s7 =	sshrl.u32 s7, $0x3;
	s13 =	sshrl.u32 s13, $0x3;
	s25 =	simm.s32 $0x9  }
0xf: {  	s10 =	sshrl.u32 s5, $0x3;
	[dreg:$0x3] =	wrdreg s26;
	s5 =	sadd.s32 $0x1600, s9  }
0x10: {  	s7 =	sadd.s32 s8, s7;
	s9 =	smax.u32 s1, $0x1;
	s26 =	simm.s32 $0x2  }
0x11: {  	s1 =	simm.s32 $0x8;
	s0 =	sadd.s32 s10, s0;
	s6 =	sadd.s32 s8, s10  }
0x12: {  	s10 =	simm.s32 $0xB;
	s8 =	sadd.s32 $0x9C600, s0;
	s0 =	simm.s32 $0x0  }
.LBB2_1:
0x13: {  	s4 =	rddreg [dreg:$0x3]  }
0x14: {  	[tilespmem:s3], [sflag:$0xB] =	stream.linear.gather [hbm4b:s4+s3], $0x5000, $0x38;
	[tilespmem:$0x1E000] =	vst v63  }
0x15: {  	_ =	swait.ge [sflag:s10], $0x5000  }
0x16: {  	[sflag:s10] =	ssyncset.done $0x0  }
0x17: {  	[sflag:s10] =	ssyncadd.s32 $0xFFFFB000  }
0x18: {  	[tilespmem:s11], [sflag:$0xB] =	stream.linear.gather [hbm4b:s5+s3], $0x5000, $0x38;
	[tilespmem:$0x1E000] =	vst v63  }
0x19: {  	_ =	swait.ge [sflag:s10], $0x5000  }
0x1a: {  	[sflag:s10] =	ssyncset.done $0x0  }
0x1b: {  	[sflag:s10] =	ssyncadd.s32 $0xFFFFB000  }
0x1c: {  	[spmem:s13], [sflag:s12] =	dma.local [hbm:s6], $0x1400  }
0x1d: {  	_ =	swait.ge [sflag:s10], $0x1400  }
0x1e: {  	[sflag:s10] =	ssyncset.done $0x0  }
0x1f: {  	[sflag:s10] =	ssyncadd.s32 $0xFFFFEC00  }
0x20: {  	[bflag:$0x0] =	sbarrier.arrive $0xFFFF  }
0x21: {  	[tilespmem:s15], [sflag:$0x1] =	stream.indirect.gather [hbm4b:s7+s14], $0x40, s3, s14, $0xb8;
	[tilespmem:$0x1E000] =	vst v63  }
0x22: {  	_ = 	snop  }
0x23: {  	[tilespmem:s16], [sflag:$0x2] =	stream.indirect.gather [hbm4b:s7+s14], $0x40, s14, s14, $0xb8;
	[tilespmem:$0x1E000] =	vst v63  }
0x24: {  	s21 =	simm.s32 $0x100  }
0x25: {  	[tilespmem:s18], [sflag:$0x3] =	stream.indirect.gather [hbm4b:s7+s14], $0x40, s21, s14, $0xb8;
	[tilespmem:$0x1E000] =	vst v63  }
0x26: {  	s21 =	simm.s32 $0x180  }
0x27: {  	[tilespmem:s20], [sflag:$0x4] =	stream.indirect.gather [hbm4b:s7+s14], $0x40, s21, s14, $0xb8;
	[tilespmem:$0x1E000] =	vst v63  }
0x28: {  	s21 =	simm.s32 $0x200  }
0x29: {  	[tilespmem:s22], [sflag:$0x5] =	stream.indirect.gather [hbm4b:s7+s14], $0x40, s21, s14, $0xb8;
	[tilespmem:$0x1E000] =	vst v63  }
0x2a: {  	_ =	swait.ge [sflag:s23], $0x2000  }
0x2b: {  	[sflag:s23] =	ssyncset.done $0x0  }
0x2c: {  	[sflag:s23] =	ssyncadd.s32 $0xFFFFE000  }
0x2d: {  	[spmem:s2] =	stream.indirect.scatter.add.f32 [tilespmem:s15], [sflag:$0x6], $0x40, s11, s14, $0xb8;
	[tilespmem:$0x1E000] =	vst v63  }
0x2e: {  	_ =	swait.ge [sflag:s24], $0x2000  }
0x2f: {  	[sflag:s24] =	ssyncset.done $0x0  }
0x30: {  	s21 =	simm.s32 $0x280;
	[sflag:s24] =	ssyncadd.s32 $0xFFFFE000  }
0x31: {  	[tilespmem:s15], [sflag:$0x1] =	stream.indirect.gather [hbm4b:s7+s14], $0x40, s21, s14, $0xb8;
	[tilespmem:$0x1E000] =	vst v63  }
0x32: {  	_ =	swait.ge [sflag:s26], $0x2000  }
0x33: {  	[sflag:s26] =	ssyncset.done $0x0  }
0x34: {  	s21 =	simm.s32 $0x5080;
	[sflag:s26] =	ssyncadd.s32 $0xFFFFE000  }
0x35: {  	[spmem:s2] =	stream.indirect.scatter.add.f32 [tilespmem:s16], [sflag:$0x7], $0x40, s21, s14, $0xb8;
	[tilespmem:$0x1E000] =	vst v63  }
0x36: {  	_ =	swait.ge [sflag:s29], $0x2000  }
0x37: {  	[sflag:s29] =	ssyncset.done $0x0  }
0x38: {  	s21 =	simm.s32 $0x300;
	[sflag:s29] =	ssyncadd.s32 $0xFFFFE000  }
0x39: {  	[tilespmem:s16], [sflag:$0x2] =	stream.indirect.gather [hbm4b:s7+s14], $0x40, s21, s14, $0xb8;
	[tilespmem:$0x1E000] =	vst v63  }
0x3a: {  	_ =	swait.ge [sflag:s31], $0x2000  }
0x3b: {  	[sflag:s31] =	ssyncset.done $0x0  }
0x3c: {  	s21 =	simm.s32 $0x5100;
	[sflag:s31] =	ssyncadd.s32 $0xFFFFE000  }
0x3d: {  	[spmem:s2] =	stream.indirect.scatter.add.f32 [tilespmem:s18], [sflag:$0x8], $0x40, s21, s14, $0xb8;
	[tilespmem:$0x1E000] =	vst v63  }
0x3e: {  	_ =	swait.ge [sflag:s1], $0x2000  }
0x3f: {  	[sflag:s1] =	ssyncset.done $0x0  }
0x40: {  	s21 =	simm.s32 $0x380;
	[sflag:s1] =	ssyncadd.s32 $0xFFFFE000  }
0x41: {  	[tilespmem:s18], [sflag:$0x3] =	stream.indirect.gather [hbm4b:s7+s14], $0x40, s21, s14, $0xb8;
	[tilespmem:$0x1E000] =	vst v63  }
0x42: {  	_ =	swait.ge [sflag:s19], $0x2000  }
0x43: {  	[sflag:s19] =	ssyncset.done $0x0  }
0x44: {  	s21 =	simm.s32 $0x5180;
	[sflag:s19] =	ssyncadd.s32 $0xFFFFE000  }
0x45: {  	[spmem:s2] =	stream.indirect.scatter.add.f32 [tilespmem:s20], [sflag:$0x9], $0x40, s21, s14, $0xb8;
	[tilespmem:$0x1E000] =	vst v63  }
0x46: {  	_ =	swait.ge [sflag:s25], $0x2000  }
0x47: {  	[sflag:s25] =	ssyncset.done $0x0  }
0x48: {  	s21 =	simm.s32 $0x400;
	[sflag:s25] =	ssyncadd.s32 $0xFFFFE000  }
0x49: {  	[tilespmem:s20], [sflag:$0x4] =	stream.indirect.gather [hbm4b:s7+s14], $0x40, s21, s14, $0xb8;
	[tilespmem:$0x1E000] =	vst v63  }
0x4a: {  	_ =	swait.ge [sflag:s30], $0x2000  }
0x4b: {  	[sflag:s30] =	ssyncset.done $0x0  }
0x4c: {  	s21 =	simm.s32 $0x5200;
	[sflag:s30] =	ssyncadd.s32 $0xFFFFE000  }
0x4d: {  	[spmem:s2] =	stream.indirect.scatter.add.f32 [tilespmem:s22], [sflag:$0xA], $0x40, s21, s14, $0xb8;
	[tilespmem:$0x1E000] =	vst v63  }
0x4e: {  	_ =	swait.ge [sflag:s17], $0x2000  }
0x4f: {  	[sflag:s17] =	ssyncset.done $0x0  }
0x50: {  	s21 =	simm.s32 $0x480;
	[sflag:s17] =	ssyncadd.s32 $0xFFFFE000  }
0x51: {  	[tilespmem:s22], [sflag:$0x5] =	stream.indirect.gather [hbm4b:s7+s14], $0x40, s21, s14, $0xb8;
	[tilespmem:$0x1E000] =	vst v63  }
0x52: {  	_ =	swait.ge [sflag:s23], $0x2000  }
0x53: {  	[sflag:s23] =	ssyncset.done $0x0  }
0x54: {  	s4 =	simm.s32 $0x5280;
	[sflag:s23] =	ssyncadd.s32 $0xFFFFE000  }
0x55: {  	[spmem:s2] =	stream.indirect.scatter.add.f32 [tilespmem:s15], [sflag:$0x6], $0x40, s4, s14, $0xb8;
	[tilespmem:$0x1E000] =	vst v63  }
0x56: {  	_ =	swait.ge [sflag:s24], $0x2000  }
0x57: {  	[sflag:s24] =	ssyncset.done $0x0  }
0x58: {  	s4 =	simm.s32 $0x500;
	[sflag:s24] =	ssyncadd.s32 $0xFFFFE000  }
0x59: {  	[tilespmem:s15], [sflag:$0x1] =	stream.indirect.gather [hbm4b:s7+s14], $0x40, s4, s14, $0xb8;
	[tilespmem:$0x1E000] =	vst v63  }
0x5a: {  	_ =	swait.ge [sflag:s26], $0x2000  }
0x5b: {  	[sflag:s26] =	ssyncset.done $0x0  }
0x5c: {  	s4 =	simm.s32 $0x5300;
	[sflag:s26] =	ssyncadd.s32 $0xFFFFE000  }
0x5d: {  	[spmem:s2] =	stream.indirect.scatter.add.f32 [tilespmem:s16], [sflag:$0x7], $0x40, s4, s14, $0xb8;
	[tilespmem:$0x1E000] =	vst v63  }
0x5e: {  	_ =	swait.ge [sflag:s29], $0x2000  }
0x5f: {  	[sflag:s29] =	ssyncset.done $0x0  }
0x60: {  	s4 =	simm.s32 $0x580;
	[sflag:s29] =	ssyncadd.s32 $0xFFFFE000  }
0x61: {  	[tilespmem:s16], [sflag:$0x2] =	stream.indirect.gather [hbm4b:s7+s14], $0x40, s4, s14, $0xb8;
	[tilespmem:$0x1E000] =	vst v63  }
0x62: {  	_ =	swait.ge [sflag:s31], $0x2000  }
0x63: {  	[sflag:s31] =	ssyncset.done $0x0  }
0x64: {  	s4 =	simm.s32 $0x5380;
	[sflag:s31] =	ssyncadd.s32 $0xFFFFE000  }
0x65: {  	[spmem:s2] =	stream.indirect.scatter.add.f32 [tilespmem:s18], [sflag:$0x8], $0x40, s4, s14, $0xb8;
	[tilespmem:$0x1E000] =	vst v63  }
0x66: {  	_ =	swait.ge [sflag:s1], $0x2000  }
0x67: {  	[sflag:s1] =	ssyncset.done $0x0  }
0x68: {  	s4 =	simm.s32 $0x600;
	[sflag:s1] =	ssyncadd.s32 $0xFFFFE000  }
0x69: {  	[tilespmem:s18], [sflag:$0x3] =	stream.indirect.gather [hbm4b:s7+s14], $0x40, s4, s14, $0xb8;
	[tilespmem:$0x1E000] =	vst v63  }
0x6a: {  	_ =	swait.ge [sflag:s19], $0x2000  }
0x6b: {  	[sflag:s19] =	ssyncset.done $0x0  }
0x6c: {  	s4 =	simm.s32 $0x5400;
	[sflag:s19] =	ssyncadd.s32 $0xFFFFE000  }
0x6d: {  	[spmem:s2] =	stream.indirect.scatter.add.f32 [tilespmem:s20], [sflag:$0x9], $0x40, s4, s14, $0xb8;
	[tilespmem:$0x1E000] =	vst v63  }
0x6e: {  	_ =	swait.ge [sflag:s25], $0x2000  }
0x6f: {  	[sflag:s25] =	ssyncset.done $0x0  }
0x70: {  	s4 =	simm.s32 $0x680;
	[sflag:s25] =	ssyncadd.s32 $0xFFFFE000  }
0x71: {  	[tilespmem:s20], [sflag:$0x4] =	stream.indirect.gather [hbm4b:s7+s14], $0x40, s4, s14, $0xb8;
	[tilespmem:$0x1E000] =	vst v63  }
0x72: {  	_ =	swait.ge [sflag:s30], $0x2000  }
0x73: {  	[sflag:s30] =	ssyncset.done $0x0  }
0x74: {  	s28 =	simm.s32 $0x5480;
	s21 =	simm.s32 $0xA00;
	[sflag:s30] =	ssyncadd.s32 $0xFFFFE000  }
.LBB2_2:
0x75: {  	[spmem:s2] =	stream.indirect.scatter.add.f32 [tilespmem:s22], [sflag:$0xA], $0x40, s28, s14, $0xb8;
	[tilespmem:$0x1E000] =	vst v63  }
0x76: {  	s28 =	smov.u32 s21;
	s21 =	sadd.s32 $0xA00, s21;
	_ =	swait.ge [sflag:s17], $0x2000  }
0x77: {  	s28 =	sshra.s32 s28, $0x2;
	p0 =	sne.s32 s21, $0x12C00;
	[sflag:s17] =	ssyncset.done $0x0  }
0x78: {  	s4 =	sadd.s32 $0x480, s28;
	[sflag:s17] =	ssyncadd.s32 $0xFFFFE000  }
0x79: {  	[tilespmem:s22], [sflag:$0x5] =	stream.indirect.gather [hbm4b:s7+s14], $0x40, s4, s14, $0xb8;
	[tilespmem:$0x1E000] =	vst v63  }
0x7a: {  	_ =	swait.ge [sflag:s23], $0x2000  }
0x7b: {  	[sflag:s23] =	ssyncset.done $0x0  }
0x7c: {  	s4 =	sadd.s32 $0x5280, s28;
	[sflag:s23] =	ssyncadd.s32 $0xFFFFE000  }
0x7d: {  	[spmem:s2] =	stream.indirect.scatter.add.f32 [tilespmem:s15], [sflag:$0x6], $0x40, s4, s14, $0xb8;
	[tilespmem:$0x1E000] =	vst v63  }
0x7e: {  	_ =	swait.ge [sflag:s24], $0x2000  }
0x7f: {  	[sflag:s24] =	ssyncset.done $0x0  }
0x80: {  	s4 =	sadd.s32 $0x500, s28;
	[sflag:s24] =	ssyncadd.s32 $0xFFFFE000  }
0x81: {  	[tilespmem:s15], [sflag:$0x1] =	stream.indirect.gather [hbm4b:s7+s14], $0x40, s4, s14, $0xb8;
	[tilespmem:$0x1E000] =	vst v63  }
0x82: {  	_ =	swait.ge [sflag:s26], $0x2000  }
0x83: {  	[sflag:s26] =	ssyncset.done $0x0  }
0x84: {  	s4 =	sadd.s32 $0x5300, s28;
	[sflag:s26] =	ssyncadd.s32 $0xFFFFE000  }
0x85: {  	[spmem:s2] =	stream.indirect.scatter.add.f32 [tilespmem:s16], [sflag:$0x7], $0x40, s4, s14, $0xb8;
	[tilespmem:$0x1E000] =	vst v63  }
0x86: {  	_ =	swait.ge [sflag:s29], $0x2000  }
0x87: {  	[sflag:s29] =	ssyncset.done $0x0  }
0x88: {  	s4 =	sadd.s32 $0x580, s28;
	[sflag:s29] =	ssyncadd.s32 $0xFFFFE000  }
0x89: {  	[tilespmem:s16], [sflag:$0x2] =	stream.indirect.gather [hbm4b:s7+s14], $0x40, s4, s14, $0xb8;
	[tilespmem:$0x1E000] =	vst v63  }
0x8a: {  	_ =	swait.ge [sflag:s31], $0x2000  }
0x8b: {  	[sflag:s31] =	ssyncset.done $0x0  }
0x8c: {  	s4 =	sadd.s32 $0x5380, s28;
	[sflag:s31] =	ssyncadd.s32 $0xFFFFE000  }
0x8d: {  	[spmem:s2] =	stream.indirect.scatter.add.f32 [tilespmem:s18], [sflag:$0x8], $0x40, s4, s14, $0xb8;
	[tilespmem:$0x1E000] =	vst v63  }
0x8e: {  	_ =	swait.ge [sflag:s1], $0x2000  }
0x8f: {  	[sflag:s1] =	ssyncset.done $0x0  }
0x90: {  	s4 =	sadd.s32 $0x600, s28;
	[sflag:s1] =	ssyncadd.s32 $0xFFFFE000  }
0x91: {  	[tilespmem:s18], [sflag:$0x3] =	stream.indirect.gather [hbm4b:s7+s14], $0x40, s4, s14, $0xb8;
	[tilespmem:$0x1E000] =	vst v63  }
0x92: {  	_ =	swait.ge [sflag:s19], $0x2000  }
0x93: {  	[sflag:s19] =	ssyncset.done $0x0  }
0x94: {  	s4 =	sadd.s32 $0x5400, s28;
	[sflag:s19] =	ssyncadd.s32 $0xFFFFE000  }
0x95: {  	[spmem:s2] =	stream.indirect.scatter.add.f32 [tilespmem:s20], [sflag:$0x9], $0x40, s4, s14, $0xb8;
	[tilespmem:$0x1E000] =	vst v63  }
0x96: {  	_ =	swait.ge [sflag:s25], $0x2000  }
0x97: {  	[sflag:s25] =	ssyncset.done $0x0  }
.Ltmp0:
0x98: {  	s4 =	sadd.s32 $0x680, s28;
	[sflag:s25] =	ssyncadd.s32 $0xFFFFE000;
	(pc) =	sbr.rel @p0 .LBB2_2-.Ltmp0, $4  }
0x99: {  	[tilespmem:s20], [sflag:$0x4] =	stream.indirect.gather [hbm4b:s7+s14], $0x40, s4, s14, $0xb8;
	[tilespmem:$0x1E000] =	vst v63  }
0x9a: {  	_ =	swait.ge [sflag:s30], $0x2000  }
0x9b: {  	[sflag:s30] =	ssyncset.done $0x0  }
0x9c: {  	s28 =	sadd.s32 $0x5480, s28;
	[sflag:s30] =	ssyncadd.s32 $0xFFFFE000  }
0x9d: {  	[spmem:s2] =	stream.indirect.scatter.add.f32 [tilespmem:s22], [sflag:$0xA], $0x40, s28, s14, $0xb8;
	[tilespmem:$0x1E000] =	vst v63  }
0x9e: {  	_ =	swait.ge [sflag:s17], $0x2000  }
0x9f: {  	[sflag:s17] =	ssyncset.done $0x0  }
0xa0: {  	s4 =	simm.s32 $0x4F80;
	[sflag:s17] =	ssyncadd.s32 $0xFFFFE000  }
0xa1: {  	[tilespmem:s22], [sflag:$0x5] =	stream.indirect.gather [hbm4b:s7+s14], $0x40, s4, s14, $0xb8;
	[tilespmem:$0x1E000] =	vst v63  }
0xa2: {  	_ =	swait.ge [sflag:s23], $0x2000  }
0xa3: {  	s4 =	sshra.s32 s21, $0x2;
	[sflag:s23] =	ssyncset.done $0x0  }
0xa4: {  	s21 =	sadd.s32 $0x5280, s4;
	[sflag:s23] =	ssyncadd.s32 $0xFFFFE000  }
0xa5: {  	[spmem:s2] =	stream.indirect.scatter.add.f32 [tilespmem:s15], [sflag:$0x6], $0x40, s21, s14, $0xb8;
	[tilespmem:$0x1E000] =	vst v63  }
0xa6: {  	_ =	swait.ge [sflag:s26], $0x2000  }
0xa7: {  	[sflag:s26] =	ssyncset.done $0x0  }
0xa8: {  	s28 =	sadd.s32 $0x5300, s4;
	[sflag:s26] =	ssyncadd.s32 $0xFFFFE000  }
0xa9: {  	[spmem:s2] =	stream.indirect.scatter.add.f32 [tilespmem:s16], [sflag:$0x7], $0x40, s28, s14, $0xb8;
	[tilespmem:$0x1E000] =	vst v63  }
0xaa: {  	_ =	swait.ge [sflag:s31], $0x2000  }
0xab: {  	[sflag:s31] =	ssyncset.done $0x0  }
0xac: {  	s28 =	sadd.s32 $0x5380, s4;
	[sflag:s31] =	ssyncadd.s32 $0xFFFFE000  }
0xad: {  	[spmem:s2] =	stream.indirect.scatter.add.f32 [tilespmem:s18], [sflag:$0x8], $0x40, s28, s14, $0xb8;
	[tilespmem:$0x1E000] =	vst v63  }
0xae: {  	_ =	swait.ge [sflag:s19], $0x2000  }
0xaf: {  	[sflag:s19] =	ssyncset.done $0x0  }
0xb0: {  	s4 =	sadd.s32 $0x5400, s4;
	[sflag:s19] =	ssyncadd.s32 $0xFFFFE000  }
0xb1: {  	[spmem:s2] =	stream.indirect.scatter.add.f32 [tilespmem:s20], [sflag:$0x9], $0x40, s4, s14, $0xb8;
	[tilespmem:$0x1E000] =	vst v63  }
0xb2: {  	_ =	swait.ge [sflag:s30], $0x2000  }
0xb3: {  	[sflag:s30] =	ssyncset.done $0x0  }
0xb4: {  	s28 =	simm.s32 $0x9F80;
	[sflag:s30] =	ssyncadd.s32 $0xFFFFE000  }
0xb5: {  	[spmem:s2] =	stream.indirect.scatter.add.f32 [tilespmem:s22], [sflag:$0xA], $0x40, s28, s14, $0xb8;
	[tilespmem:$0x1E000] =	vst v63  }
0xb6: {  	_ =	swait.ge [sflag:s24], $0x2000  }
0xb7: {  	[sflag:s24] =	ssyncset.done $0x0  }
0xb8: {  	[sflag:s24] =	ssyncadd.s32 $0xFFFFE000  }
0xb9: {  	_ =	swait.ge [sflag:s29], $0x2000  }
0xba: {  	[sflag:s29] =	ssyncset.done $0x0  }
0xbb: {  	[sflag:s29] =	ssyncadd.s32 $0xFFFFE000  }
0xbc: {  	_ =	swait.ge [sflag:s1], $0x2000  }
0xbd: {  	[sflag:s1] =	ssyncset.done $0x0  }
0xbe: {  	[sflag:s1] =	ssyncadd.s32 $0xFFFFE000  }
0xbf: {  	_ =	swait.ge [sflag:s25], $0x2000  }
0xc0: {  	[sflag:s25] =	ssyncset.done $0x0  }
0xc1: {  	[sflag:s25] =	ssyncadd.s32 $0xFFFFE000  }
0xc2: {  	_ =	swait.ge [sflag:s17], $0x2000  }
0xc3: {  	s0 =	sadd.s32 $0x1, s0;
	[sflag:s17] =	ssyncset.done $0x0  }
0xc4: {  	p0 =	sne.s32 s0, s9;
	[sflag:s17] =	ssyncadd.s32 $0xFFFFE000  }
.Ltmp1:
0xc5: {  	[bflag:$0x0] =	sbarrier.arrive $0xFFFF;
	(pc) =	sbr.rel @p0 .LBB2_1-.Ltmp1, $4  }
0xc6: {  	[hbm:s8], [sflag:s12] =	dma.local [spmem:s13], $0x1400  }
0xc7: {  	_ =	swait.ge [sflag:s10], $0x1400  }
0xc8: {  	[sflag:s10] =	ssyncset.done $0x0  }
0xc9: {  	[sflag:s10] =	ssyncadd.s32 $0xFFFFEC00  }
0xca: {  	_ =	sfence.sel $0x180000  }
0xcb: {  	[bflag:$0x0] =	sbarrier.arrive $0xFFFF  }
0xcc: {  	_ =	strace $0x9000004D  }
0xcd: {  	s0 =	stileid.u32;
	[bflag:$0x2] =	sbarrier.arrive $0xFFFF  }
0xce: {  	p0 =	sne.s32 s0, $0x0;
	s0 =	rddreg [dreg:$0x2]  }
0xcf: {  	s0 =	sadd.s32 @!p0 $0x100000, s0  }
0xd0: {  	[sflag:s0] =	ssyncadd.tile.s32 @!p0 $0x1;
	_ =	shalt  }
.Lfunc_end2:
_tile_overlayer_lowered:
.L_overlay_start_2:
0xd1: {  	(tag) =	ssettag $0x2  }
0xd2: {  	s0 =	rddreg [dreg:$0x0];
	s2 =	stileid.u32  }
0xd3: {  	s1 =	rddreg [dreg:$0x1];
	p0 =	sne.s32 s2, $0x0  }
0xd4: {  	s3 =	rddreg [dreg:$0x2];
	[bflag:$0x3] =	sbarrier.arrive $0xFFFF;
	s2 =	simm.s32 @!p0 $0x1C0B  }
0xd5: {  	[timem:s3], [sflag:s2] =	dma.local @!p0 [hbm:s0], s1  }
0xd6: {  	s0 =	simm.s32 @!p0 $0xB  }
0xd7: {  	_ =	swait.ge @!p0 [sflag:s0], s1  }
0xd8: {  	s1 =	ssub.s32 @!p0 $0x0, s1;
	[sflag:s0] =	ssyncset.done @!p0 $0x0  }
0xd9: {  	[sflag:s0] =	ssyncadd.s32 @!p0 s1  }
0xda: {  	[bflag:$0x3] =	sbarrier.arrive $0xFFFF  }
0xdb: {  	_ =	shalt  }

// kernel: kernel.8.cloned.1.call-start
scs
__scs_entry_jumppad:
0x0: {  	(pc) =	sbr.rel $0x88, $3  }
0x1: {  	(tag) =	ssettag $0x0;
	lr =	simm.s32 $0x1  }
0x2: {  	[smem:$0x3F99] =	sst lr;
	_ =	strace $0xD0000000  }
0x3: {  	_ = 	snop  }
0x4: {  	_ = 	snop  }
0x5: {  	_ = 	snop  }
0x6: {  	_ = 	snop  }
0x7: {  	_ = 	snop  }
__scs_overlays_trampoline_lowered:
0x8: {  	[smem:$0x3FA8] =	sst s0  }
0x9: {  	[smem:$0x3FA9] =	sst s1  }
0xa: {  	[smem:$0x3FAA] =	sst s2  }
0xb: {  	[smem:$0x3FAB] =	sst s3  }
0xc: {  	[smem:$0x3FAC] =	sst s4  }
0xd: {  	[smem:$0x3FAD] =	sst s5  }
0xe: {  	[smem:$0x3FAE] =	sst s6  }
0xf: {  	[smem:$0x3FAF] =	sst s7  }
0x10: {  	[smem:$0x3FB0] =	sst s8  }
0x11: {  	[smem:$0x3FB1] =	sst s9;
	s0 =	simm.s32 @!p0 $0x0  }
0x12: {  	s1 =	sld [smem:$0x3F97];
	s0 =	simm.s32 @p0 $0x1  }
0x13: {  	[smem:$0x3FB2] =	sst s0;
	s0 =	simm.s32 @!p1 $0x0  }
0x14: {  	s2 =	sld [smem:$0x3F96];
	s0 =	simm.s32 @p1 $0x1  }
0x15: {  	[smem:$0x3FB3] =	sst s0;
	s0 =	simm.s32 @!p2 $0x0  }
0x16: {  	s3 =	sld [smem:$0x3FDB];
	s0 =	simm.s32 @p2 $0x1  }
0x17: {  	s4 =	simm.s32 $0x1BF5;
	[smem:$0x3FB5] =	sst s0  }
0x18: {  	s0 =	sld [smem:$0x3F98];
	_ =	swait.ge [sflag:s4], $0x0  }
0x19: {  	s7 =	sld [smem:$0x3F99]  }
0x1a: {  	s8 =	sadd.s32 $0xFFFFE003, lr  }
0x1b: {  	s9 =	sadd.s32 $0xFFFFFEF7, lr;
	s5 =	simm.s32 $0xFFFFFFFF;
	p2 =	slt.u32 s8, $0xFFFFF086  }
0x1c: {  	p1 =	slt.u32 s9, $0xF7A;
	s5 =	simm.s32 @!p2 $0x0  }
0x1d: {  	s5 =	simm.s32 @p1 $0x1;
	p0 =	seq.s32 s7, s2  }
0x1e: {  	s7 =	smul.u32 @!p0 $0xF7A, s2;
	p2 =	seq.s32 @!p0 s5, $0x0  }
0x1f: {  	s9 =	smul.u32 $0xF7A, s1;
	s8 =	simm.s32 @!p0 $0x1BF5;
	p2 =	por !p2, p0  }
0x20: {  	[sflag:s8] =	ssyncset.s32 @!p0 $0xFFFFF086;
	s6 =	sadd.s32 @!p0 s3, s7;
	s7 =	simm.s32 @!p0 $0x108  }
0x21: {  	s3 =	sadd.s32 s3, s9;
	s6 =	sadd.s32 @!p0 $0x88, s6;
	s7 =	simm.s32 @p2 $0x1082  }
0x22: {  	[simem:s7], [sflag:s8] =	dma.local @!p0 [hbm:s6], $0xF7A  }
0x23: {  	s9 =	sor.u32 $0xD0000000, s2;
	s6 =	simm.s32 $0x108;
	_ =	swait.ge @!p0 [sflag:s8], $0x0  }
0x24: {  	s3 =	sadd.s32 $0x88, s3;
	s6 =	simm.s32 @!p1 $0x1082;
	[sflag:s4] =	ssyncset.s32 $0xFFFFF086  }
0x25: {  	[simem:s6], [sflag:s4] =	dma.local [hbm:s3], $0xF7A  }
0x26: {  	[smem:$0x3F99] =	sst s1;
	(tag) =	ssettag s2;
	_ =	strace s9  }
0x27: {  	s1 =	sld [smem:$0x3FA9]  }
0x28: {  	s2 =	sld [smem:$0x3FAA]  }
0x29: {  	s4 =	sld [smem:$0x3FAC]  }
0x2a: {  	p0 =	seq.s32 s5, $0x0;
	s5 =	sld [smem:$0x3FAD]  }
0x2b: {  	s6 =	sld [smem:$0x3FAE]  }
0x2c: {  	s7 =	sld [smem:$0x3FAF]  }
0x2d: {  	s3 =	simm.s32 $0x108;
	s8 =	sld [smem:$0x3FB0]  }
0x2e: {  	s3 =	simm.s32 @!p0 $0x1082;
	s9 =	sld [smem:$0x3FB1]  }
0x2f: {  	lr =	sadd.s32 s0, s3;
	s0 =	sld [smem:$0x3FA8]  }
0x30: {  	s3 =	sld [smem:$0x3FAB]  }
0x31: {  	[smem:$0x3FB4] =	sst s10  }
0x32: {  	s10 =	sld [smem:$0x3FB2];
	_ =	sdelay $0x3  }
0x33: {  	p0 =	seq.s32 s10, $0x1;
	s10 =	sld [smem:$0x3FB4];
	_ =	sdelay $0x3  }
0x34: {  	[smem:$0x3FB4] =	sst s10  }
0x35: {  	s10 =	sld [smem:$0x3FB3];
	_ =	sdelay $0x3  }
0x36: {  	p1 =	seq.s32 s10, $0x1;
	s10 =	sld [smem:$0x3FB4];
	_ =	sdelay $0x3  }
0x37: {  	[smem:$0x3FB4] =	sst s10  }
0x38: {  	s10 =	sld [smem:$0x3FB5]  }
0x39: {  	_ = 	snop;
	(pc) =	sbr.ind lr, $3  }
0x3a: {  	_ = 	snop  }
0x3b: {  	_ = 	snop  }
0x3c: {  	p2 =	seq.s32 s10, $0x1;
	s10 =	sld [smem:$0x3FB4]  }
0x3d: {  	_ =	shalt  }
0x3e: {  	_ =	shalt  }
0x3f: {  	_ =	shalt  }
0x40: {  	_ =	shalt  }
0x41: {  	_ =	shalt  }
0x42: {  	_ =	shalt  }
0x43: {  	_ =	shalt  }
0x44: {  	_ =	shalt  }
0x45: {  	_ =	shalt  }
0x46: {  	_ =	shalt  }
0x47: {  	_ =	shalt  }
0x48: {  	_ =	shalt  }
0x49: {  	_ =	shalt  }
0x4a: {  	_ =	shalt  }
0x4b: {  	_ =	shalt  }
0x4c: {  	_ =	shalt  }
0x4d: {  	_ =	shalt  }
0x4e: {  	_ =	shalt  }
0x4f: {  	_ =	shalt  }
0x50: {  	_ =	shalt  }
0x51: {  	_ =	shalt  }
0x52: {  	_ =	shalt  }
0x53: {  	_ =	shalt  }
0x54: {  	_ =	shalt  }
0x55: {  	_ =	shalt  }
0x56: {  	_ =	shalt  }
0x57: {  	_ =	shalt  }
0x58: {  	_ =	shalt  }
0x59: {  	_ =	shalt  }
0x5a: {  	_ =	shalt  }
0x5b: {  	_ =	shalt  }
0x5c: {  	_ =	shalt  }
0x5d: {  	_ =	shalt  }
0x5e: {  	_ =	shalt  }
0x5f: {  	_ =	shalt  }
0x60: {  	_ =	shalt  }
0x61: {  	_ =	shalt  }
0x62: {  	_ =	shalt  }
0x63: {  	_ =	shalt  }
0x64: {  	_ =	shalt  }
0x65: {  	_ =	shalt  }
0x66: {  	_ =	shalt  }
0x67: {  	_ =	shalt  }
0x68: {  	_ =	shalt  }
0x69: {  	_ =	shalt  }
0x6a: {  	_ =	shalt  }
0x6b: {  	_ =	shalt  }
0x6c: {  	_ =	shalt  }
0x6d: {  	_ =	shalt  }
0x6e: {  	_ =	shalt  }
0x6f: {  	_ =	shalt  }
0x70: {  	_ =	shalt  }
0x71: {  	_ =	shalt  }
0x72: {  	_ =	shalt  }
0x73: {  	_ =	shalt  }
0x74: {  	_ =	shalt  }
0x75: {  	_ =	shalt  }
0x76: {  	_ =	shalt  }
0x77: {  	_ =	shalt  }
0x78: {  	_ =	shalt  }
0x79: {  	_ =	shalt  }
0x7a: {  	_ =	shalt  }
0x7b: {  	_ =	shalt  }
0x7c: {  	_ =	shalt  }
0x7d: {  	_ =	shalt  }
0x7e: {  	_ =	shalt  }
0x7f: {  	_ =	shalt  }
0x80: {  	_ =	shalt  }
0x81: {  	_ =	shalt  }
0x82: {  	_ =	shalt  }
0x83: {  	_ =	shalt  }
0x84: {  	_ =	shalt  }
0x85: {  	_ =	shalt  }
0x86: {  	_ =	shalt  }
0x87: {  	_ =	shalt  }
.Lfunc_end0:
.L_simem_size_0:
called_computation_lowered:
.L_overlay_start_0:
0x88: {  	s2 =	sld [smem:$0x3FD9]  }
0x89: {  	s3 =	sld [smem:$0x3FFE];
	_ =	sdelay $0x1  }
0x8a: {  	s1 =	srdreg.scid  }
0x8b: {  	s0 =	sand.u32 $0x1, s1  }
0x8c: {  	s17 =	sshll.u32 s0, $0xA;
	s2 =	sadd.s32 s3, s2  }
0x8d: {  	s2 =	sadd.s32 s2, s17  }
0x8e: {  	[smem:$0x3FC0] =	sst s2  }
0x8f: {  	_ = 	snop  }
0x90: {  	s2 =	sld [smem:$0x3FD0];
	(tm) =	ssettm $0x1  }
0x91: {  	s18 =	sld [smem:$0x3FFB];
	_ =	sdelay $0x3  }
0x92: {  	_ =	strace s18  }
0x93: {  	s3 =	sld [smem:$0x3FFC];
	_ =	sdelay $0x3  }
0x94: {  	_ =	strace s3  }
0x95: {  	s3 =	sld [smem:$0x3FFD];
	_ =	sdelay $0x3  }
0x96: {  	_ =	strace s3  }
0x97: {  	_ =	strace $0x8FFFFFFF  }
0x98: {  	s19 =	sld [smem:$0x3FDB];
	_ =	sdelay $0x1  }
0x99: {  	s4 =	simm.s32 $_scs_section_size  }
0x9a: {  	s5 =	simm.s32 $_size__tile_overlayer_lowered;
	s6 =	simm.s32 $_tile_overlayer_lowered  }
0x9b: {  	s22 =	simm.s32 $0x1BFF;
	s21 =	sshll.u32 s6, $0x1;
	s3 =	sadd.s32 s4, s19  }
0x9c: {  	s7 =	simm.s32 $0x0;
	s20 =	sshll.u32 s5, $0x1;
	s5 =	sadd.s32 s21, s3  }
0x9d: {  	[timem:s7], [sflag:s22] =	dma.local [hbm:s5], s20  }
0x9e: {  	_ =	swait.ge [sflag:s22], s20  }
0x9f: {  	s4 =	ssub.s32 $0x0, s20;
	[sflag:s22] =	ssyncset.done $0x0  }
0xa0: {  	[sflag:s22] =	ssyncadd.s32 s4;
	_ =	sdelay $0x1  }
0xa1: {  	s23 =	simm.s32 $0x1B8B  }
0xa2: {  	_ =	swait.ge [sflag:s23], $0x1  }
0xa3: {  	[sflag:s23] =	ssyncset.done $0x0  }
0xa4: {  	s25 =	simm.s32 $0x1B8E;
	s24 =	sld [smem:$0x3FFE];
	[sflag:s23] =	ssyncadd.s32 $0xFFFFFFFF  }
0xa5: {  	s26 =	simm.s32 $execute0_lowered;
	[smem:$0x3FD2] =	sst s25  }
0xa6: {  	s5 =	sshll.u32 s26, $0x1;
	_ =	strace $0x80000046;
	[dreg:$0x1] =	wrdreg $0xFFFFFFFF  }
0xa7: {  	s28 =	simm.s32 $_size_execute0_lowered;
	s3 =	sadd.s32 s3, s5;
	[dreg:$0x0] =	wrdreg $0x0  }
0xa8: {  	s5 =	sshll.u32 s28, $0x1;
	[dreg:$0x2] =	wrdreg s3  }
0xa9: {  	[dreg:$0x3] =	wrdreg s5  }
0xaa: {  	[dreg:$0x4] =	wrdreg $0xC0  }
0xab: {  	_ =	task [dreg:s7], $0x5FFFF  }
0xac: {  	[dreg:$0x1] =	wrdreg $0xFFFFFFFF  }
0xad: {  	[dreg:$0x0] =	wrdreg $0x60  }
0xae: {  	[dreg:$0x2] =	wrdreg s24  }
0xaf: {  	[dreg:$0x3] =	wrdreg s2  }
0xb0: {  	[dreg:$0x4] =	wrdreg $0x30000  }
0xb1: {  	[dreg:$0x5] =	wrdreg $0x9  }
0xb2: {  	_ =	task.clear_ibuf [dreg:s7], $0x6FFFF;
	_ =	strace $0x90000046  }
0xb3: {  	s29 =	simm.s32 $0x9;
	_ =	strace $0x80000048  }
0xb4: {  	_ =	swait.ge [sflag:s29], $0x1  }
0xb5: {  	[sflag:s29] =	ssyncadd.s32 $0xFFFFFFFF  }
0xb6: {  	_ =	strace $0x90000048  }
0xb7: {  	_ =	sfence  }
0xb8: {  	s30 =	sld [smem:$0x0];
	_ =	sdelay $0x2  }
0xb9: {  	s31 =	sshll.u32 s1, $0xD;
	s1 =	sshrl.u32 s1, $0x2  }
0xba: {  	s3 =	sand.u32 $0x4000, s31;
	s1 =	sadd.s32 s1, s30  }
0xbb: {  	s0 =	sor.u32 s3, s0;
	s1 =	sshll.u32 s1, $0x11  }
0xbc: {  	s0 =	sor.u32 s1, s0  }
0xbd: {  	s0 =	sadd.s32 $0x8F2B, s0  }
0xbe: {  	[sflag:s0] =	ssyncadd.remote.s32 $0x1  }
0xbf: {  	_ =	sfence.sel $0xFFFF  }
0xc0: {  	[dreg:$0x0] =	wrdreg $0xFFFFFFFF;
	(pc) =	sbr.abs _section_cstart, $3  }
0xc1: {  	[dreg:$0x1] =	wrdreg $0xFFFFFFFF  }
0xc2: {  	_ =	task.clear_ibuf [dreg:s7], $0x2FFFF;
	_ =	strace $0x9FFFFFFF  }
0xc3: {  	(tm) =	ssettm $0x7FFFFFFF  }
tec
execute0_lowered:
.L_overlay_start_1:
0x0: {  	(tag) =	ssettag $0x1  }
0x1: {  	s6 =	rddreg [dreg:$0x0]  }
0x2: {  	s2 =	rddreg [dreg:$0x1]  }
0x3: {  	s0 =	srdreg.scid;
	s3 =	rddreg [dreg:$0x2]  }
0x4: {  	s4 =	simm.s32 $0x0;
	s13 =	simm.s32 $0x80;
	s14 =	simm.s32 $0x1  }
0x5: {  	s15 =	simm.s32 $0x0;
	s5 =	sand.u32 $0x1, s0;
	s0 =	stileid.u32  }
0x6: {  	[smem:$0x7FF] =	sst s4;
	s1 =	sshll.u32 s5, $0x4;
	s8 =	smul.u32 $0x2800, s0  }
0x7: {  	s9 =	smul.u32 $0x28000, s5;
	s5 =	ssub.s32 $0x2, s5;
	s1 =	sor.u32 s0, s1  }
0x8: {  	s31 =	sshll.u32 s0, $0x6;
	s11 =	sshrl.u32 s5, $0x1;
	s7 =	smul.u32 $0x500, s1  }
0x9: {  	s1 =	rddreg [dreg:$0x3];
	_ =	strace $0x80000047;
	s10 =	sshrl.u32 s8, $0x3  }
0xa: {  	s9 =	sadd.s32 s8, s9;
	s11 =	ssub.s32 s5, s11;
	s12 =	sadd.s32 s8, s3  }
0xb: {  	s10 =	sadd.s32 s10, s6;
	s9 =	sshrl.u32 s9, $0x3;
	s8 =	smax.u32 s11, $0x1  }
0xc: {  	s11 =	sor.u32 $0x1C02, s31;
	s12 =	sshrl.u32 s12, $0x3;
	s7 =	sadd.s32 s7, s6  }
0xd: {  	s9 =	sadd.s32 s9, s6;
	s6 =	sadd.s32 $0xB600, s10;
	s10 =	simm.s32 $0x2800  }
0xe: {  	s5 =	sadd.s32 $0x1600, s7;
	s7 =	sadd.s32 $0x10600, s9;
	s9 =	simm.s32 $0x2  }
.LBB2_1:
0xf: {  	[tilespmem:s4], [sflag:$0x2] =	stream.linear.gather [hbm4b:s5+s4], $0x2800, $0x38;
	[tilespmem:$0x5800] =	vst v63  }
0x10: {  	_ =	swait.ge [sflag:s9], $0x2800  }
0x11: {  	[sflag:s9] =	ssyncset.done $0x0  }
0x12: {  	[sflag:s9] =	ssyncadd.s32 $0xFFFFD800  }
0x13: {  	[tilespmem:s10], [sflag:$0x2] =	stream.linear.gather [hbm4b:s2+s4], $0x800, $0x38;
	[tilespmem:$0x5800] =	vst v63  }
0x14: {  	_ =	swait.ge [sflag:s9], $0x800  }
0x15: {  	[sflag:s9] =	ssyncset.done $0x0  }
0x16: {  	[sflag:s9] =	ssyncadd.s32 $0xFFFFF800  }
0x17: {  	[spmem:s12], [sflag:s11] =	dma.local [hbm:s6], $0x500  }
0x18: {  	_ =	swait.ge [sflag:s9], $0x500  }
0x19: {  	[sflag:s9] =	ssyncset.done $0x0  }
0x1a: {  	[sflag:s9] =	ssyncadd.s32 $0xFFFFFB00  }
0x1b: {  	s16 =	simm.s32 $0x0;
	[bflag:$0x0] =	sbarrier.arrive $0xFFFF  }
0x1c: {  	[spmem:s3] =	stream.indirect.scatter.add.f32 [tilespmem:s10], [sflag:$0x1], $0x10, s16, s13, $0xb8;
	[tilespmem:$0x5800] =	vst v63  }
0x1d: {  	s26 =	simm.s32 $0x80  }
0x1e: {  	[spmem:s3] =	stream.indirect.scatter.add.f32 [tilespmem:s10], [sflag:$0x1], $0x10, s26, s13, $0xb8;
	[tilespmem:$0x5800] =	vst v63  }
0x1f: {  	s28 =	simm.s32 $0x100  }
0x20: {  	[spmem:s3] =	stream.indirect.scatter.add.f32 [tilespmem:s10], [sflag:$0x1], $0x10, s28, s13, $0xb8;
	[tilespmem:$0x5800] =	vst v63  }
0x21: {  	s29 =	simm.s32 $0x180  }
0x22: {  	[spmem:s3] =	stream.indirect.scatter.add.f32 [tilespmem:s10], [sflag:$0x1], $0x10, s29, s13, $0xb8;
	[tilespmem:$0x5800] =	vst v63  }
0x23: {  	s30 =	simm.s32 $0x200  }
0x24: {  	[spmem:s3] =	stream.indirect.scatter.add.f32 [tilespmem:s10], [sflag:$0x1], $0x10, s30, s13, $0xb8;
	[tilespmem:$0x5800] =	vst v63  }
0x25: {  	s31 =	simm.s32 $0x280  }
0x26: {  	[spmem:s3] =	stream.indirect.scatter.add.f32 [tilespmem:s10], [sflag:$0x1], $0x10, s31, s13, $0xb8;
	[tilespmem:$0x5800] =	vst v63  }
0x27: {  	s17 =	simm.s32 $0x300  }
0x28: {  	[spmem:s3] =	stream.indirect.scatter.add.f32 [tilespmem:s10], [sflag:$0x1], $0x10, s17, s13, $0xb8;
	[tilespmem:$0x5800] =	vst v63  }
0x29: {  	s18 =	simm.s32 $0x380  }
0x2a: {  	[spmem:s3] =	stream.indirect.scatter.add.f32 [tilespmem:s10], [sflag:$0x1], $0x10, s18, s13, $0xb8;
	[tilespmem:$0x5800] =	vst v63  }
0x2b: {  	s19 =	simm.s32 $0x400  }
0x2c: {  	[spmem:s3] =	stream.indirect.scatter.add.f32 [tilespmem:s10], [sflag:$0x1], $0x10, s19, s13, $0xb8;
	[tilespmem:$0x5800] =	vst v63  }
0x2d: {  	s20 =	simm.s32 $0x480  }
0x2e: {  	[spmem:s3] =	stream.indirect.scatter.add.f32 [tilespmem:s10], [sflag:$0x1], $0x10, s20, s13, $0xb8;
	[tilespmem:$0x5800] =	vst v63  }
0x2f: {  	s21 =	simm.s32 $0x500  }
0x30: {  	[spmem:s3] =	stream.indirect.scatter.add.f32 [tilespmem:s10], [sflag:$0x1], $0x10, s21, s13, $0xb8;
	[tilespmem:$0x5800] =	vst v63  }
0x31: {  	s22 =	simm.s32 $0x580  }
0x32: {  	[spmem:s3] =	stream.indirect.scatter.add.f32 [tilespmem:s10], [sflag:$0x1], $0x10, s22, s13, $0xb8;
	[tilespmem:$0x5800] =	vst v63  }
0x33: {  	s23 =	simm.s32 $0x600  }
0x34: {  	[spmem:s3] =	stream.indirect.scatter.add.f32 [tilespmem:s10], [sflag:$0x1], $0x10, s23, s13, $0xb8;
	[tilespmem:$0x5800] =	vst v63  }
0x35: {  	s24 =	simm.s32 $0x680  }
0x36: {  	[spmem:s3] =	stream.indirect.scatter.add.f32 [tilespmem:s10], [sflag:$0x1], $0x10, s24, s13, $0xb8;
	[tilespmem:$0x5800] =	vst v63  }
0x37: {  	s25 =	simm.s32 $0x700  }
0x38: {  	[spmem:s3] =	stream.indirect.scatter.add.f32 [tilespmem:s10], [sflag:$0x1], $0x10, s25, s13, $0xb8;
	[tilespmem:$0x5800] =	vst v63  }
0x39: {  	s26 =	simm.s32 $0x780  }
0x3a: {  	[spmem:s3] =	stream.indirect.scatter.add.f32 [tilespmem:s10], [sflag:$0x1], $0x10, s26, s13, $0xb8;
	[tilespmem:$0x5800] =	vst v63  }
0x3b: {  	s28 =	simm.s32 $0x800  }
0x3c: {  	[spmem:s3] =	stream.indirect.scatter.add.f32 [tilespmem:s10], [sflag:$0x1], $0x10, s28, s13, $0xb8;
	[tilespmem:$0x5800] =	vst v63  }
0x3d: {  	s29 =	simm.s32 $0x880  }
0x3e: {  	[spmem:s3] =	stream.indirect.scatter.add.f32 [tilespmem:s10], [sflag:$0x1], $0x10, s29, s13, $0xb8;
	[tilespmem:$0x5800] =	vst v63  }
0x3f: {  	s30 =	simm.s32 $0x900  }
0x40: {  	[spmem:s3] =	stream.indirect.scatter.add.f32 [tilespmem:s10], [sflag:$0x1], $0x10, s30, s13, $0xb8;
	[tilespmem:$0x5800] =	vst v63  }
0x41: {  	s31 =	simm.s32 $0x980  }
0x42: {  	[spmem:s3] =	stream.indirect.scatter.add.f32 [tilespmem:s10], [sflag:$0x1], $0x10, s31, s13, $0xb8;
	[tilespmem:$0x5800] =	vst v63  }
0x43: {  	_ =	swait.ge [sflag:s14], $0x800  }
0x44: {  	[sflag:s14] =	ssyncset.done $0x0  }
0x45: {  	[sflag:s14] =	ssyncadd.s32 $0xFFFFF800  }
0x46: {  	_ =	swait.ge [sflag:s14], $0x800  }
0x47: {  	[sflag:s14] =	ssyncset.done $0x0  }
0x48: {  	[sflag:s14] =	ssyncadd.s32 $0xFFFFF800  }
0x49: {  	_ =	swait.ge [sflag:s14], $0x800  }
0x4a: {  	[sflag:s14] =	ssyncset.done $0x0  }
0x4b: {  	[sflag:s14] =	ssyncadd.s32 $0xFFFFF800  }
0x4c: {  	_ =	swait.ge [sflag:s14], $0x800  }
0x4d: {  	[sflag:s14] =	ssyncset.done $0x0  }
0x4e: {  	[sflag:s14] =	ssyncadd.s32 $0xFFFFF800  }
0x4f: {  	_ =	swait.ge [sflag:s14], $0x800  }
0x50: {  	[sflag:s14] =	ssyncset.done $0x0  }
0x51: {  	[sflag:s14] =	ssyncadd.s32 $0xFFFFF800  }
0x52: {  	_ =	swait.ge [sflag:s14], $0x800  }
0x53: {  	[sflag:s14] =	ssyncset.done $0x0  }
0x54: {  	[sflag:s14] =	ssyncadd.s32 $0xFFFFF800  }
0x55: {  	_ =	swait.ge [sflag:s14], $0x800  }
0x56: {  	[sflag:s14] =	ssyncset.done $0x0  }
0x57: {  	[sflag:s14] =	ssyncadd.s32 $0xFFFFF800  }
0x58: {  	_ =	swait.ge [sflag:s14], $0x800  }
0x59: {  	[sflag:s14] =	ssyncset.done $0x0  }
0x5a: {  	[sflag:s14] =	ssyncadd.s32 $0xFFFFF800  }
0x5b: {  	_ =	swait.ge [sflag:s14], $0x800  }
0x5c: {  	[sflag:s14] =	ssyncset.done $0x0  }
0x5d: {  	[sflag:s14] =	ssyncadd.s32 $0xFFFFF800  }
0x5e: {  	_ =	swait.ge [sflag:s14], $0x800  }
0x5f: {  	[sflag:s14] =	ssyncset.done $0x0  }
0x60: {  	[sflag:s14] =	ssyncadd.s32 $0xFFFFF800  }
0x61: {  	_ =	swait.ge [sflag:s14], $0x800  }
0x62: {  	[sflag:s14] =	ssyncset.done $0x0  }
0x63: {  	[sflag:s14] =	ssyncadd.s32 $0xFFFFF800  }
0x64: {  	_ =	swait.ge [sflag:s14], $0x800  }
0x65: {  	[sflag:s14] =	ssyncset.done $0x0  }
0x66: {  	[sflag:s14] =	ssyncadd.s32 $0xFFFFF800  }
0x67: {  	_ =	swait.ge [sflag:s14], $0x800  }
0x68: {  	[sflag:s14] =	ssyncset.done $0x0  }
0x69: {  	[sflag:s14] =	ssyncadd.s32 $0xFFFFF800  }
0x6a: {  	_ =	swait.ge [sflag:s14], $0x800  }
0x6b: {  	[sflag:s14] =	ssyncset.done $0x0  }
0x6c: {  	[sflag:s14] =	ssyncadd.s32 $0xFFFFF800  }
0x6d: {  	_ =	swait.ge [sflag:s14], $0x800  }
0x6e: {  	[sflag:s14] =	ssyncset.done $0x0  }
0x6f: {  	[sflag:s14] =	ssyncadd.s32 $0xFFFFF800  }
0x70: {  	_ =	swait.ge [sflag:s14], $0x800  }
0x71: {  	[sflag:s14] =	ssyncset.done $0x0  }
0x72: {  	[sflag:s14] =	ssyncadd.s32 $0xFFFFF800  }
0x73: {  	_ =	swait.ge [sflag:s14], $0x800  }
0x74: {  	[sflag:s14] =	ssyncset.done $0x0  }
0x75: {  	[sflag:s14] =	ssyncadd.s32 $0xFFFFF800  }
0x76: {  	_ =	swait.ge [sflag:s14], $0x800  }
0x77: {  	[sflag:s14] =	ssyncset.done $0x0  }
0x78: {  	[sflag:s14] =	ssyncadd.s32 $0xFFFFF800  }
0x79: {  	_ =	swait.ge [sflag:s14], $0x800  }
0x7a: {  	[sflag:s14] =	ssyncset.done $0x0  }
0x7b: {  	[sflag:s14] =	ssyncadd.s32 $0xFFFFF800  }
0x7c: {  	_ =	swait.ge [sflag:s14], $0x800  }
0x7d: {  	s16 =	simm.s32 $0x2800;
	s19 =	simm.s32 $0x5000;
	[sflag:s14] =	ssyncset.done $0x0  }
.LBB2_2:
0x7e: {  	s18 =	sshra.s32 s16, $0x2  }
0x7f: {  	[sflag:s14] =	ssyncadd.s32 $0xFFFFF800;
	s16 =	smov.u32 s19;
	s17 =	sadd.s32 $0x2800, s19  }
0x80: {  	[spmem:s3] =	stream.indirect.scatter.add.f32 [tilespmem:s10], [sflag:$0x1], $0x10, s18, s13, $0xb8;
	[tilespmem:$0x5800] =	vst v63  }
0x81: {  	p0 =	sne.s32 s19, $0x7800;
	s19 =	sadd.s32 $0x80, s18  }
0x82: {  	[spmem:s3] =	stream.indirect.scatter.add.f32 [tilespmem:s10], [sflag:$0x1], $0x10, s19, s13, $0xb8;
	[tilespmem:$0x5800] =	vst v63  }
0x83: {  	s19 =	sadd.s32 $0x100, s18  }
0x84: {  	[spmem:s3] =	stream.indirect.scatter.add.f32 [tilespmem:s10], [sflag:$0x1], $0x10, s19, s13, $0xb8;
	[tilespmem:$0x5800] =	vst v63  }
0x85: {  	s19 =	sadd.s32 $0x180, s18  }
0x86: {  	[spmem:s3] =	stream.indirect.scatter.add.f32 [tilespmem:s10], [sflag:$0x1], $0x10, s19, s13, $0xb8;
	[tilespmem:$0x5800] =	vst v63  }
0x87: {  	s19 =	sadd.s32 $0x200, s18  }
0x88: {  	[spmem:s3] =	stream.indirect.scatter.add.f32 [tilespmem:s10], [sflag:$0x1], $0x10, s19, s13, $0xb8;
	[tilespmem:$0x5800] =	vst v63  }
0x89: {  	s19 =	sadd.s32 $0x280, s18  }
0x8a: {  	[spmem:s3] =	stream.indirect.scatter.add.f32 [tilespmem:s10], [sflag:$0x1], $0x10, s19, s13, $0xb8;
	[tilespmem:$0x5800] =	vst v63  }
0x8b: {  	s19 =	sadd.s32 $0x300, s18  }
0x8c: {  	[spmem:s3] =	stream.indirect.scatter.add.f32 [tilespmem:s10], [sflag:$0x1], $0x10, s19, s13, $0xb8;
	[tilespmem:$0x5800] =	vst v63  }
0x8d: {  	s19 =	sadd.s32 $0x380, s18  }
0x8e: {  	[spmem:s3] =	stream.indirect.scatter.add.f32 [tilespmem:s10], [sflag:$0x1], $0x10, s19, s13, $0xb8;
	[tilespmem:$0x5800] =	vst v63  }
0x8f: {  	s19 =	sadd.s32 $0x400, s18  }
0x90: {  	[spmem:s3] =	stream.indirect.scatter.add.f32 [tilespmem:s10], [sflag:$0x1], $0x10, s19, s13, $0xb8;
	[tilespmem:$0x5800] =	vst v63  }
0x91: {  	s19 =	sadd.s32 $0x480, s18  }
0x92: {  	[spmem:s3] =	stream.indirect.scatter.add.f32 [tilespmem:s10], [sflag:$0x1], $0x10, s19, s13, $0xb8;
	[tilespmem:$0x5800] =	vst v63  }
0x93: {  	s19 =	sadd.s32 $0x500, s18  }
0x94: {  	[spmem:s3] =	stream.indirect.scatter.add.f32 [tilespmem:s10], [sflag:$0x1], $0x10, s19, s13, $0xb8;
	[tilespmem:$0x5800] =	vst v63  }
0x95: {  	s19 =	sadd.s32 $0x580, s18  }
0x96: {  	[spmem:s3] =	stream.indirect.scatter.add.f32 [tilespmem:s10], [sflag:$0x1], $0x10, s19, s13, $0xb8;
	[tilespmem:$0x5800] =	vst v63  }
0x97: {  	s19 =	sadd.s32 $0x600, s18  }
0x98: {  	[spmem:s3] =	stream.indirect.scatter.add.f32 [tilespmem:s10], [sflag:$0x1], $0x10, s19, s13, $0xb8;
	[tilespmem:$0x5800] =	vst v63  }
0x99: {  	s19 =	sadd.s32 $0x680, s18  }
0x9a: {  	[spmem:s3] =	stream.indirect.scatter.add.f32 [tilespmem:s10], [sflag:$0x1], $0x10, s19, s13, $0xb8;
	[tilespmem:$0x5800] =	vst v63  }
0x9b: {  	s19 =	sadd.s32 $0x700, s18  }
0x9c: {  	[spmem:s3] =	stream.indirect.scatter.add.f32 [tilespmem:s10], [sflag:$0x1], $0x10, s19, s13, $0xb8;
	[tilespmem:$0x5800] =	vst v63  }
0x9d: {  	s19 =	sadd.s32 $0x780, s18  }
0x9e: {  	[spmem:s3] =	stream.indirect.scatter.add.f32 [tilespmem:s10], [sflag:$0x1], $0x10, s19, s13, $0xb8;
	[tilespmem:$0x5800] =	vst v63  }
0x9f: {  	s19 =	sadd.s32 $0x800, s18  }
0xa0: {  	[spmem:s3] =	stream.indirect.scatter.add.f32 [tilespmem:s10], [sflag:$0x1], $0x10, s19, s13, $0xb8;
	[tilespmem:$0x5800] =	vst v63  }
0xa1: {  	s19 =	sadd.s32 $0x880, s18  }
0xa2: {  	[spmem:s3] =	stream.indirect.scatter.add.f32 [tilespmem:s10], [sflag:$0x1], $0x10, s19, s13, $0xb8;
	[tilespmem:$0x5800] =	vst v63  }
0xa3: {  	s19 =	sadd.s32 $0x900, s18  }
0xa4: {  	[spmem:s3] =	stream.indirect.scatter.add.f32 [tilespmem:s10], [sflag:$0x1], $0x10, s19, s13, $0xb8;
	[tilespmem:$0x5800] =	vst v63  }
0xa5: {  	s18 =	sadd.s32 $0x980, s18  }
0xa6: {  	[spmem:s3] =	stream.indirect.scatter.add.f32 [tilespmem:s10], [sflag:$0x1], $0x10, s18, s13, $0xb8;
	[tilespmem:$0x5800] =	vst v63  }
0xa7: {  	_ =	swait.ge [sflag:s14], $0x800  }
0xa8: {  	[sflag:s14] =	ssyncset.done $0x0  }
0xa9: {  	[sflag:s14] =	ssyncadd.s32 $0xFFFFF800  }
0xaa: {  	_ =	swait.ge [sflag:s14], $0x800  }
0xab: {  	[sflag:s14] =	ssyncset.done $0x0  }
0xac: {  	[sflag:s14] =	ssyncadd.s32 $0xFFFFF800  }
0xad: {  	_ =	swait.ge [sflag:s14], $0x800  }
0xae: {  	[sflag:s14] =	ssyncset.done $0x0  }
0xaf: {  	[sflag:s14] =	ssyncadd.s32 $0xFFFFF800  }
0xb0: {  	_ =	swait.ge [sflag:s14], $0x800  }
0xb1: {  	[sflag:s14] =	ssyncset.done $0x0  }
0xb2: {  	[sflag:s14] =	ssyncadd.s32 $0xFFFFF800  }
0xb3: {  	_ =	swait.ge [sflag:s14], $0x800  }
0xb4: {  	[sflag:s14] =	ssyncset.done $0x0  }
0xb5: {  	[sflag:s14] =	ssyncadd.s32 $0xFFFFF800  }
0xb6: {  	_ =	swait.ge [sflag:s14], $0x800  }
0xb7: {  	[sflag:s14] =	ssyncset.done $0x0  }
0xb8: {  	[sflag:s14] =	ssyncadd.s32 $0xFFFFF800  }
0xb9: {  	_ =	swait.ge [sflag:s14], $0x800  }
0xba: {  	[sflag:s14] =	ssyncset.done $0x0  }
0xbb: {  	[sflag:s14] =	ssyncadd.s32 $0xFFFFF800  }
0xbc: {  	_ =	swait.ge [sflag:s14], $0x800  }
0xbd: {  	[sflag:s14] =	ssyncset.done $0x0  }
0xbe: {  	[sflag:s14] =	ssyncadd.s32 $0xFFFFF800  }
0xbf: {  	_ =	swait.ge [sflag:s14], $0x800  }
0xc0: {  	[sflag:s14] =	ssyncset.done $0x0  }
0xc1: {  	[sflag:s14] =	ssyncadd.s32 $0xFFFFF800  }
0xc2: {  	_ =	swait.ge [sflag:s14], $0x800  }
0xc3: {  	[sflag:s14] =	ssyncset.done $0x0  }
0xc4: {  	[sflag:s14] =	ssyncadd.s32 $0xFFFFF800  }
0xc5: {  	_ =	swait.ge [sflag:s14], $0x800  }
0xc6: {  	[sflag:s14] =	ssyncset.done $0x0  }
0xc7: {  	[sflag:s14] =	ssyncadd.s32 $0xFFFFF800  }
0xc8: {  	_ =	swait.ge [sflag:s14], $0x800  }
0xc9: {  	[sflag:s14] =	ssyncset.done $0x0  }
0xca: {  	[sflag:s14] =	ssyncadd.s32 $0xFFFFF800  }
0xcb: {  	_ =	swait.ge [sflag:s14], $0x800  }
0xcc: {  	[sflag:s14] =	ssyncset.done $0x0  }
0xcd: {  	[sflag:s14] =	ssyncadd.s32 $0xFFFFF800  }
0xce: {  	_ =	swait.ge [sflag:s14], $0x800  }
0xcf: {  	[sflag:s14] =	ssyncset.done $0x0  }
0xd0: {  	[sflag:s14] =	ssyncadd.s32 $0xFFFFF800  }
0xd1: {  	_ =	swait.ge [sflag:s14], $0x800  }
0xd2: {  	[sflag:s14] =	ssyncset.done $0x0  }
0xd3: {  	[sflag:s14] =	ssyncadd.s32 $0xFFFFF800  }
0xd4: {  	_ =	swait.ge [sflag:s14], $0x800  }
0xd5: {  	[sflag:s14] =	ssyncset.done $0x0  }
0xd6: {  	[sflag:s14] =	ssyncadd.s32 $0xFFFFF800  }
0xd7: {  	_ =	swait.ge [sflag:s14], $0x800  }
0xd8: {  	[sflag:s14] =	ssyncset.done $0x0  }
0xd9: {  	[sflag:s14] =	ssyncadd.s32 $0xFFFFF800  }
0xda: {  	_ =	swait.ge [sflag:s14], $0x800  }
0xdb: {  	[sflag:s14] =	ssyncset.done $0x0  }
0xdc: {  	[sflag:s14] =	ssyncadd.s32 $0xFFFFF800  }
.Ltmp0:
0xdd: {  	_ =	swait.ge [sflag:s14], $0x800;
	(pc) =	sbr.rel @p0 .LBB2_2-.Ltmp0, $4  }
0xde: {  	[sflag:s14] =	ssyncset.done $0x0  }
0xdf: {  	[sflag:s14] =	ssyncadd.s32 $0xFFFFF800  }
0xe0: {  	_ =	swait.ge [sflag:s14], $0x800  }
0xe1: {  	s19 =	smov.u32 s17;
	[sflag:s14] =	ssyncset.done $0x0  }
0xe2: {  	s16 =	sshra.s32 s16, $0x2;
	[sflag:s14] =	ssyncadd.s32 $0xFFFFF800  }
0xe3: {  	[spmem:s3] =	stream.indirect.scatter.add.f32 [tilespmem:s10], [sflag:$0x1], $0x10, s16, s13, $0xb8;
	[tilespmem:$0x5800] =	vst v63  }
0xe4: {  	s17 =	sadd.s32 $0x80, s16  }
0xe5: {  	[spmem:s3] =	stream.indirect.scatter.add.f32 [tilespmem:s10], [sflag:$0x1], $0x10, s17, s13, $0xb8;
	[tilespmem:$0x5800] =	vst v63  }
0xe6: {  	s28 =	sadd.s32 $0x100, s16  }
0xe7: {  	[spmem:s3] =	stream.indirect.scatter.add.f32 [tilespmem:s10], [sflag:$0x1], $0x10, s28, s13, $0xb8;
	[tilespmem:$0x5800] =	vst v63  }
0xe8: {  	s29 =	sadd.s32 $0x180, s16  }
0xe9: {  	[spmem:s3] =	stream.indirect.scatter.add.f32 [tilespmem:s10], [sflag:$0x1], $0x10, s29, s13, $0xb8;
	[tilespmem:$0x5800] =	vst v63  }
0xea: {  	s30 =	sadd.s32 $0x200, s16  }
0xeb: {  	[spmem:s3] =	stream.indirect.scatter.add.f32 [tilespmem:s10], [sflag:$0x1], $0x10, s30, s13, $0xb8;
	[tilespmem:$0x5800] =	vst v63  }
0xec: {  	s31 =	sadd.s32 $0x280, s16  }
0xed: {  	[spmem:s3] =	stream.indirect.scatter.add.f32 [tilespmem:s10], [sflag:$0x1], $0x10, s31, s13, $0xb8;
	[tilespmem:$0x5800] =	vst v63  }
0xee: {  	s18 =	sadd.s32 $0x300, s16  }
0xef: {  	[spmem:s3] =	stream.indirect.scatter.add.f32 [tilespmem:s10], [sflag:$0x1], $0x10, s18, s13, $0xb8;
	[tilespmem:$0x5800] =	vst v63  }
0xf0: {  	s19 =	sadd.s32 $0x380, s16  }
0xf1: {  	[spmem:s3] =	stream.indirect.scatter.add.f32 [tilespmem:s10], [sflag:$0x1], $0x10, s19, s13, $0xb8;
	[tilespmem:$0x5800] =	vst v63  }
0xf2: {  	s20 =	sadd.s32 $0x400, s16  }
0xf3: {  	[spmem:s3] =	stream.indirect.scatter.add.f32 [tilespmem:s10], [sflag:$0x1], $0x10, s20, s13, $0xb8;
	[tilespmem:$0x5800] =	vst v63  }
0xf4: {  	s21 =	sadd.s32 $0x480, s16  }
0xf5: {  	[spmem:s3] =	stream.indirect.scatter.add.f32 [tilespmem:s10], [sflag:$0x1], $0x10, s21, s13, $0xb8;
	[tilespmem:$0x5800] =	vst v63  }
0xf6: {  	s22 =	sadd.s32 $0x500, s16  }
0xf7: {  	[spmem:s3] =	stream.indirect.scatter.add.f32 [tilespmem:s10], [sflag:$0x1], $0x10, s22, s13, $0xb8;
	[tilespmem:$0x5800] =	vst v63  }
0xf8: {  	s23 =	sadd.s32 $0x580, s16  }
0xf9: {  	[spmem:s3] =	stream.indirect.scatter.add.f32 [tilespmem:s10], [sflag:$0x1], $0x10, s23, s13, $0xb8;
	[tilespmem:$0x5800] =	vst v63  }
0xfa: {  	s24 =	sadd.s32 $0x600, s16  }
0xfb: {  	[spmem:s3] =	stream.indirect.scatter.add.f32 [tilespmem:s10], [sflag:$0x1], $0x10, s24, s13, $0xb8;
	[tilespmem:$0x5800] =	vst v63  }
0xfc: {  	s25 =	sadd.s32 $0x680, s16  }
0xfd: {  	[spmem:s3] =	stream.indirect.scatter.add.f32 [tilespmem:s10], [sflag:$0x1], $0x10, s25, s13, $0xb8;
	[tilespmem:$0x5800] =	vst v63  }
0xfe: {  	s26 =	sadd.s32 $0x700, s16  }
0xff: {  	[spmem:s3] =	stream.indirect.scatter.add.f32 [tilespmem:s10], [sflag:$0x1], $0x10, s26, s13, $0xb8;
	[tilespmem:$0x5800] =	vst v63  }
0x100: {  	s28 =	sadd.s32 $0x780, s16  }
0x101: {  	[spmem:s3] =	stream.indirect.scatter.add.f32 [tilespmem:s10], [sflag:$0x1], $0x10, s28, s13, $0xb8;
	[tilespmem:$0x5800] =	vst v63  }
0x102: {  	s29 =	sadd.s32 $0x800, s16  }
0x103: {  	[spmem:s3] =	stream.indirect.scatter.add.f32 [tilespmem:s10], [sflag:$0x1], $0x10, s29, s13, $0xb8;
	[tilespmem:$0x5800] =	vst v63  }
0x104: {  	s30 =	sadd.s32 $0x880, s16  }
0x105: {  	[spmem:s3] =	stream.indirect.scatter.add.f32 [tilespmem:s10], [sflag:$0x1], $0x10, s30, s13, $0xb8;
	[tilespmem:$0x5800] =	vst v63  }
0x106: {  	s31 =	sadd.s32 $0x900, s16  }
0x107: {  	[spmem:s3] =	stream.indirect.scatter.add.f32 [tilespmem:s10], [sflag:$0x1], $0x10, s31, s13, $0xb8;
	[tilespmem:$0x5800] =	vst v63  }
0x108: {  	s16 =	sadd.s32 $0x980, s16  }
0x109: {  	[spmem:s3] =	stream.indirect.scatter.add.f32 [tilespmem:s10], [sflag:$0x1], $0x10, s16, s13, $0xb8;
	[tilespmem:$0x5800] =	vst v63  }
0x10a: {  	_ =	swait.ge [sflag:s14], $0x800  }
0x10b: {  	[sflag:s14] =	ssyncset.done $0x0  }
0x10c: {  	[sflag:s14] =	ssyncadd.s32 $0xFFFFF800  }
0x10d: {  	_ =	swait.ge [sflag:s14], $0x800  }
0x10e: {  	[sflag:s14] =	ssyncset.done $0x0  }
0x10f: {  	[sflag:s14] =	ssyncadd.s32 $0xFFFFF800  }
0x110: {  	_ =	swait.ge [sflag:s14], $0x800  }
0x111: {  	[sflag:s14] =	ssyncset.done $0x0  }
0x112: {  	[sflag:s14] =	ssyncadd.s32 $0xFFFFF800  }
0x113: {  	_ =	swait.ge [sflag:s14], $0x800  }
0x114: {  	[sflag:s14] =	ssyncset.done $0x0  }
0x115: {  	[sflag:s14] =	ssyncadd.s32 $0xFFFFF800  }
0x116: {  	_ =	swait.ge [sflag:s14], $0x800  }
0x117: {  	[sflag:s14] =	ssyncset.done $0x0  }
0x118: {  	[sflag:s14] =	ssyncadd.s32 $0xFFFFF800  }
0x119: {  	_ =	swait.ge [sflag:s14], $0x800  }
0x11a: {  	[sflag:s14] =	ssyncset.done $0x0  }
0x11b: {  	[sflag:s14] =	ssyncadd.s32 $0xFFFFF800  }
0x11c: {  	_ =	swait.ge [sflag:s14], $0x800  }
0x11d: {  	[sflag:s14] =	ssyncset.done $0x0  }
0x11e: {  	[sflag:s14] =	ssyncadd.s32 $0xFFFFF800  }
0x11f: {  	_ =	swait.ge [sflag:s14], $0x800  }
0x120: {  	[sflag:s14] =	ssyncset.done $0x0  }
0x121: {  	[sflag:s14] =	ssyncadd.s32 $0xFFFFF800  }
0x122: {  	_ =	swait.ge [sflag:s14], $0x800  }
0x123: {  	[sflag:s14] =	ssyncset.done $0x0  }
0x124: {  	[sflag:s14] =	ssyncadd.s32 $0xFFFFF800  }
0x125: {  	_ =	swait.ge [sflag:s14], $0x800  }
0x126: {  	[sflag:s14] =	ssyncset.done $0x0  }
0x127: {  	[sflag:s14] =	ssyncadd.s32 $0xFFFFF800  }
0x128: {  	_ =	swait.ge [sflag:s14], $0x800  }
0x129: {  	[sflag:s14] =	ssyncset.done $0x0  }
0x12a: {  	[sflag:s14] =	ssyncadd.s32 $0xFFFFF800  }
0x12b: {  	_ =	swait.ge [sflag:s14], $0x800  }
0x12c: {  	[sflag:s14] =	ssyncset.done $0x0  }
0x12d: {  	[sflag:s14] =	ssyncadd.s32 $0xFFFFF800  }
0x12e: {  	_ =	swait.ge [sflag:s14], $0x800  }
0x12f: {  	[sflag:s14] =	ssyncset.done $0x0  }
0x130: {  	[sflag:s14] =	ssyncadd.s32 $0xFFFFF800  }
0x131: {  	_ =	swait.ge [sflag:s14], $0x800  }
0x132: {  	[sflag:s14] =	ssyncset.done $0x0  }
0x133: {  	[sflag:s14] =	ssyncadd.s32 $0xFFFFF800  }
0x134: {  	_ =	swait.ge [sflag:s14], $0x800  }
0x135: {  	[sflag:s14] =	ssyncset.done $0x0  }
0x136: {  	[sflag:s14] =	ssyncadd.s32 $0xFFFFF800  }
0x137: {  	_ =	swait.ge [sflag:s14], $0x800  }
0x138: {  	[sflag:s14] =	ssyncset.done $0x0  }
0x139: {  	[sflag:s14] =	ssyncadd.s32 $0xFFFFF800  }
0x13a: {  	_ =	swait.ge [sflag:s14], $0x800  }
0x13b: {  	[sflag:s14] =	ssyncset.done $0x0  }
0x13c: {  	[sflag:s14] =	ssyncadd.s32 $0xFFFFF800  }
0x13d: {  	_ =	swait.ge [sflag:s14], $0x800  }
0x13e: {  	[sflag:s14] =	ssyncset.done $0x0  }
0x13f: {  	[sflag:s14] =	ssyncadd.s32 $0xFFFFF800  }
0x140: {  	_ =	swait.ge [sflag:s14], $0x800  }
0x141: {  	[sflag:s14] =	ssyncset.done $0x0  }
0x142: {  	[sflag:s14] =	ssyncadd.s32 $0xFFFFF800  }
0x143: {  	_ =	swait.ge [sflag:s14], $0x800  }
0x144: {  	s15 =	sadd.s32 $0x1, s15;
	[sflag:s14] =	ssyncset.done $0x0  }
0x145: {  	p0 =	sne.s32 s15, s8;
	[sflag:s14] =	ssyncadd.s32 $0xFFFFF800  }
.Ltmp1:
0x146: {  	[bflag:$0x0] =	sbarrier.arrive $0xFFFF;
	(pc) =	sbr.rel @p0 .LBB2_1-.Ltmp1, $4  }
0x147: {  	[hbm:s7], [sflag:s11] =	dma.local [spmem:s12], $0x500  }
0x148: {  	_ =	swait.ge [sflag:s9], $0x500  }
0x149: {  	[sflag:s9] =	ssyncset.done $0x0  }
0x14a: {  	[sflag:s9] =	ssyncadd.s32 $0xFFFFFB00  }
0x14b: {  	_ =	sfence.sel $0x180000  }
0x14c: {  	[bflag:$0x0] =	sbarrier.arrive $0xFFFF  }
0x14d: {  	p0 =	sne.s32 s0, $0x0;
	_ =	strace $0x90000047  }
0x14e: {  	s0 =	sadd.s32 @!p0 $0x100000, s1;
	[bflag:$0x2] =	sbarrier.arrive $0xFFFF  }
0x14f: {  	[sflag:s0] =	ssyncadd.tile.s32 @!p0 $0x1;
	_ =	shalt  }
.Lfunc_end2:
_tile_overlayer_lowered:
.L_overlay_start_2:
0x150: {  	(tag) =	ssettag $0x2  }
0x151: {  	s0 =	rddreg [dreg:$0x0];
	s2 =	stileid.u32  }
0x152: {  	s1 =	rddreg [dreg:$0x1];
	p0 =	sne.s32 s2, $0x0  }
0x153: {  	s3 =	rddreg [dreg:$0x2];
	[bflag:$0x3] =	sbarrier.arrive $0xFFFF;
	s2 =	simm.s32 @!p0 $0x1C02  }
0x154: {  	[timem:s3], [sflag:s2] =	dma.local @!p0 [hbm:s0], s1  }
0x155: {  	s0 =	simm.s32 @!p0 $0x2  }
0x156: {  	_ =	swait.ge @!p0 [sflag:s0], s1  }
0x157: {  	s1 =	ssub.s32 @!p0 $0x0, s1;
	[sflag:s0] =	ssyncset.done @!p0 $0x0  }
0x158: {  	[sflag:s0] =	ssyncadd.s32 @!p0 s1  }
0x159: {  	[bflag:$0x3] =	sbarrier.arrive $0xFFFF  }
0x15a: {  	_ =	shalt  }

</sc_bundles>
